<compile_context>
chip_gen: v7x
topology: tpu7x:2x2x1
jax: 0.10.2.dev20260603
libtpu: 0.0.44.dev20260713+nightly
codegen_flags: <defaults>
</compile_context>

<pallas_src>
import functools

import jax
import jax.numpy as jnp
from jax import lax
from jax.experimental import pallas as pl
from jax.experimental.pallas import tpu as pltpu
from jax.experimental.pallas import tpu_sc as plsc

B = 4
N = 8192
C = 16
NPOINT = 1024
NSAMPLE = 32

_NROW, _NCOL = 64, 128
_PROW, _PCOL = 8, 128
_MT = 128



def _lexmax(pa, pb):
    da, ia, xa, ya, za = pa
    db, ib, xb, yb, zb = pb
    take = (db > da) | ((db == da) & (ib < ia))
    return (jnp.where(take, db, da), jnp.where(take, ib, ia),
            jnp.where(take, xb, xa), jnp.where(take, yb, ya),
            jnp.where(take, zb, za))


def _argmax_tree4(ps):
    r = _NROW
    while r > 8:
        h = r // 2
        ps = [_lexmax(tuple(a[:h] for a in p), tuple(a[h:r] for a in p))
              for p in ps]
        r = h
    for axis, size in ((0, 8), (1, _NCOL)):
        w = 1
        while w < size:
            ps = [_lexmax(p, tuple(pltpu.roll(a, w, axis) for a in p))
                  for p in ps]
            w *= 2
    return [tuple(a[0:1, 0:1] for a in p) for p in ps]


def _fps_body(x_ref, y_ref, z_ref, nx_ref, ny_ref, nz_ref, fi_ref):
    iota_n = (lax.broadcasted_iota(jnp.int32, (_NROW, _NCOL), 0) * _NCOL
              + lax.broadcasted_iota(jnp.int32, (_NROW, _NCOL), 1))
    iota_p = (lax.broadcasted_iota(jnp.int32, (_PROW, _PCOL), 0) * _PCOL
              + lax.broadcasted_iota(jnp.int32, (_PROW, _PCOL), 1))

    def body(i, state):
        onehot_p = iota_p == i
        dists_new, coords = [], []
        for b in range(B):
            dists, far, cxv, cyv, czv = state[b]
            x = x_ref[b]
            y = y_ref[b]
            z = z_ref[b]
            fi_ref[b] = jnp.where(onehot_p, far, fi_ref[b])
            nx_ref[b] = jnp.where(onehot_p, cxv, nx_ref[b])
            ny_ref[b] = jnp.where(onehot_p, cyv, ny_ref[b])
            nz_ref[b] = jnp.where(onehot_p, czv, nz_ref[b])
            dx = x - cxv
            dy = y - cyv
            dz = z - czv
            d = dx * dx + dy * dy + dz * dz
            dists_new.append(jnp.minimum(dists, d))
            coords.append((x, y, z))
        winners = _argmax_tree4(
            [(dists_new[b], iota_n) + coords[b] for b in range(B)])
        return tuple(
            (dists_new[b],) + winners[b][1:] for b in range(B))

    init = tuple(
        (jnp.full((_NROW, _NCOL), 1e10, jnp.float32),
         jnp.zeros((1, 1), jnp.int32),
         x_ref[b][0:1, 0:1], y_ref[b][0:1, 0:1], z_ref[b][0:1, 0:1])
        for b in range(B))
    lax.fori_loop(0, NPOINT, body, init)


def _fps(xr, yr, zr, interpret=False):
    out = pl.pallas_call(
        _fps_body,
        out_shape=(
            jax.ShapeDtypeStruct((B, _PROW, _PCOL), jnp.float32),
            jax.ShapeDtypeStruct((B, _PROW, _PCOL), jnp.float32),
            jax.ShapeDtypeStruct((B, _PROW, _PCOL), jnp.float32),
            jax.ShapeDtypeStruct((B, _PROW, _PCOL), jnp.int32),
        ),
        interpret=interpret,
    )(xr, yr, zr)
    return out



def _knn_body(xyzt_ref, new_ref, idx_ref, gidx_ref, sq_ref):
    b = pl.program_id(0)
    xt = xyzt_ref[0]
    nw = new_ref[0]
    x = xt[0:1, :]
    y = xt[1:2, :]
    z = xt[2:3, :]
    n_xyz = x * x + (y * y + z * z)
    nwx = nw[:, 0:1]
    nwy = nw[:, 1:2]
    nwz = nw[:, 2:3]
    n_new = nwx * nwx + nwy * nwy + nwz * nwz
    dot = jnp.dot(nw.astype(jnp.bfloat16), xt.astype(jnp.bfloat16),
                  preferred_element_type=jnp.float32)
    sq_ref[:, :] = (n_new + n_xyz) - 2.0 * dot

    iota_c = lax.broadcasted_iota(jnp.int32, (_MT, N), 1)
    iota_s = lax.broadcasted_iota(jnp.int32, (_MT, NSAMPLE), 1)

    def jbody(j, carry):
        aj_prev, acc = carry
        sq = sq_ref[:, :]
        sqm = jnp.where(iota_c == aj_prev, jnp.float32(jnp.inf), sq)
        sq_ref[:, :] = sqm
        mn = jnp.min(sqm, axis=1, keepdims=True)
        cand = jnp.where(sqm == mn, iota_c, jnp.int32(N))
        aj = jnp.min(cand, axis=1, keepdims=True)
        return aj, jnp.where(iota_s == j, aj, acc)

    _, acc = lax.fori_loop(
        0, NSAMPLE, jbody,
        (jnp.full((_MT, 1), N + 1, jnp.int32),
         jnp.zeros((_MT, NSAMPLE), jnp.int32)))
    idx_ref[0] = acc
    gidx_ref[0] = acc + b * N


def _knn(xyzt, new_xyz, interpret=False):
    grid = (B, NPOINT // _MT)
    return pl.pallas_call(
        _knn_body,
        grid=grid,
        in_specs=[
            pl.BlockSpec((1, 3, N), lambda b, m: (b, 0, 0)),
            pl.BlockSpec((1, _MT, 3), lambda b, m: (b, m, 0)),
        ],
        out_specs=(
            pl.BlockSpec((1, _MT, NSAMPLE), lambda b, m: (b, m, 0)),
            pl.BlockSpec((1, _MT, NSAMPLE), lambda b, m: (b, m, 0)),
        ),
        out_shape=(
            jax.ShapeDtypeStruct((B, NPOINT, NSAMPLE), jnp.int32),
            jax.ShapeDtypeStruct((B, NPOINT, NSAMPLE), jnp.int32),
        ),
        scratch_shapes=[pltpu.VMEM((_MT, N), jnp.float32)],
        interpret=interpret,
    )(xyzt, new_xyz)



_NW = 32
_ROWS = B * NPOINT * NSAMPLE
_RPT = _ROWS // _NW
_CPT = (B * NPOINT) // _NW
_CHUNK = 128
_NCH = _RPT // _CHUNK


def _group_sc(table, gidx2, ctab):
    mesh = plsc.VectorSubcoreMesh(core_axis_name="c", subcore_axis_name="s")

    @functools.partial(
        pl.kernel,
        out_type=jax.ShapeDtypeStruct((_ROWS, C), jnp.float32),
        mesh=mesh,
        compiler_params=pltpu.CompilerParams(use_tc_tiling_on_sc=False),
        scratch_types=[
            pltpu.VMEM((_NCH, _CHUNK), jnp.int32),
            pltpu.VMEM((_RPT, C), jnp.float32),
            pltpu.VMEM((_CPT, C), jnp.float32),
            pltpu.SemaphoreType.DMA,
        ],
    )
    def k(table_hbm, gidx_hbm, ctab_hbm, out_hbm, idx_v, rows_v, cent_v, sem):
        wid = lax.axis_index("s") * 2 + lax.axis_index("c")
        pltpu.sync_copy(gidx_hbm.at[pl.ds(wid * _NCH, _NCH)], idx_v)
        pltpu.sync_copy(ctab_hbm.at[pl.ds(wid * _CPT, _CPT)], cent_v)
        for g in range(0, _NCH, 16):
            copies = [
                pltpu.async_copy(
                    table_hbm.at[idx_v.at[j]],
                    rows_v.at[pl.ds(j * _CHUNK, _CHUNK)],
                    sem,
                )
                for j in range(g, g + 16)
            ]
            for cp in copies:
                cp.wait()

        def sub_body(r, carry):
            cen = cent_v[lax.shift_right_logical(r, 5)]
            rows_v[r] = rows_v[r] - cen
            return carry

        lax.fori_loop(0, _RPT, sub_body, 0)
        pltpu.sync_copy(rows_v, out_hbm.at[pl.ds(wid * _RPT, _RPT)])

    return k(table, gidx2, ctab)



def kernel(inputs):
    xyz = inputs[:, :, 0:3]
    xr = inputs[:, :, 0].reshape(B, _NROW, _NCOL)
    yr = inputs[:, :, 1].reshape(B, _NROW, _NCOL)
    zr = inputs[:, :, 2].reshape(B, _NROW, _NCOL)

    nx, ny, nz, _ = _fps(xr, yr, zr)
    new_xyz = jnp.stack(
        [nx.reshape(B, NPOINT), ny.reshape(B, NPOINT), nz.reshape(B, NPOINT)],
        axis=-1)

    xyzt = xyz.transpose(0, 2, 1)
    idx, gidx = _knn(xyzt, new_xyz)

    table = inputs.reshape(B * N, C)
    gidx2 = gidx.reshape(_ROWS // _CHUNK, _CHUNK)
    ctab = jnp.concatenate(
        [new_xyz.reshape(B * NPOINT, 3),
         jnp.zeros((B * NPOINT, C - 3), jnp.float32)], axis=1)

    flat = _group_sc(table, gidx2, ctab)
    new_points = flat.reshape(B, NPOINT, NSAMPLE, C)
    grouped_xyz = new_points[..., 0:3]
    return new_xyz, new_points, idx, grouped_xyz

# --- scband reference (transcript-rebuilt; emitter-appended) ---
"""Pipeline reference for scband-sample-and-group-7842610283202 (READ-ONLY COPY).

The authoritative reference and input builder live on the scoring server;
editing this copy changes nothing except your own understanding.
"""

import jax, jax.numpy as jnp
import numpy as np

NPOINT = 1024
NSAMPLE = 32


def farthest_point_sample(npoint, xyz):
    B, N, _ = xyz.shape

    def body(i, state):
        idxs, dists, farthest = state
        idxs = idxs.at[:, i].set(farthest)
        centroid = jnp.take_along_axis(xyz, farthest[:, None, None], axis=1)  # [B,1,3]
        d = jnp.sum((xyz - centroid) ** 2, axis=-1)  # [B,N]
        dists = jnp.minimum(dists, d)
        farthest = jnp.argmax(dists, axis=-1).astype(jnp.int32)
        return idxs, dists, farthest

    idxs0 = jnp.zeros((B, npoint), jnp.int32)
    dists0 = jnp.full((B, N), 1e10, xyz.dtype)
    far0 = jnp.zeros((B,), jnp.int32)
    idxs, _, _ = jax.lax.fori_loop(0, npoint, body, (idxs0, dists0, far0))
    return idxs


def gather_point(xyz, idx):
    # xyz [B,N,3], idx [B,npoint] -> [B,npoint,3]
    return jnp.take_along_axis(xyz, idx[..., None], axis=1)


def knn_point(nsample, xyz, new_xyz):
    # squared distances [B,npoint,N] via ||a||^2+||b||^2-2ab
    sq = (jnp.sum(new_xyz ** 2, axis=-1)[:, :, None]
          + jnp.sum(xyz ** 2, axis=-1)[:, None, :]
          - 2.0 * jnp.einsum('bmd,bnd->bmn', new_xyz, xyz))
    neg_d, idx = jax.lax.top_k(-sq, nsample)
    return -neg_d, idx.astype(jnp.int32)


def group_point(points, idx):
    # points [B,N,C], idx [B,npoint,nsample] -> [B,npoint,nsample,C]
    return jax.vmap(lambda p, i: p[i])(points, idx)


def setup_inputs(seed: int = 0) -> dict:
    key = jax.random.key(seed)
    inputs = jax.random.normal(key, (4, 8192, 16), dtype=jnp.float32)
    return {"inputs": inputs}


def reference(inputs):
    xyz = inputs[:, :, 0:3]
    points = inputs[:, :, 3:]
    fps_idx = farthest_point_sample(NPOINT, xyz)
    new_xyz = gather_point(xyz, fps_idx)  # [B,npoint,3]
    _, idx = knn_point(NSAMPLE, xyz, new_xyz)  # [B,npoint,nsample]
    grouped_xyz = group_point(xyz, idx)  # [B,npoint,nsample,3]
    grouped_xyz = grouped_xyz - new_xyz[:, :, None, :]
    grouped_points = group_point(points, idx)  # [B,npoint,nsample,C]
    new_points = jnp.concatenate([grouped_xyz, grouped_points], axis=-1)
    return new_xyz, new_points, idx, grouped_xyz

if __name__ == "__main__":
    import jax
    _d = setup_inputs()
    print(jax.jit(kernel)(*tuple(_d.values())))

</pallas_src>

<mosaic_0001>
#map = affine_map<(d0, d1) -> (0, 0)>
module attributes {stable_mosaic.version = 14 : i64} {
  func.func @k(%arg0: i32, %arg1: i32, %arg2: memref<32768x16xf32, #tpu.memory_space<hbm>>, %arg3: memref<1024x128xi32, #tpu.memory_space<hbm>>, %arg4: memref<4096x16xf32, #tpu.memory_space<hbm>>, %arg5: memref<131072x16xf32, #tpu.memory_space<hbm>>, %arg6: memref<32x128xi32, #tpu.memory_space<vmem>>, %arg7: memref<4096x16xf32, #tpu.memory_space<vmem>>, %arg8: memref<128x16xf32, #tpu.memory_space<vmem>>, %arg9: memref<!tpu.dma_semaphore, #tpu.memory_space<semaphore_mem>>) attributes {dimension_semantics = [#tpu.dimension_semantics<core_parallel>, #tpu.dimension_semantics<subcore_parallel>], iteration_bounds = array<i64: 2, 16>, scalar_prefetch = 0 : i64, scratch_operands = 4 : i64, tpu.core_type = #tpu.core_type<sc_vector_subcore>, window_params = [{transform_indices = #map}, {transform_indices = #map}, {transform_indices = #map}, {transform_indices = #map}]} {
    %mul3A = arith.constant 2 : i32
    %mul3A_0 = arith.muli %arg1, %mul3A : i32
    %add3A = arith.addi %mul3A_0, %arg0 : i32
    %mul3A_1 = arith.constant 32 : i32
    %mul3A_2 = arith.muli %add3A, %mul3A_1 : i32
    "tpu.region"() ({
      %run_scoped3A = tpu.sem_alloc : memref<!tpu.dma_semaphore, #tpu.memory_space<semaphore_mem>>
      %dma_start3A_650 = arith.constant 0 : i32
      %dma_start3A_651 = tpu.memref_slice %arg3[%mul3A_2, %dma_start3A_650] : memref<1024x128xi32, #tpu.memory_space<hbm>> -> memref<32x128xi32, #tpu.memory_space<hbm>>
      %dma_start3A_652 = arith.constant 0 : i32
      %dma_start3A_653 = tpu.memref_slice %arg3[%mul3A_2, %dma_start3A_652] : memref<1024x128xi32, #tpu.memory_space<hbm>> -> memref<32x128xi32, #tpu.memory_space<hbm>>
      tpu.enqueue_dma source(%dma_start3A_653 : memref<32x128xi32, #tpu.memory_space<hbm>>) target(%arg6 : memref<32x128xi32, #tpu.memory_space<vmem>>) target_semaphore(%run_scoped3A : memref<!tpu.dma_semaphore, #tpu.memory_space<semaphore_mem>>)
      %dma_wait3A_654 = arith.constant 0 : i32
      %dma_wait3A_655 = tpu.memref_slice %arg3[%mul3A_2, %dma_wait3A_654] : memref<1024x128xi32, #tpu.memory_space<hbm>> -> memref<32x128xi32, #tpu.memory_space<hbm>>
      %dma_wait3A_656 = arith.constant 0 : i32
      %dma_wait3A_657 = tpu.memref_slice %arg3[%mul3A_2, %dma_wait3A_656] : memref<1024x128xi32, #tpu.memory_space<hbm>> -> memref<32x128xi32, #tpu.memory_space<hbm>>
      tpu.wait_dma2 semaphore(%run_scoped3A : memref<!tpu.dma_semaphore, #tpu.memory_space<semaphore_mem>>) src(%dma_wait3A_657 : memref<32x128xi32, #tpu.memory_space<hbm>>) dst(%arg6 : memref<32x128xi32, #tpu.memory_space<vmem>>)
      tpu.yield
    }) : () -> ()
    %mul3A_3 = arith.constant 128 : i32
    %mul3A_4 = arith.muli %add3A, %mul3A_3 : i32
    "tpu.region"() ({
      %run_scoped3A = tpu.sem_alloc : memref<!tpu.dma_semaphore, #tpu.memory_space<semaphore_mem>>
      %dma_start3A_650 = arith.constant 0 : i32
      %dma_start3A_651 = tpu.memref_slice %arg4[%mul3A_4, %dma_start3A_650] : memref<4096x16xf32, #tpu.memory_space<hbm>> -> memref<128x16xf32, #tpu.memory_space<hbm>>
      %dma_start3A_652 = arith.constant 0 : i32
      %dma_start3A_653 = tpu.memref_slice %arg4[%mul3A_4, %dma_start3A_652] : memref<4096x16xf32, #tpu.memory_space<hbm>> -> memref<128x16xf32, #tpu.memory_space<hbm>>
      tpu.enqueue_dma source(%dma_start3A_653 : memref<128x16xf32, #tpu.memory_space<hbm>>) target(%arg8 : memref<128x16xf32, #tpu.memory_space<vmem>>) target_semaphore(%run_scoped3A : memref<!tpu.dma_semaphore, #tpu.memory_space<semaphore_mem>>)
      %dma_wait3A_654 = arith.constant 0 : i32
      %dma_wait3A_655 = tpu.memref_slice %arg4[%mul3A_4, %dma_wait3A_654] : memref<4096x16xf32, #tpu.memory_space<hbm>> -> memref<128x16xf32, #tpu.memory_space<hbm>>
      %dma_wait3A_656 = arith.constant 0 : i32
      %dma_wait3A_657 = tpu.memref_slice %arg4[%mul3A_4, %dma_wait3A_656] : memref<4096x16xf32, #tpu.memory_space<hbm>> -> memref<128x16xf32, #tpu.memory_space<hbm>>
      tpu.wait_dma2 semaphore(%run_scoped3A : memref<!tpu.dma_semaphore, #tpu.memory_space<semaphore_mem>>) src(%dma_wait3A_657 : memref<128x16xf32, #tpu.memory_space<hbm>>) dst(%arg8 : memref<128x16xf32, #tpu.memory_space<vmem>>)
      tpu.yield
    }) : () -> ()
    %dma_start3A = arith.constant 0 : i32
    %dma_start3A_5 = arith.constant 0 : i32
    %dma_start3A_6 = arith.constant 0 : i32
    %dma_start3A_7 = tpu.memref_slice %arg7[%dma_start3A_5, %dma_start3A_6] : memref<4096x16xf32, #tpu.memory_space<vmem>> -> memref<128x16xf32, #tpu.memory_space<vmem>>
    %dma_start3A_8 = arith.constant 0 : i32
    %dma_start3A_9 = tpu.memref_slice %arg6[%dma_start3A, %dma_start3A_8] : memref<32x128xi32, #tpu.memory_space<vmem>> -> memref<1x128xi32, #tpu.memory_space<vmem>>
    %dma_start3A_10 = tpu.memref_squeeze %dma_start3A_9 : memref<1x128xi32, #tpu.memory_space<vmem>> -> memref<128xi32, #tpu.memory_space<vmem>>
    %dma_start3A_11 = arith.constant 0 : i32
    %dma_start3A_12 = arith.constant 0 : i32
    %dma_start3A_13 = tpu.memref_slice %arg2[%dma_start3A_11, %dma_start3A_12] : memref<32768x16xf32, #tpu.memory_space<hbm>> -> memref<32768x16xf32, #tpu.memory_space<hbm>>
    tpu.enqueue_indirect_dma source(%dma_start3A_13 : memref<32768x16xf32, #tpu.memory_space<hbm>>) target(%dma_start3A_7 : memref<128x16xf32, #tpu.memory_space<vmem>>) offsets(%dma_start3A_10 : memref<128xi32, #tpu.memory_space<vmem>>) semaphore(%arg9 : memref<!tpu.dma_semaphore, #tpu.memory_space<semaphore_mem>>)
    %dma_start3A_14 = arith.constant 1 : i32
    %dma_start3A_15 = arith.constant 128 : i32
    %dma_start3A_16 = arith.constant 0 : i32
    %dma_start3A_17 = tpu.memref_slice %arg7[%dma_start3A_15, %dma_start3A_16] : memref<4096x16xf32, #tpu.memory_space<vmem>> -> memref<128x16xf32, #tpu.memory_space<vmem>>
    %dma_start3A_18 = arith.constant 0 : i32
    %dma_start3A_19 = tpu.memref_slice %arg6[%dma_start3A_14, %dma_start3A_18] : memref<32x128xi32, #tpu.memory_space<vmem>> -> memref<1x128xi32, #tpu.memory_space<vmem>>
    %dma_start3A_20 = tpu.memref_squeeze %dma_start3A_19 : memref<1x128xi32, #tpu.memory_space<vmem>> -> memref<128xi32, #tpu.memory_space<vmem>>
    %dma_start3A_21 = arith.constant 0 : i32
    %dma_start3A_22 = arith.constant 0 : i32
    %dma_start3A_23 = tpu.memref_slice %arg2[%dma_start3A_21, %dma_start3A_22] : memref<32768x16xf32, #tpu.memory_space<hbm>> -> memref<32768x16xf32, #tpu.memory_space<hbm>>
    tpu.enqueue_indirect_dma source(%dma_start3A_23 : memref<32768x16xf32, #tpu.memory_space<hbm>>) target(%dma_start3A_17 : memref<128x16xf32, #tpu.memory_space<vmem>>) offsets(%dma_start3A_20 : memref<128xi32, #tpu.memory_space<vmem>>) semaphore(%arg9 : memref<!tpu.dma_semaphore, #tpu.memory_space<semaphore_mem>>)
    %dma_start3A_24 = arith.constant 2 : i32
    %dma_start3A_25 = arith.constant 256 : i32
    %dma_start3A_26 = arith.constant 0 : i32
    %dma_start3A_27 = tpu.memref_slice %arg7[%dma_start3A_25, %dma_start3A_26] : memref<4096x16xf32, #tpu.memory_space<vmem>> -> memref<128x16xf32, #tpu.memory_space<vmem>>
    %dma_start3A_28 = arith.constant 0 : i32
    %dma_start3A_29 = tpu.memref_slice %arg6[%dma_start3A_24, %dma_start3A_28] : memref<32x128xi32, #tpu.memory_space<vmem>> -> memref<1x128xi32, #tpu.memory_space<vmem>>
    %dma_start3A_30 = tpu.memref_squeeze %dma_start3A_29 : memref<1x128xi32, #tpu.memory_space<vmem>> -> memref<128xi32, #tpu.memory_space<vmem>>
    %dma_start3A_31 = arith.constant 0 : i32
    %dma_start3A_32 = arith.constant 0 : i32
    %dma_start3A_33 = tpu.memref_slice %arg2[%dma_start3A_31, %dma_start3A_32] : memref<32768x16xf32, #tpu.memory_space<hbm>> -> memref<32768x16xf32, #tpu.memory_space<hbm>>
    tpu.enqueue_indirect_dma source(%dma_start3A_33 : memref<32768x16xf32, #tpu.memory_space<hbm>>) target(%dma_start3A_27 : memref<128x16xf32, #tpu.memory_space<vmem>>) offsets(%dma_start3A_30 : memref<128xi32, #tpu.memory_space<vmem>>) semaphore(%arg9 : memref<!tpu.dma_semaphore, #tpu.memory_space<semaphore_mem>>)
    %dma_start3A_34 = arith.constant 3 : i32
    %dma_start3A_35 = arith.constant 384 : i32
    %dma_start3A_36 = arith.constant 0 : i32
    %dma_start3A_37 = tpu.memref_slice %arg7[%dma_start3A_35, %dma_start3A_36] : memref<4096x16xf32, #tpu.memory_space<vmem>> -> memref<128x16xf32, #tpu.memory_space<vmem>>
    %dma_start3A_38 = arith.constant 0 : i32
    %dma_start3A_39 = tpu.memref_slice %arg6[%dma_start3A_34, %dma_start3A_38] : memref<32x128xi32, #tpu.memory_space<vmem>> -> memref<1x128xi32, #tpu.memory_space<vmem>>
    %dma_start3A_40 = tpu.memref_squeeze %dma_start3A_39 : memref<1x128xi32, #tpu.memory_space<vmem>> -> memref<128xi32, #tpu.memory_space<vmem>>
    %dma_start3A_41 = arith.constant 0 : i32
    %dma_start3A_42 = arith.constant 0 : i32
    %dma_start3A_43 = tpu.memref_slice %arg2[%dma_start3A_41, %dma_start3A_42] : memref<32768x16xf32, #tpu.memory_space<hbm>> -> memref<32768x16xf32, #tpu.memory_space<hbm>>
    tpu.enqueue_indirect_dma source(%dma_start3A_43 : memref<32768x16xf32, #tpu.memory_space<hbm>>) target(%dma_start3A_37 : memref<128x16xf32, #tpu.memory_space<vmem>>) offsets(%dma_start3A_40 : memref<128xi32, #tpu.memory_space<vmem>>) semaphore(%arg9 : memref<!tpu.dma_semaphore, #tpu.memory_space<semaphore_mem>>)
    %dma_start3A_44 = arith.constant 4 : i32
    %dma_start3A_45 = arith.constant 512 : i32
    %dma_start3A_46 = arith.constant 0 : i32
    %dma_start3A_47 = tpu.memref_slice %arg7[%dma_start3A_45, %dma_start3A_46] : memref<4096x16xf32, #tpu.memory_space<vmem>> -> memref<128x16xf32, #tpu.memory_space<vmem>>
    %dma_start3A_48 = arith.constant 0 : i32
    %dma_start3A_49 = tpu.memref_slice %arg6[%dma_start3A_44, %dma_start3A_48] : memref<32x128xi32, #tpu.memory_space<vmem>> -> memref<1x128xi32, #tpu.memory_space<vmem>>
    %dma_start3A_50 = tpu.memref_squeeze %dma_start3A_49 : memref<1x128xi32, #tpu.memory_space<vmem>> -> memref<128xi32, #tpu.memory_space<vmem>>
    %dma_start3A_51 = arith.constant 0 : i32
    %dma_start3A_52 = arith.constant 0 : i32
    %dma_start3A_53 = tpu.memref_slice %arg2[%dma_start3A_51, %dma_start3A_52] : memref<32768x16xf32, #tpu.memory_space<hbm>> -> memref<32768x16xf32, #tpu.memory_space<hbm>>
    tpu.enqueue_indirect_dma source(%dma_start3A_53 : memref<32768x16xf32, #tpu.memory_space<hbm>>) target(%dma_start3A_47 : memref<128x16xf32, #tpu.memory_space<vmem>>) offsets(%dma_start3A_50 : memref<128xi32, #tpu.memory_space<vmem>>) semaphore(%arg9 : memref<!tpu.dma_semaphore, #tpu.memory_space<semaphore_mem>>)
    %dma_start3A_54 = arith.constant 5 : i32
    %dma_start3A_55 = arith.constant 640 : i32
    %dma_start3A_56 = arith.constant 0 : i32
    %dma_start3A_57 = tpu.memref_slice %arg7[%dma_start3A_55, %dma_start3A_56] : memref<4096x16xf32, #tpu.memory_space<vmem>> -> memref<128x16xf32, #tpu.memory_space<vmem>>
    %dma_start3A_58 = arith.constant 0 : i32
    %dma_start3A_59 = tpu.memref_slice %arg6[%dma_start3A_54, %dma_start3A_58] : memref<32x128xi32, #tpu.memory_space<vmem>> -> memref<1x128xi32, #tpu.memory_space<vmem>>
    %dma_start3A_60 = tpu.memref_squeeze %dma_start3A_59 : memref<1x128xi32, #tpu.memory_space<vmem>> -> memref<128xi32, #tpu.memory_space<vmem>>
    %dma_start3A_61 = arith.constant 0 : i32
    %dma_start3A_62 = arith.constant 0 : i32
    %dma_start3A_63 = tpu.memref_slice %arg2[%dma_start3A_61, %dma_start3A_62] : memref<32768x16xf32, #tpu.memory_space<hbm>> -> memref<32768x16xf32, #tpu.memory_space<hbm>>
    tpu.enqueue_indirect_dma source(%dma_start3A_63 : memref<32768x16xf32, #tpu.memory_space<hbm>>) target(%dma_start3A_57 : memref<128x16xf32, #tpu.memory_space<vmem>>) offsets(%dma_start3A_60 : memref<128xi32, #tpu.memory_space<vmem>>) semaphore(%arg9 : memref<!tpu.dma_semaphore, #tpu.memory_space<semaphore_mem>>)
    %dma_start3A_64 = arith.constant 6 : i32
    %dma_start3A_65 = arith.constant 768 : i32
    %dma_start3A_66 = arith.constant 0 : i32
    %dma_start3A_67 = tpu.memref_slice %arg7[%dma_start3A_65, %dma_start3A_66] : memref<4096x16xf32, #tpu.memory_space<vmem>> -> memref<128x16xf32, #tpu.memory_space<vmem>>
    %dma_start3A_68 = arith.constant 0 : i32
    %dma_start3A_69 = tpu.memref_slice %arg6[%dma_start3A_64, %dma_start3A_68] : memref<32x128xi32, #tpu.memory_space<vmem>> -> memref<1x128xi32, #tpu.memory_space<vmem>>
    %dma_start3A_70 = tpu.memref_squeeze %dma_start3A_69 : memref<1x128xi32, #tpu.memory_space<vmem>> -> memref<128xi32, #tpu.memory_space<vmem>>
    %dma_start3A_71 = arith.constant 0 : i32
    %dma_start3A_72 = arith.constant 0 : i32
    %dma_start3A_73 = tpu.memref_slice %arg2[%dma_start3A_71, %dma_start3A_72] : memref<32768x16xf32, #tpu.memory_space<hbm>> -> memref<32768x16xf32, #tpu.memory_space<hbm>>
    tpu.enqueue_indirect_dma source(%dma_start3A_73 : memref<32768x16xf32, #tpu.memory_space<hbm>>) target(%dma_start3A_67 : memref<128x16xf32, #tpu.memory_space<vmem>>) offsets(%dma_start3A_70 : memref<128xi32, #tpu.memory_space<vmem>>) semaphore(%arg9 : memref<!tpu.dma_semaphore, #tpu.memory_space<semaphore_mem>>)
    %dma_start3A_74 = arith.constant 7 : i32
    %dma_start3A_75 = arith.constant 896 : i32
    %dma_start3A_76 = arith.constant 0 : i32
    %dma_start3A_77 = tpu.memref_slice %arg7[%dma_start3A_75, %dma_start3A_76] : memref<4096x16xf32, #tpu.memory_space<vmem>> -> memref<128x16xf32, #tpu.memory_space<vmem>>
    %dma_start3A_78 = arith.constant 0 : i32
    %dma_start3A_79 = tpu.memref_slice %arg6[%dma_start3A_74, %dma_start3A_78] : memref<32x128xi32, #tpu.memory_space<vmem>> -> memref<1x128xi32, #tpu.memory_space<vmem>>
    %dma_start3A_80 = tpu.memref_squeeze %dma_start3A_79 : memref<1x128xi32, #tpu.memory_space<vmem>> -> memref<128xi32, #tpu.memory_space<vmem>>
    %dma_start3A_81 = arith.constant 0 : i32
    %dma_start3A_82 = arith.constant 0 : i32
    %dma_start3A_83 = tpu.memref_slice %arg2[%dma_start3A_81, %dma_start3A_82] : memref<32768x16xf32, #tpu.memory_space<hbm>> -> memref<32768x16xf32, #tpu.memory_space<hbm>>
    tpu.enqueue_indirect_dma source(%dma_start3A_83 : memref<32768x16xf32, #tpu.memory_space<hbm>>) target(%dma_start3A_77 : memref<128x16xf32, #tpu.memory_space<vmem>>) offsets(%dma_start3A_80 : memref<128xi32, #tpu.memory_space<vmem>>) semaphore(%arg9 : memref<!tpu.dma_semaphore, #tpu.memory_space<semaphore_mem>>)
    %dma_start3A_84 = arith.constant 8 : i32
    %dma_start3A_85 = arith.constant 1024 : i32
    %dma_start3A_86 = arith.constant 0 : i32
    %dma_start3A_87 = tpu.memref_slice %arg7[%dma_start3A_85, %dma_start3A_86] : memref<4096x16xf32, #tpu.memory_space<vmem>> -> memref<128x16xf32, #tpu.memory_space<vmem>>
    %dma_start3A_88 = arith.constant 0 : i32
    %dma_start3A_89 = tpu.memref_slice %arg6[%dma_start3A_84, %dma_start3A_88] : memref<32x128xi32, #tpu.memory_space<vmem>> -> memref<1x128xi32, #tpu.memory_space<vmem>>
    %dma_start3A_90 = tpu.memref_squeeze %dma_start3A_89 : memref<1x128xi32, #tpu.memory_space<vmem>> -> memref<128xi32, #tpu.memory_space<vmem>>
    %dma_start3A_91 = arith.constant 0 : i32
    %dma_start3A_92 = arith.constant 0 : i32
    %dma_start3A_93 = tpu.memref_slice %arg2[%dma_start3A_91, %dma_start3A_92] : memref<32768x16xf32, #tpu.memory_space<hbm>> -> memref<32768x16xf32, #tpu.memory_space<hbm>>
    tpu.enqueue_indirect_dma source(%dma_start3A_93 : memref<32768x16xf32, #tpu.memory_space<hbm>>) target(%dma_start3A_87 : memref<128x16xf32, #tpu.memory_space<vmem>>) offsets(%dma_start3A_90 : memref<128xi32, #tpu.memory_space<vmem>>) semaphore(%arg9 : memref<!tpu.dma_semaphore, #tpu.memory_space<semaphore_mem>>)
    %dma_start3A_94 = arith.constant 9 : i32
    %dma_start3A_95 = arith.constant 1152 : i32
    %dma_start3A_96 = arith.constant 0 : i32
    %dma_start3A_97 = tpu.memref_slice %arg7[%dma_start3A_95, %dma_start3A_96] : memref<4096x16xf32, #tpu.memory_space<vmem>> -> memref<128x16xf32, #tpu.memory_space<vmem>>
    %dma_start3A_98 = arith.constant 0 : i32
    %dma_start3A_99 = tpu.memref_slice %arg6[%dma_start3A_94, %dma_start3A_98] : memref<32x128xi32, #tpu.memory_space<vmem>> -> memref<1x128xi32, #tpu.memory_space<vmem>>
    %dma_start3A_100 = tpu.memref_squeeze %dma_start3A_99 : memref<1x128xi32, #tpu.memory_space<vmem>> -> memref<128xi32, #tpu.memory_space<vmem>>
    %dma_start3A_101 = arith.constant 0 : i32
    %dma_start3A_102 = arith.constant 0 : i32
    %dma_start3A_103 = tpu.memref_slice %arg2[%dma_start3A_101, %dma_start3A_102] : memref<32768x16xf32, #tpu.memory_space<hbm>> -> memref<32768x16xf32, #tpu.memory_space<hbm>>
    tpu.enqueue_indirect_dma source(%dma_start3A_103 : memref<32768x16xf32, #tpu.memory_space<hbm>>) target(%dma_start3A_97 : memref<128x16xf32, #tpu.memory_space<vmem>>) offsets(%dma_start3A_100 : memref<128xi32, #tpu.memory_space<vmem>>) semaphore(%arg9 : memref<!tpu.dma_semaphore, #tpu.memory_space<semaphore_mem>>)
    %dma_start3A_104 = arith.constant 10 : i32
    %dma_start3A_105 = arith.constant 1280 : i32
    %dma_start3A_106 = arith.constant 0 : i32
    %dma_start3A_107 = tpu.memref_slice %arg7[%dma_start3A_105, %dma_start3A_106] : memref<4096x16xf32, #tpu.memory_space<vmem>> -> memref<128x16xf32, #tpu.memory_space<vmem>>
    %dma_start3A_108 = arith.constant 0 : i32
    %dma_start3A_109 = tpu.memref_slice %arg6[%dma_start3A_104, %dma_start3A_108] : memref<32x128xi32, #tpu.memory_space<vmem>> -> memref<1x128xi32, #tpu.memory_space<vmem>>
    %dma_start3A_110 = tpu.memref_squeeze %dma_start3A_109 : memref<1x128xi32, #tpu.memory_space<vmem>> -> memref<128xi32, #tpu.memory_space<vmem>>
    %dma_start3A_111 = arith.constant 0 : i32
    %dma_start3A_112 = arith.constant 0 : i32
    %dma_start3A_113 = tpu.memref_slice %arg2[%dma_start3A_111, %dma_start3A_112] : memref<32768x16xf32, #tpu.memory_space<hbm>> -> memref<32768x16xf32, #tpu.memory_space<hbm>>
    tpu.enqueue_indirect_dma source(%dma_start3A_113 : memref<32768x16xf32, #tpu.memory_space<hbm>>) target(%dma_start3A_107 : memref<128x16xf32, #tpu.memory_space<vmem>>) offsets(%dma_start3A_110 : memref<128xi32, #tpu.memory_space<vmem>>) semaphore(%arg9 : memref<!tpu.dma_semaphore, #tpu.memory_space<semaphore_mem>>)
    %dma_start3A_114 = arith.constant 11 : i32
    %dma_start3A_115 = arith.constant 1408 : i32
    %dma_start3A_116 = arith.constant 0 : i32
    %dma_start3A_117 = tpu.memref_slice %arg7[%dma_start3A_115, %dma_start3A_116] : memref<4096x16xf32, #tpu.memory_space<vmem>> -> memref<128x16xf32, #tpu.memory_space<vmem>>
    %dma_start3A_118 = arith.constant 0 : i32
    %dma_start3A_119 = tpu.memref_slice %arg6[%dma_start3A_114, %dma_start3A_118] : memref<32x128xi32, #tpu.memory_space<vmem>> -> memref<1x128xi32, #tpu.memory_space<vmem>>
    %dma_start3A_120 = tpu.memref_squeeze %dma_start3A_119 : memref<1x128xi32, #tpu.memory_space<vmem>> -> memref<128xi32, #tpu.memory_space<vmem>>
    %dma_start3A_121 = arith.constant 0 : i32
    %dma_start3A_122 = arith.constant 0 : i32
    %dma_start3A_123 = tpu.memref_slice %arg2[%dma_start3A_121, %dma_start3A_122] : memref<32768x16xf32, #tpu.memory_space<hbm>> -> memref<32768x16xf32, #tpu.memory_space<hbm>>
    tpu.enqueue_indirect_dma source(%dma_start3A_123 : memref<32768x16xf32, #tpu.memory_space<hbm>>) target(%dma_start3A_117 : memref<128x16xf32, #tpu.memory_space<vmem>>) offsets(%dma_start3A_120 : memref<128xi32, #tpu.memory_space<vmem>>) semaphore(%arg9 : memref<!tpu.dma_semaphore, #tpu.memory_space<semaphore_mem>>)
    %dma_start3A_124 = arith.constant 12 : i32
    %dma_start3A_125 = arith.constant 1536 : i32
    %dma_start3A_126 = arith.constant 0 : i32
    %dma_start3A_127 = tpu.memref_slice %arg7[%dma_start3A_125, %dma_start3A_126] : memref<4096x16xf32, #tpu.memory_space<vmem>> -> memref<128x16xf32, #tpu.memory_space<vmem>>
    %dma_start3A_128 = arith.constant 0 : i32
    %dma_start3A_129 = tpu.memref_slice %arg6[%dma_start3A_124, %dma_start3A_128] : memref<32x128xi32, #tpu.memory_space<vmem>> -> memref<1x128xi32, #tpu.memory_space<vmem>>
    %dma_start3A_130 = tpu.memref_squeeze %dma_start3A_129 : memref<1x128xi32, #tpu.memory_space<vmem>> -> memref<128xi32, #tpu.memory_space<vmem>>
    %dma_start3A_131 = arith.constant 0 : i32
    %dma_start3A_132 = arith.constant 0 : i32
    %dma_start3A_133 = tpu.memref_slice %arg2[%dma_start3A_131, %dma_start3A_132] : memref<32768x16xf32, #tpu.memory_space<hbm>> -> memref<32768x16xf32, #tpu.memory_space<hbm>>
    tpu.enqueue_indirect_dma source(%dma_start3A_133 : memref<32768x16xf32, #tpu.memory_space<hbm>>) target(%dma_start3A_127 : memref<128x16xf32, #tpu.memory_space<vmem>>) offsets(%dma_start3A_130 : memref<128xi32, #tpu.memory_space<vmem>>) semaphore(%arg9 : memref<!tpu.dma_semaphore, #tpu.memory_space<semaphore_mem>>)
    %dma_start3A_134 = arith.constant 13 : i32
    %dma_start3A_135 = arith.constant 1664 : i32
    %dma_start3A_136 = arith.constant 0 : i32
    %dma_start3A_137 = tpu.memref_slice %arg7[%dma_start3A_135, %dma_start3A_136] : memref<4096x16xf32, #tpu.memory_space<vmem>> -> memref<128x16xf32, #tpu.memory_space<vmem>>
    %dma_start3A_138 = arith.constant 0 : i32
    %dma_start3A_139 = tpu.memref_slice %arg6[%dma_start3A_134, %dma_start3A_138] : memref<32x128xi32, #tpu.memory_space<vmem>> -> memref<1x128xi32, #tpu.memory_space<vmem>>
    %dma_start3A_140 = tpu.memref_squeeze %dma_start3A_139 : memref<1x128xi32, #tpu.memory_space<vmem>> -> memref<128xi32, #tpu.memory_space<vmem>>
    %dma_start3A_141 = arith.constant 0 : i32
    %dma_start3A_142 = arith.constant 0 : i32
    %dma_start3A_143 = tpu.memref_slice %arg2[%dma_start3A_141, %dma_start3A_142] : memref<32768x16xf32, #tpu.memory_space<hbm>> -> memref<32768x16xf32, #tpu.memory_space<hbm>>
    tpu.enqueue_indirect_dma source(%dma_start3A_143 : memref<32768x16xf32, #tpu.memory_space<hbm>>) target(%dma_start3A_137 : memref<128x16xf32, #tpu.memory_space<vmem>>) offsets(%dma_start3A_140 : memref<128xi32, #tpu.memory_space<vmem>>) semaphore(%arg9 : memref<!tpu.dma_semaphore, #tpu.memory_space<semaphore_mem>>)
    %dma_start3A_144 = arith.constant 14 : i32
    %dma_start3A_145 = arith.constant 1792 : i32
    %dma_start3A_146 = arith.constant 0 : i32
    %dma_start3A_147 = tpu.memref_slice %arg7[%dma_start3A_145, %dma_start3A_146] : memref<4096x16xf32, #tpu.memory_space<vmem>> -> memref<128x16xf32, #tpu.memory_space<vmem>>
    %dma_start3A_148 = arith.constant 0 : i32
    %dma_start3A_149 = tpu.memref_slice %arg6[%dma_start3A_144, %dma_start3A_148] : memref<32x128xi32, #tpu.memory_space<vmem>> -> memref<1x128xi32, #tpu.memory_space<vmem>>
    %dma_start3A_150 = tpu.memref_squeeze %dma_start3A_149 : memref<1x128xi32, #tpu.memory_space<vmem>> -> memref<128xi32, #tpu.memory_space<vmem>>
    %dma_start3A_151 = arith.constant 0 : i32
    %dma_start3A_152 = arith.constant 0 : i32
    %dma_start3A_153 = tpu.memref_slice %arg2[%dma_start3A_151, %dma_start3A_152] : memref<32768x16xf32, #tpu.memory_space<hbm>> -> memref<32768x16xf32, #tpu.memory_space<hbm>>
    tpu.enqueue_indirect_dma source(%dma_start3A_153 : memref<32768x16xf32, #tpu.memory_space<hbm>>) target(%dma_start3A_147 : memref<128x16xf32, #tpu.memory_space<vmem>>) offsets(%dma_start3A_150 : memref<128xi32, #tpu.memory_space<vmem>>) semaphore(%arg9 : memref<!tpu.dma_semaphore, #tpu.memory_space<semaphore_mem>>)
    %dma_start3A_154 = arith.constant 15 : i32
    %dma_start3A_155 = arith.constant 1920 : i32
    %dma_start3A_156 = arith.constant 0 : i32
    %dma_start3A_157 = tpu.memref_slice %arg7[%dma_start3A_155, %dma_start3A_156] : memref<4096x16xf32, #tpu.memory_space<vmem>> -> memref<128x16xf32, #tpu.memory_space<vmem>>
    %dma_start3A_158 = arith.constant 0 : i32
    %dma_start3A_159 = tpu.memref_slice %arg6[%dma_start3A_154, %dma_start3A_158] : memref<32x128xi32, #tpu.memory_space<vmem>> -> memref<1x128xi32, #tpu.memory_space<vmem>>
    %dma_start3A_160 = tpu.memref_squeeze %dma_start3A_159 : memref<1x128xi32, #tpu.memory_space<vmem>> -> memref<128xi32, #tpu.memory_space<vmem>>
    %dma_start3A_161 = arith.constant 0 : i32
    %dma_start3A_162 = arith.constant 0 : i32
    %dma_start3A_163 = tpu.memref_slice %arg2[%dma_start3A_161, %dma_start3A_162] : memref<32768x16xf32, #tpu.memory_space<hbm>> -> memref<32768x16xf32, #tpu.memory_space<hbm>>
    tpu.enqueue_indirect_dma source(%dma_start3A_163 : memref<32768x16xf32, #tpu.memory_space<hbm>>) target(%dma_start3A_157 : memref<128x16xf32, #tpu.memory_space<vmem>>) offsets(%dma_start3A_160 : memref<128xi32, #tpu.memory_space<vmem>>) semaphore(%arg9 : memref<!tpu.dma_semaphore, #tpu.memory_space<semaphore_mem>>)
    %dma_wait3A = arith.constant 0 : i32
    %dma_wait3A_164 = arith.constant 0 : i32
    %dma_wait3A_165 = arith.constant 0 : i32
    %dma_wait3A_166 = tpu.memref_slice %arg7[%dma_wait3A_164, %dma_wait3A_165] : memref<4096x16xf32, #tpu.memory_space<vmem>> -> memref<128x16xf32, #tpu.memory_space<vmem>>
    %dma_wait3A_167 = arith.constant 0 : i32
    %dma_wait3A_168 = tpu.memref_slice %arg6[%dma_wait3A, %dma_wait3A_167] : memref<32x128xi32, #tpu.memory_space<vmem>> -> memref<1x128xi32, #tpu.memory_space<vmem>>
    %dma_wait3A_169 = tpu.memref_squeeze %dma_wait3A_168 : memref<1x128xi32, #tpu.memory_space<vmem>> -> memref<128xi32, #tpu.memory_space<vmem>>
    %dma_wait3A_170 = arith.constant 0 : i32
    %dma_wait3A_171 = arith.constant 0 : i32
    %dma_wait3A_172 = tpu.memref_slice %arg2[%dma_wait3A_170, %dma_wait3A_171] : memref<32768x16xf32, #tpu.memory_space<hbm>> -> memref<32768x16xf32, #tpu.memory_space<hbm>>
    tpu.wait_indirect_dma semaphore(%arg9 : memref<!tpu.dma_semaphore, #tpu.memory_space<semaphore_mem>>) src(%dma_wait3A_172 : memref<32768x16xf32, #tpu.memory_space<hbm>>) dst(%dma_wait3A_166 : memref<128x16xf32, #tpu.memory_space<vmem>>)
    %dma_wait3A_173 = arith.constant 1 : i32
    %dma_wait3A_174 = arith.constant 128 : i32
    %dma_wait3A_175 = arith.constant 0 : i32
    %dma_wait3A_176 = tpu.memref_slice %arg7[%dma_wait3A_174, %dma_wait3A_175] : memref<4096x16xf32, #tpu.memory_space<vmem>> -> memref<128x16xf32, #tpu.memory_space<vmem>>
    %dma_wait3A_177 = arith.constant 0 : i32
    %dma_wait3A_178 = tpu.memref_slice %arg6[%dma_wait3A_173, %dma_wait3A_177] : memref<32x128xi32, #tpu.memory_space<vmem>> -> memref<1x128xi32, #tpu.memory_space<vmem>>
    %dma_wait3A_179 = tpu.memref_squeeze %dma_wait3A_178 : memref<1x128xi32, #tpu.memory_space<vmem>> -> memref<128xi32, #tpu.memory_space<vmem>>
    %dma_wait3A_180 = arith.constant 0 : i32
    %dma_wait3A_181 = arith.constant 0 : i32
    %dma_wait3A_182 = tpu.memref_slice %arg2[%dma_wait3A_180, %dma_wait3A_181] : memref<32768x16xf32, #tpu.memory_space<hbm>> -> memref<32768x16xf32, #tpu.memory_space<hbm>>
    tpu.wait_indirect_dma semaphore(%arg9 : memref<!tpu.dma_semaphore, #tpu.memory_space<semaphore_mem>>) src(%dma_wait3A_182 : memref<32768x16xf32, #tpu.memory_space<hbm>>) dst(%dma_wait3A_176 : memref<128x16xf32, #tpu.memory_space<vmem>>)
    %dma_wait3A_183 = arith.constant 2 : i32
    %dma_wait3A_184 = arith.constant 256 : i32
    %dma_wait3A_185 = arith.constant 0 : i32
    %dma_wait3A_186 = tpu.memref_slice %arg7[%dma_wait3A_184, %dma_wait3A_185] : memref<4096x16xf32, #tpu.memory_space<vmem>> -> memref<128x16xf32, #tpu.memory_space<vmem>>
    %dma_wait3A_187 = arith.constant 0 : i32
    %dma_wait3A_188 = tpu.memref_slice %arg6[%dma_wait3A_183, %dma_wait3A_187] : memref<32x128xi32, #tpu.memory_space<vmem>> -> memref<1x128xi32, #tpu.memory_space<vmem>>
    %dma_wait3A_189 = tpu.memref_squeeze %dma_wait3A_188 : memref<1x128xi32, #tpu.memory_space<vmem>> -> memref<128xi32, #tpu.memory_space<vmem>>
    %dma_wait3A_190 = arith.constant 0 : i32
    %dma_wait3A_191 = arith.constant 0 : i32
    %dma_wait3A_192 = tpu.memref_slice %arg2[%dma_wait3A_190, %dma_wait3A_191] : memref<32768x16xf32, #tpu.memory_space<hbm>> -> memref<32768x16xf32, #tpu.memory_space<hbm>>
    tpu.wait_indirect_dma semaphore(%arg9 : memref<!tpu.dma_semaphore, #tpu.memory_space<semaphore_mem>>) src(%dma_wait3A_192 : memref<32768x16xf32, #tpu.memory_space<hbm>>) dst(%dma_wait3A_186 : memref<128x16xf32, #tpu.memory_space<vmem>>)
    %dma_wait3A_193 = arith.constant 3 : i32
    %dma_wait3A_194 = arith.constant 384 : i32
    %dma_wait3A_195 = arith.constant 0 : i32
    %dma_wait3A_196 = tpu.memref_slice %arg7[%dma_wait3A_194, %dma_wait3A_195] : memref<4096x16xf32, #tpu.memory_space<vmem>> -> memref<128x16xf32, #tpu.memory_space<vmem>>
    %dma_wait3A_197 = arith.constant 0 : i32
    %dma_wait3A_198 = tpu.memref_slice %arg6[%dma_wait3A_193, %dma_wait3A_197] : memref<32x128xi32, #tpu.memory_space<vmem>> -> memref<1x128xi32, #tpu.memory_space<vmem>>
    %dma_wait3A_199 = tpu.memref_squeeze %dma_wait3A_198 : memref<1x128xi32, #tpu.memory_space<vmem>> -> memref<128xi32, #tpu.memory_space<vmem>>
    %dma_wait3A_200 = arith.constant 0 : i32
    %dma_wait3A_201 = arith.constant 0 : i32
    %dma_wait3A_202 = tpu.memref_slice %arg2[%dma_wait3A_200, %dma_wait3A_201] : memref<32768x16xf32, #tpu.memory_space<hbm>> -> memref<32768x16xf32, #tpu.memory_space<hbm>>
    tpu.wait_indirect_dma semaphore(%arg9 : memref<!tpu.dma_semaphore, #tpu.memory_space<semaphore_mem>>) src(%dma_wait3A_202 : memref<32768x16xf32, #tpu.memory_space<hbm>>) dst(%dma_wait3A_196 : memref<128x16xf32, #tpu.memory_space<vmem>>)
    %dma_wait3A_203 = arith.constant 4 : i32
    %dma_wait3A_204 = arith.constant 512 : i32
    %dma_wait3A_205 = arith.constant 0 : i32
    %dma_wait3A_206 = tpu.memref_slice %arg7[%dma_wait3A_204, %dma_wait3A_205] : memref<4096x16xf32, #tpu.memory_space<vmem>> -> memref<128x16xf32, #tpu.memory_space<vmem>>
    %dma_wait3A_207 = arith.constant 0 : i32
    %dma_wait3A_208 = tpu.memref_slice %arg6[%dma_wait3A_203, %dma_wait3A_207] : memref<32x128xi32, #tpu.memory_space<vmem>> -> memref<1x128xi32, #tpu.memory_space<vmem>>
    %dma_wait3A_209 = tpu.memref_squeeze %dma_wait3A_208 : memref<1x128xi32, #tpu.memory_space<vmem>> -> memref<128xi32, #tpu.memory_space<vmem>>
    %dma_wait3A_210 = arith.constant 0 : i32
    %dma_wait3A_211 = arith.constant 0 : i32
    %dma_wait3A_212 = tpu.memref_slice %arg2[%dma_wait3A_210, %dma_wait3A_211] : memref<32768x16xf32, #tpu.memory_space<hbm>> -> memref<32768x16xf32, #tpu.memory_space<hbm>>
    tpu.wait_indirect_dma semaphore(%arg9 : memref<!tpu.dma_semaphore, #tpu.memory_space<semaphore_mem>>) src(%dma_wait3A_212 : memref<32768x16xf32, #tpu.memory_space<hbm>>) dst(%dma_wait3A_206 : memref<128x16xf32, #tpu.memory_space<vmem>>)
    %dma_wait3A_213 = arith.constant 5 : i32
    %dma_wait3A_214 = arith.constant 640 : i32
    %dma_wait3A_215 = arith.constant 0 : i32
    %dma_wait3A_216 = tpu.memref_slice %arg7[%dma_wait3A_214, %dma_wait3A_215] : memref<4096x16xf32, #tpu.memory_space<vmem>> -> memref<128x16xf32, #tpu.memory_space<vmem>>
    %dma_wait3A_217 = arith.constant 0 : i32
    %dma_wait3A_218 = tpu.memref_slice %arg6[%dma_wait3A_213, %dma_wait3A_217] : memref<32x128xi32, #tpu.memory_space<vmem>> -> memref<1x128xi32, #tpu.memory_space<vmem>>
    %dma_wait3A_219 = tpu.memref_squeeze %dma_wait3A_218 : memref<1x128xi32, #tpu.memory_space<vmem>> -> memref<128xi32, #tpu.memory_space<vmem>>
    %dma_wait3A_220 = arith.constant 0 : i32
    %dma_wait3A_221 = arith.constant 0 : i32
    %dma_wait3A_222 = tpu.memref_slice %arg2[%dma_wait3A_220, %dma_wait3A_221] : memref<32768x16xf32, #tpu.memory_space<hbm>> -> memref<32768x16xf32, #tpu.memory_space<hbm>>
    tpu.wait_indirect_dma semaphore(%arg9 : memref<!tpu.dma_semaphore, #tpu.memory_space<semaphore_mem>>) src(%dma_wait3A_222 : memref<32768x16xf32, #tpu.memory_space<hbm>>) dst(%dma_wait3A_216 : memref<128x16xf32, #tpu.memory_space<vmem>>)
    %dma_wait3A_223 = arith.constant 6 : i32
    %dma_wait3A_224 = arith.constant 768 : i32
    %dma_wait3A_225 = arith.constant 0 : i32
    %dma_wait3A_226 = tpu.memref_slice %arg7[%dma_wait3A_224, %dma_wait3A_225] : memref<4096x16xf32, #tpu.memory_space<vmem>> -> memref<128x16xf32, #tpu.memory_space<vmem>>
    %dma_wait3A_227 = arith.constant 0 : i32
    %dma_wait3A_228 = tpu.memref_slice %arg6[%dma_wait3A_223, %dma_wait3A_227] : memref<32x128xi32, #tpu.memory_space<vmem>> -> memref<1x128xi32, #tpu.memory_space<vmem>>
    %dma_wait3A_229 = tpu.memref_squeeze %dma_wait3A_228 : memref<1x128xi32, #tpu.memory_space<vmem>> -> memref<128xi32, #tpu.memory_space<vmem>>
    %dma_wait3A_230 = arith.constant 0 : i32
    %dma_wait3A_231 = arith.constant 0 : i32
    %dma_wait3A_232 = tpu.memref_slice %arg2[%dma_wait3A_230, %dma_wait3A_231] : memref<32768x16xf32, #tpu.memory_space<hbm>> -> memref<32768x16xf32, #tpu.memory_space<hbm>>
    tpu.wait_indirect_dma semaphore(%arg9 : memref<!tpu.dma_semaphore, #tpu.memory_space<semaphore_mem>>) src(%dma_wait3A_232 : memref<32768x16xf32, #tpu.memory_space<hbm>>) dst(%dma_wait3A_226 : memref<128x16xf32, #tpu.memory_space<vmem>>)
    %dma_wait3A_233 = arith.constant 7 : i32
    %dma_wait3A_234 = arith.constant 896 : i32
    %dma_wait3A_235 = arith.constant 0 : i32
    %dma_wait3A_236 = tpu.memref_slice %arg7[%dma_wait3A_234, %dma_wait3A_235] : memref<4096x16xf32, #tpu.memory_space<vmem>> -> memref<128x16xf32, #tpu.memory_space<vmem>>
    %dma_wait3A_237 = arith.constant 0 : i32
    %dma_wait3A_238 = tpu.memref_slice %arg6[%dma_wait3A_233, %dma_wait3A_237] : memref<32x128xi32, #tpu.memory_space<vmem>> -> memref<1x128xi32, #tpu.memory_space<vmem>>
    %dma_wait3A_239 = tpu.memref_squeeze %dma_wait3A_238 : memref<1x128xi32, #tpu.memory_space<vmem>> -> memref<128xi32, #tpu.memory_space<vmem>>
    %dma_wait3A_240 = arith.constant 0 : i32
    %dma_wait3A_241 = arith.constant 0 : i32
    %dma_wait3A_242 = tpu.memref_slice %arg2[%dma_wait3A_240, %dma_wait3A_241] : memref<32768x16xf32, #tpu.memory_space<hbm>> -> memref<32768x16xf32, #tpu.memory_space<hbm>>
    tpu.wait_indirect_dma semaphore(%arg9 : memref<!tpu.dma_semaphore, #tpu.memory_space<semaphore_mem>>) src(%dma_wait3A_242 : memref<32768x16xf32, #tpu.memory_space<hbm>>) dst(%dma_wait3A_236 : memref<128x16xf32, #tpu.memory_space<vmem>>)
    %dma_wait3A_243 = arith.constant 8 : i32
    %dma_wait3A_244 = arith.constant 1024 : i32
    %dma_wait3A_245 = arith.constant 0 : i32
    %dma_wait3A_246 = tpu.memref_slice %arg7[%dma_wait3A_244, %dma_wait3A_245] : memref<4096x16xf32, #tpu.memory_space<vmem>> -> memref<128x16xf32, #tpu.memory_space<vmem>>
    %dma_wait3A_247 = arith.constant 0 : i32
    %dma_wait3A_248 = tpu.memref_slice %arg6[%dma_wait3A_243, %dma_wait3A_247] : memref<32x128xi32, #tpu.memory_space<vmem>> -> memref<1x128xi32, #tpu.memory_space<vmem>>
    %dma_wait3A_249 = tpu.memref_squeeze %dma_wait3A_248 : memref<1x128xi32, #tpu.memory_space<vmem>> -> memref<128xi32, #tpu.memory_space<vmem>>
    %dma_wait3A_250 = arith.constant 0 : i32
    %dma_wait3A_251 = arith.constant 0 : i32
    %dma_wait3A_252 = tpu.memref_slice %arg2[%dma_wait3A_250, %dma_wait3A_251] : memref<32768x16xf32, #tpu.memory_space<hbm>> -> memref<32768x16xf32, #tpu.memory_space<hbm>>
    tpu.wait_indirect_dma semaphore(%arg9 : memref<!tpu.dma_semaphore, #tpu.memory_space<semaphore_mem>>) src(%dma_wait3A_252 : memref<32768x16xf32, #tpu.memory_space<hbm>>) dst(%dma_wait3A_246 : memref<128x16xf32, #tpu.memory_space<vmem>>)
    %dma_wait3A_253 = arith.constant 9 : i32
    %dma_wait3A_254 = arith.constant 1152 : i32
    %dma_wait3A_255 = arith.constant 0 : i32
    %dma_wait3A_256 = tpu.memref_slice %arg7[%dma_wait3A_254, %dma_wait3A_255] : memref<4096x16xf32, #tpu.memory_space<vmem>> -> memref<128x16xf32, #tpu.memory_space<vmem>>
    %dma_wait3A_257 = arith.constant 0 : i32
    %dma_wait3A_258 = tpu.memref_slice %arg6[%dma_wait3A_253, %dma_wait3A_257] : memref<32x128xi32, #tpu.memory_space<vmem>> -> memref<1x128xi32, #tpu.memory_space<vmem>>
    %dma_wait3A_259 = tpu.memref_squeeze %dma_wait3A_258 : memref<1x128xi32, #tpu.memory_space<vmem>> -> memref<128xi32, #tpu.memory_space<vmem>>
    %dma_wait3A_260 = arith.constant 0 : i32
    %dma_wait3A_261 = arith.constant 0 : i32
    %dma_wait3A_262 = tpu.memref_slice %arg2[%dma_wait3A_260, %dma_wait3A_261] : memref<32768x16xf32, #tpu.memory_space<hbm>> -> memref<32768x16xf32, #tpu.memory_space<hbm>>
    tpu.wait_indirect_dma semaphore(%arg9 : memref<!tpu.dma_semaphore, #tpu.memory_space<semaphore_mem>>) src(%dma_wait3A_262 : memref<32768x16xf32, #tpu.memory_space<hbm>>) dst(%dma_wait3A_256 : memref<128x16xf32, #tpu.memory_space<vmem>>)
    %dma_wait3A_263 = arith.constant 10 : i32
    %dma_wait3A_264 = arith.constant 1280 : i32
    %dma_wait3A_265 = arith.constant 0 : i32
    %dma_wait3A_266 = tpu.memref_slice %arg7[%dma_wait3A_264, %dma_wait3A_265] : memref<4096x16xf32, #tpu.memory_space<vmem>> -> memref<128x16xf32, #tpu.memory_space<vmem>>
    %dma_wait3A_267 = arith.constant 0 : i32
    %dma_wait3A_268 = tpu.memref_slice %arg6[%dma_wait3A_263, %dma_wait3A_267] : memref<32x128xi32, #tpu.memory_space<vmem>> -> memref<1x128xi32, #tpu.memory_space<vmem>>
    %dma_wait3A_269 = tpu.memref_squeeze %dma_wait3A_268 : memref<1x128xi32, #tpu.memory_space<vmem>> -> memref<128xi32, #tpu.memory_space<vmem>>
    %dma_wait3A_270 = arith.constant 0 : i32
    %dma_wait3A_271 = arith.constant 0 : i32
    %dma_wait3A_272 = tpu.memref_slice %arg2[%dma_wait3A_270, %dma_wait3A_271] : memref<32768x16xf32, #tpu.memory_space<hbm>> -> memref<32768x16xf32, #tpu.memory_space<hbm>>
    tpu.wait_indirect_dma semaphore(%arg9 : memref<!tpu.dma_semaphore, #tpu.memory_space<semaphore_mem>>) src(%dma_wait3A_272 : memref<32768x16xf32, #tpu.memory_space<hbm>>) dst(%dma_wait3A_266 : memref<128x16xf32, #tpu.memory_space<vmem>>)
    %dma_wait3A_273 = arith.constant 11 : i32
    %dma_wait3A_274 = arith.constant 1408 : i32
    %dma_wait3A_275 = arith.constant 0 : i32
    %dma_wait3A_276 = tpu.memref_slice %arg7[%dma_wait3A_274, %dma_wait3A_275] : memref<4096x16xf32, #tpu.memory_space<vmem>> -> memref<128x16xf32, #tpu.memory_space<vmem>>
    %dma_wait3A_277 = arith.constant 0 : i32
    %dma_wait3A_278 = tpu.memref_slice %arg6[%dma_wait3A_273, %dma_wait3A_277] : memref<32x128xi32, #tpu.memory_space<vmem>> -> memref<1x128xi32, #tpu.memory_space<vmem>>
    %dma_wait3A_279 = tpu.memref_squeeze %dma_wait3A_278 : memref<1x128xi32, #tpu.memory_space<vmem>> -> memref<128xi32, #tpu.memory_space<vmem>>
    %dma_wait3A_280 = arith.constant 0 : i32
    %dma_wait3A_281 = arith.constant 0 : i32
    %dma_wait3A_282 = tpu.memref_slice %arg2[%dma_wait3A_280, %dma_wait3A_281] : memref<32768x16xf32, #tpu.memory_space<hbm>> -> memref<32768x16xf32, #tpu.memory_space<hbm>>
    tpu.wait_indirect_dma semaphore(%arg9 : memref<!tpu.dma_semaphore, #tpu.memory_space<semaphore_mem>>) src(%dma_wait3A_282 : memref<32768x16xf32, #tpu.memory_space<hbm>>) dst(%dma_wait3A_276 : memref<128x16xf32, #tpu.memory_space<vmem>>)
    %dma_wait3A_283 = arith.constant 12 : i32
    %dma_wait3A_284 = arith.constant 1536 : i32
    %dma_wait3A_285 = arith.constant 0 : i32
    %dma_wait3A_286 = tpu.memref_slice %arg7[%dma_wait3A_284, %dma_wait3A_285] : memref<4096x16xf32, #tpu.memory_space<vmem>> -> memref<128x16xf32, #tpu.memory_space<vmem>>
    %dma_wait3A_287 = arith.constant 0 : i32
    %dma_wait3A_288 = tpu.memref_slice %arg6[%dma_wait3A_283, %dma_wait3A_287] : memref<32x128xi32, #tpu.memory_space<vmem>> -> memref<1x128xi32, #tpu.memory_space<vmem>>
    %dma_wait3A_289 = tpu.memref_squeeze %dma_wait3A_288 : memref<1x128xi32, #tpu.memory_space<vmem>> -> memref<128xi32, #tpu.memory_space<vmem>>
    %dma_wait3A_290 = arith.constant 0 : i32
    %dma_wait3A_291 = arith.constant 0 : i32
    %dma_wait3A_292 = tpu.memref_slice %arg2[%dma_wait3A_290, %dma_wait3A_291] : memref<32768x16xf32, #tpu.memory_space<hbm>> -> memref<32768x16xf32, #tpu.memory_space<hbm>>
    tpu.wait_indirect_dma semaphore(%arg9 : memref<!tpu.dma_semaphore, #tpu.memory_space<semaphore_mem>>) src(%dma_wait3A_292 : memref<32768x16xf32, #tpu.memory_space<hbm>>) dst(%dma_wait3A_286 : memref<128x16xf32, #tpu.memory_space<vmem>>)
    %dma_wait3A_293 = arith.constant 13 : i32
    %dma_wait3A_294 = arith.constant 1664 : i32
    %dma_wait3A_295 = arith.constant 0 : i32
    %dma_wait3A_296 = tpu.memref_slice %arg7[%dma_wait3A_294, %dma_wait3A_295] : memref<4096x16xf32, #tpu.memory_space<vmem>> -> memref<128x16xf32, #tpu.memory_space<vmem>>
    %dma_wait3A_297 = arith.constant 0 : i32
    %dma_wait3A_298 = tpu.memref_slice %arg6[%dma_wait3A_293, %dma_wait3A_297] : memref<32x128xi32, #tpu.memory_space<vmem>> -> memref<1x128xi32, #tpu.memory_space<vmem>>
    %dma_wait3A_299 = tpu.memref_squeeze %dma_wait3A_298 : memref<1x128xi32, #tpu.memory_space<vmem>> -> memref<128xi32, #tpu.memory_space<vmem>>
    %dma_wait3A_300 = arith.constant 0 : i32
    %dma_wait3A_301 = arith.constant 0 : i32
    %dma_wait3A_302 = tpu.memref_slice %arg2[%dma_wait3A_300, %dma_wait3A_301] : memref<32768x16xf32, #tpu.memory_space<hbm>> -> memref<32768x16xf32, #tpu.memory_space<hbm>>
    tpu.wait_indirect_dma semaphore(%arg9 : memref<!tpu.dma_semaphore, #tpu.memory_space<semaphore_mem>>) src(%dma_wait3A_302 : memref<32768x16xf32, #tpu.memory_space<hbm>>) dst(%dma_wait3A_296 : memref<128x16xf32, #tpu.memory_space<vmem>>)
    %dma_wait3A_303 = arith.constant 14 : i32
    %dma_wait3A_304 = arith.constant 1792 : i32
    %dma_wait3A_305 = arith.constant 0 : i32
    %dma_wait3A_306 = tpu.memref_slice %arg7[%dma_wait3A_304, %dma_wait3A_305] : memref<4096x16xf32, #tpu.memory_space<vmem>> -> memref<128x16xf32, #tpu.memory_space<vmem>>
    %dma_wait3A_307 = arith.constant 0 : i32
    %dma_wait3A_308 = tpu.memref_slice %arg6[%dma_wait3A_303, %dma_wait3A_307] : memref<32x128xi32, #tpu.memory_space<vmem>> -> memref<1x128xi32, #tpu.memory_space<vmem>>
    %dma_wait3A_309 = tpu.memref_squeeze %dma_wait3A_308 : memref<1x128xi32, #tpu.memory_space<vmem>> -> memref<128xi32, #tpu.memory_space<vmem>>
    %dma_wait3A_310 = arith.constant 0 : i32
    %dma_wait3A_311 = arith.constant 0 : i32
    %dma_wait3A_312 = tpu.memref_slice %arg2[%dma_wait3A_310, %dma_wait3A_311] : memref<32768x16xf32, #tpu.memory_space<hbm>> -> memref<32768x16xf32, #tpu.memory_space<hbm>>
    tpu.wait_indirect_dma semaphore(%arg9 : memref<!tpu.dma_semaphore, #tpu.memory_space<semaphore_mem>>) src(%dma_wait3A_312 : memref<32768x16xf32, #tpu.memory_space<hbm>>) dst(%dma_wait3A_306 : memref<128x16xf32, #tpu.memory_space<vmem>>)
    %dma_wait3A_313 = arith.constant 15 : i32
    %dma_wait3A_314 = arith.constant 1920 : i32
    %dma_wait3A_315 = arith.constant 0 : i32
    %dma_wait3A_316 = tpu.memref_slice %arg7[%dma_wait3A_314, %dma_wait3A_315] : memref<4096x16xf32, #tpu.memory_space<vmem>> -> memref<128x16xf32, #tpu.memory_space<vmem>>
    %dma_wait3A_317 = arith.constant 0 : i32
    %dma_wait3A_318 = tpu.memref_slice %arg6[%dma_wait3A_313, %dma_wait3A_317] : memref<32x128xi32, #tpu.memory_space<vmem>> -> memref<1x128xi32, #tpu.memory_space<vmem>>
    %dma_wait3A_319 = tpu.memref_squeeze %dma_wait3A_318 : memref<1x128xi32, #tpu.memory_space<vmem>> -> memref<128xi32, #tpu.memory_space<vmem>>
    %dma_wait3A_320 = arith.constant 0 : i32
    %dma_wait3A_321 = arith.constant 0 : i32
    %dma_wait3A_322 = tpu.memref_slice %arg2[%dma_wait3A_320, %dma_wait3A_321] : memref<32768x16xf32, #tpu.memory_space<hbm>> -> memref<32768x16xf32, #tpu.memory_space<hbm>>
    tpu.wait_indirect_dma semaphore(%arg9 : memref<!tpu.dma_semaphore, #tpu.memory_space<semaphore_mem>>) src(%dma_wait3A_322 : memref<32768x16xf32, #tpu.memory_space<hbm>>) dst(%dma_wait3A_316 : memref<128x16xf32, #tpu.memory_space<vmem>>)
    %dma_start3A_323 = arith.constant 16 : i32
    %dma_start3A_324 = arith.constant 2048 : i32
    %dma_start3A_325 = arith.constant 0 : i32
    %dma_start3A_326 = tpu.memref_slice %arg7[%dma_start3A_324, %dma_start3A_325] : memref<4096x16xf32, #tpu.memory_space<vmem>> -> memref<128x16xf32, #tpu.memory_space<vmem>>
    %dma_start3A_327 = arith.constant 0 : i32
    %dma_start3A_328 = tpu.memref_slice %arg6[%dma_start3A_323, %dma_start3A_327] : memref<32x128xi32, #tpu.memory_space<vmem>> -> memref<1x128xi32, #tpu.memory_space<vmem>>
    %dma_start3A_329 = tpu.memref_squeeze %dma_start3A_328 : memref<1x128xi32, #tpu.memory_space<vmem>> -> memref<128xi32, #tpu.memory_space<vmem>>
    %dma_start3A_330 = arith.constant 0 : i32
    %dma_start3A_331 = arith.constant 0 : i32
    %dma_start3A_332 = tpu.memref_slice %arg2[%dma_start3A_330, %dma_start3A_331] : memref<32768x16xf32, #tpu.memory_space<hbm>> -> memref<32768x16xf32, #tpu.memory_space<hbm>>
    tpu.enqueue_indirect_dma source(%dma_start3A_332 : memref<32768x16xf32, #tpu.memory_space<hbm>>) target(%dma_start3A_326 : memref<128x16xf32, #tpu.memory_space<vmem>>) offsets(%dma_start3A_329 : memref<128xi32, #tpu.memory_space<vmem>>) semaphore(%arg9 : memref<!tpu.dma_semaphore, #tpu.memory_space<semaphore_mem>>)
    %dma_start3A_333 = arith.constant 17 : i32
    %dma_start3A_334 = arith.constant 2176 : i32
    %dma_start3A_335 = arith.constant 0 : i32
    %dma_start3A_336 = tpu.memref_slice %arg7[%dma_start3A_334, %dma_start3A_335] : memref<4096x16xf32, #tpu.memory_space<vmem>> -> memref<128x16xf32, #tpu.memory_space<vmem>>
    %dma_start3A_337 = arith.constant 0 : i32
    %dma_start3A_338 = tpu.memref_slice %arg6[%dma_start3A_333, %dma_start3A_337] : memref<32x128xi32, #tpu.memory_space<vmem>> -> memref<1x128xi32, #tpu.memory_space<vmem>>
    %dma_start3A_339 = tpu.memref_squeeze %dma_start3A_338 : memref<1x128xi32, #tpu.memory_space<vmem>> -> memref<128xi32, #tpu.memory_space<vmem>>
    %dma_start3A_340 = arith.constant 0 : i32
    %dma_start3A_341 = arith.constant 0 : i32
    %dma_start3A_342 = tpu.memref_slice %arg2[%dma_start3A_340, %dma_start3A_341] : memref<32768x16xf32, #tpu.memory_space<hbm>> -> memref<32768x16xf32, #tpu.memory_space<hbm>>
    tpu.enqueue_indirect_dma source(%dma_start3A_342 : memref<32768x16xf32, #tpu.memory_space<hbm>>) target(%dma_start3A_336 : memref<128x16xf32, #tpu.memory_space<vmem>>) offsets(%dma_start3A_339 : memref<128xi32, #tpu.memory_space<vmem>>) semaphore(%arg9 : memref<!tpu.dma_semaphore, #tpu.memory_space<semaphore_mem>>)
    %dma_start3A_343 = arith.constant 18 : i32
    %dma_start3A_344 = arith.constant 2304 : i32
    %dma_start3A_345 = arith.constant 0 : i32
    %dma_start3A_346 = tpu.memref_slice %arg7[%dma_start3A_344, %dma_start3A_345] : memref<4096x16xf32, #tpu.memory_space<vmem>> -> memref<128x16xf32, #tpu.memory_space<vmem>>
    %dma_start3A_347 = arith.constant 0 : i32
    %dma_start3A_348 = tpu.memref_slice %arg6[%dma_start3A_343, %dma_start3A_347] : memref<32x128xi32, #tpu.memory_space<vmem>> -> memref<1x128xi32, #tpu.memory_space<vmem>>
    %dma_start3A_349 = tpu.memref_squeeze %dma_start3A_348 : memref<1x128xi32, #tpu.memory_space<vmem>> -> memref<128xi32, #tpu.memory_space<vmem>>
    %dma_start3A_350 = arith.constant 0 : i32
    %dma_start3A_351 = arith.constant 0 : i32
    %dma_start3A_352 = tpu.memref_slice %arg2[%dma_start3A_350, %dma_start3A_351] : memref<32768x16xf32, #tpu.memory_space<hbm>> -> memref<32768x16xf32, #tpu.memory_space<hbm>>
    tpu.enqueue_indirect_dma source(%dma_start3A_352 : memref<32768x16xf32, #tpu.memory_space<hbm>>) target(%dma_start3A_346 : memref<128x16xf32, #tpu.memory_space<vmem>>) offsets(%dma_start3A_349 : memref<128xi32, #tpu.memory_space<vmem>>) semaphore(%arg9 : memref<!tpu.dma_semaphore, #tpu.memory_space<semaphore_mem>>)
    %dma_start3A_353 = arith.constant 19 : i32
    %dma_start3A_354 = arith.constant 2432 : i32
    %dma_start3A_355 = arith.constant 0 : i32
    %dma_start3A_356 = tpu.memref_slice %arg7[%dma_start3A_354, %dma_start3A_355] : memref<4096x16xf32, #tpu.memory_space<vmem>> -> memref<128x16xf32, #tpu.memory_space<vmem>>
    %dma_start3A_357 = arith.constant 0 : i32
    %dma_start3A_358 = tpu.memref_slice %arg6[%dma_start3A_353, %dma_start3A_357] : memref<32x128xi32, #tpu.memory_space<vmem>> -> memref<1x128xi32, #tpu.memory_space<vmem>>
    %dma_start3A_359 = tpu.memref_squeeze %dma_start3A_358 : memref<1x128xi32, #tpu.memory_space<vmem>> -> memref<128xi32, #tpu.memory_space<vmem>>
    %dma_start3A_360 = arith.constant 0 : i32
    %dma_start3A_361 = arith.constant 0 : i32
    %dma_start3A_362 = tpu.memref_slice %arg2[%dma_start3A_360, %dma_start3A_361] : memref<32768x16xf32, #tpu.memory_space<hbm>> -> memref<32768x16xf32, #tpu.memory_space<hbm>>
    tpu.enqueue_indirect_dma source(%dma_start3A_362 : memref<32768x16xf32, #tpu.memory_space<hbm>>) target(%dma_start3A_356 : memref<128x16xf32, #tpu.memory_space<vmem>>) offsets(%dma_start3A_359 : memref<128xi32, #tpu.memory_space<vmem>>) semaphore(%arg9 : memref<!tpu.dma_semaphore, #tpu.memory_space<semaphore_mem>>)
    %dma_start3A_363 = arith.constant 20 : i32
    %dma_start3A_364 = arith.constant 2560 : i32
    %dma_start3A_365 = arith.constant 0 : i32
    %dma_start3A_366 = tpu.memref_slice %arg7[%dma_start3A_364, %dma_start3A_365] : memref<4096x16xf32, #tpu.memory_space<vmem>> -> memref<128x16xf32, #tpu.memory_space<vmem>>
    %dma_start3A_367 = arith.constant 0 : i32
    %dma_start3A_368 = tpu.memref_slice %arg6[%dma_start3A_363, %dma_start3A_367] : memref<32x128xi32, #tpu.memory_space<vmem>> -> memref<1x128xi32, #tpu.memory_space<vmem>>
    %dma_start3A_369 = tpu.memref_squeeze %dma_start3A_368 : memref<1x128xi32, #tpu.memory_space<vmem>> -> memref<128xi32, #tpu.memory_space<vmem>>
    %dma_start3A_370 = arith.constant 0 : i32
    %dma_start3A_371 = arith.constant 0 : i32
    %dma_start3A_372 = tpu.memref_slice %arg2[%dma_start3A_370, %dma_start3A_371] : memref<32768x16xf32, #tpu.memory_space<hbm>> -> memref<32768x16xf32, #tpu.memory_space<hbm>>
    tpu.enqueue_indirect_dma source(%dma_start3A_372 : memref<32768x16xf32, #tpu.memory_space<hbm>>) target(%dma_start3A_366 : memref<128x16xf32, #tpu.memory_space<vmem>>) offsets(%dma_start3A_369 : memref<128xi32, #tpu.memory_space<vmem>>) semaphore(%arg9 : memref<!tpu.dma_semaphore, #tpu.memory_space<semaphore_mem>>)
    %dma_start3A_373 = arith.constant 21 : i32
    %dma_start3A_374 = arith.constant 2688 : i32
    %dma_start3A_375 = arith.constant 0 : i32
    %dma_start3A_376 = tpu.memref_slice %arg7[%dma_start3A_374, %dma_start3A_375] : memref<4096x16xf32, #tpu.memory_space<vmem>> -> memref<128x16xf32, #tpu.memory_space<vmem>>
    %dma_start3A_377 = arith.constant 0 : i32
    %dma_start3A_378 = tpu.memref_slice %arg6[%dma_start3A_373, %dma_start3A_377] : memref<32x128xi32, #tpu.memory_space<vmem>> -> memref<1x128xi32, #tpu.memory_space<vmem>>
    %dma_start3A_379 = tpu.memref_squeeze %dma_start3A_378 : memref<1x128xi32, #tpu.memory_space<vmem>> -> memref<128xi32, #tpu.memory_space<vmem>>
    %dma_start3A_380 = arith.constant 0 : i32
    %dma_start3A_381 = arith.constant 0 : i32
    %dma_start3A_382 = tpu.memref_slice %arg2[%dma_start3A_380, %dma_start3A_381] : memref<32768x16xf32, #tpu.memory_space<hbm>> -> memref<32768x16xf32, #tpu.memory_space<hbm>>
    tpu.enqueue_indirect_dma source(%dma_start3A_382 : memref<32768x16xf32, #tpu.memory_space<hbm>>) target(%dma_start3A_376 : memref<128x16xf32, #tpu.memory_space<vmem>>) offsets(%dma_start3A_379 : memref<128xi32, #tpu.memory_space<vmem>>) semaphore(%arg9 : memref<!tpu.dma_semaphore, #tpu.memory_space<semaphore_mem>>)
    %dma_start3A_383 = arith.constant 22 : i32
    %dma_start3A_384 = arith.constant 2816 : i32
    %dma_start3A_385 = arith.constant 0 : i32
    %dma_start3A_386 = tpu.memref_slice %arg7[%dma_start3A_384, %dma_start3A_385] : memref<4096x16xf32, #tpu.memory_space<vmem>> -> memref<128x16xf32, #tpu.memory_space<vmem>>
    %dma_start3A_387 = arith.constant 0 : i32
    %dma_start3A_388 = tpu.memref_slice %arg6[%dma_start3A_383, %dma_start3A_387] : memref<32x128xi32, #tpu.memory_space<vmem>> -> memref<1x128xi32, #tpu.memory_space<vmem>>
    %dma_start3A_389 = tpu.memref_squeeze %dma_start3A_388 : memref<1x128xi32, #tpu.memory_space<vmem>> -> memref<128xi32, #tpu.memory_space<vmem>>
    %dma_start3A_390 = arith.constant 0 : i32
    %dma_start3A_391 = arith.constant 0 : i32
    %dma_start3A_392 = tpu.memref_slice %arg2[%dma_start3A_390, %dma_start3A_391] : memref<32768x16xf32, #tpu.memory_space<hbm>> -> memref<32768x16xf32, #tpu.memory_space<hbm>>
    tpu.enqueue_indirect_dma source(%dma_start3A_392 : memref<32768x16xf32, #tpu.memory_space<hbm>>) target(%dma_start3A_386 : memref<128x16xf32, #tpu.memory_space<vmem>>) offsets(%dma_start3A_389 : memref<128xi32, #tpu.memory_space<vmem>>) semaphore(%arg9 : memref<!tpu.dma_semaphore, #tpu.memory_space<semaphore_mem>>)
    %dma_start3A_393 = arith.constant 23 : i32
    %dma_start3A_394 = arith.constant 2944 : i32
    %dma_start3A_395 = arith.constant 0 : i32
    %dma_start3A_396 = tpu.memref_slice %arg7[%dma_start3A_394, %dma_start3A_395] : memref<4096x16xf32, #tpu.memory_space<vmem>> -> memref<128x16xf32, #tpu.memory_space<vmem>>
    %dma_start3A_397 = arith.constant 0 : i32
    %dma_start3A_398 = tpu.memref_slice %arg6[%dma_start3A_393, %dma_start3A_397] : memref<32x128xi32, #tpu.memory_space<vmem>> -> memref<1x128xi32, #tpu.memory_space<vmem>>
    %dma_start3A_399 = tpu.memref_squeeze %dma_start3A_398 : memref<1x128xi32, #tpu.memory_space<vmem>> -> memref<128xi32, #tpu.memory_space<vmem>>
    %dma_start3A_400 = arith.constant 0 : i32
    %dma_start3A_401 = arith.constant 0 : i32
    %dma_start3A_402 = tpu.memref_slice %arg2[%dma_start3A_400, %dma_start3A_401] : memref<32768x16xf32, #tpu.memory_space<hbm>> -> memref<32768x16xf32, #tpu.memory_space<hbm>>
    tpu.enqueue_indirect_dma source(%dma_start3A_402 : memref<32768x16xf32, #tpu.memory_space<hbm>>) target(%dma_start3A_396 : memref<128x16xf32, #tpu.memory_space<vmem>>) offsets(%dma_start3A_399 : memref<128xi32, #tpu.memory_space<vmem>>) semaphore(%arg9 : memref<!tpu.dma_semaphore, #tpu.memory_space<semaphore_mem>>)
    %dma_start3A_403 = arith.constant 24 : i32
    %dma_start3A_404 = arith.constant 3072 : i32
    %dma_start3A_405 = arith.constant 0 : i32
    %dma_start3A_406 = tpu.memref_slice %arg7[%dma_start3A_404, %dma_start3A_405] : memref<4096x16xf32, #tpu.memory_space<vmem>> -> memref<128x16xf32, #tpu.memory_space<vmem>>
    %dma_start3A_407 = arith.constant 0 : i32
    %dma_start3A_408 = tpu.memref_slice %arg6[%dma_start3A_403, %dma_start3A_407] : memref<32x128xi32, #tpu.memory_space<vmem>> -> memref<1x128xi32, #tpu.memory_space<vmem>>
    %dma_start3A_409 = tpu.memref_squeeze %dma_start3A_408 : memref<1x128xi32, #tpu.memory_space<vmem>> -> memref<128xi32, #tpu.memory_space<vmem>>
    %dma_start3A_410 = arith.constant 0 : i32
    %dma_start3A_411 = arith.constant 0 : i32
    %dma_start3A_412 = tpu.memref_slice %arg2[%dma_start3A_410, %dma_start3A_411] : memref<32768x16xf32, #tpu.memory_space<hbm>> -> memref<32768x16xf32, #tpu.memory_space<hbm>>
    tpu.enqueue_indirect_dma source(%dma_start3A_412 : memref<32768x16xf32, #tpu.memory_space<hbm>>) target(%dma_start3A_406 : memref<128x16xf32, #tpu.memory_space<vmem>>) offsets(%dma_start3A_409 : memref<128xi32, #tpu.memory_space<vmem>>) semaphore(%arg9 : memref<!tpu.dma_semaphore, #tpu.memory_space<semaphore_mem>>)
    %dma_start3A_413 = arith.constant 25 : i32
    %dma_start3A_414 = arith.constant 3200 : i32
    %dma_start3A_415 = arith.constant 0 : i32
    %dma_start3A_416 = tpu.memref_slice %arg7[%dma_start3A_414, %dma_start3A_415] : memref<4096x16xf32, #tpu.memory_space<vmem>> -> memref<128x16xf32, #tpu.memory_space<vmem>>
    %dma_start3A_417 = arith.constant 0 : i32
    %dma_start3A_418 = tpu.memref_slice %arg6[%dma_start3A_413, %dma_start3A_417] : memref<32x128xi32, #tpu.memory_space<vmem>> -> memref<1x128xi32, #tpu.memory_space<vmem>>
    %dma_start3A_419 = tpu.memref_squeeze %dma_start3A_418 : memref<1x128xi32, #tpu.memory_space<vmem>> -> memref<128xi32, #tpu.memory_space<vmem>>
    %dma_start3A_420 = arith.constant 0 : i32
    %dma_start3A_421 = arith.constant 0 : i32
    %dma_start3A_422 = tpu.memref_slice %arg2[%dma_start3A_420, %dma_start3A_421] : memref<32768x16xf32, #tpu.memory_space<hbm>> -> memref<32768x16xf32, #tpu.memory_space<hbm>>
    tpu.enqueue_indirect_dma source(%dma_start3A_422 : memref<32768x16xf32, #tpu.memory_space<hbm>>) target(%dma_start3A_416 : memref<128x16xf32, #tpu.memory_space<vmem>>) offsets(%dma_start3A_419 : memref<128xi32, #tpu.memory_space<vmem>>) semaphore(%arg9 : memref<!tpu.dma_semaphore, #tpu.memory_space<semaphore_mem>>)
    %dma_start3A_423 = arith.constant 26 : i32
    %dma_start3A_424 = arith.constant 3328 : i32
    %dma_start3A_425 = arith.constant 0 : i32
    %dma_start3A_426 = tpu.memref_slice %arg7[%dma_start3A_424, %dma_start3A_425] : memref<4096x16xf32, #tpu.memory_space<vmem>> -> memref<128x16xf32, #tpu.memory_space<vmem>>
    %dma_start3A_427 = arith.constant 0 : i32
    %dma_start3A_428 = tpu.memref_slice %arg6[%dma_start3A_423, %dma_start3A_427] : memref<32x128xi32, #tpu.memory_space<vmem>> -> memref<1x128xi32, #tpu.memory_space<vmem>>
    %dma_start3A_429 = tpu.memref_squeeze %dma_start3A_428 : memref<1x128xi32, #tpu.memory_space<vmem>> -> memref<128xi32, #tpu.memory_space<vmem>>
    %dma_start3A_430 = arith.constant 0 : i32
    %dma_start3A_431 = arith.constant 0 : i32
    %dma_start3A_432 = tpu.memref_slice %arg2[%dma_start3A_430, %dma_start3A_431] : memref<32768x16xf32, #tpu.memory_space<hbm>> -> memref<32768x16xf32, #tpu.memory_space<hbm>>
    tpu.enqueue_indirect_dma source(%dma_start3A_432 : memref<32768x16xf32, #tpu.memory_space<hbm>>) target(%dma_start3A_426 : memref<128x16xf32, #tpu.memory_space<vmem>>) offsets(%dma_start3A_429 : memref<128xi32, #tpu.memory_space<vmem>>) semaphore(%arg9 : memref<!tpu.dma_semaphore, #tpu.memory_space<semaphore_mem>>)
    %dma_start3A_433 = arith.constant 27 : i32
    %dma_start3A_434 = arith.constant 3456 : i32
    %dma_start3A_435 = arith.constant 0 : i32
    %dma_start3A_436 = tpu.memref_slice %arg7[%dma_start3A_434, %dma_start3A_435] : memref<4096x16xf32, #tpu.memory_space<vmem>> -> memref<128x16xf32, #tpu.memory_space<vmem>>
    %dma_start3A_437 = arith.constant 0 : i32
    %dma_start3A_438 = tpu.memref_slice %arg6[%dma_start3A_433, %dma_start3A_437] : memref<32x128xi32, #tpu.memory_space<vmem>> -> memref<1x128xi32, #tpu.memory_space<vmem>>
    %dma_start3A_439 = tpu.memref_squeeze %dma_start3A_438 : memref<1x128xi32, #tpu.memory_space<vmem>> -> memref<128xi32, #tpu.memory_space<vmem>>
    %dma_start3A_440 = arith.constant 0 : i32
    %dma_start3A_441 = arith.constant 0 : i32
    %dma_start3A_442 = tpu.memref_slice %arg2[%dma_start3A_440, %dma_start3A_441] : memref<32768x16xf32, #tpu.memory_space<hbm>> -> memref<32768x16xf32, #tpu.memory_space<hbm>>
    tpu.enqueue_indirect_dma source(%dma_start3A_442 : memref<32768x16xf32, #tpu.memory_space<hbm>>) target(%dma_start3A_436 : memref<128x16xf32, #tpu.memory_space<vmem>>) offsets(%dma_start3A_439 : memref<128xi32, #tpu.memory_space<vmem>>) semaphore(%arg9 : memref<!tpu.dma_semaphore, #tpu.memory_space<semaphore_mem>>)
    %dma_start3A_443 = arith.constant 28 : i32
    %dma_start3A_444 = arith.constant 3584 : i32
    %dma_start3A_445 = arith.constant 0 : i32
    %dma_start3A_446 = tpu.memref_slice %arg7[%dma_start3A_444, %dma_start3A_445] : memref<4096x16xf32, #tpu.memory_space<vmem>> -> memref<128x16xf32, #tpu.memory_space<vmem>>
    %dma_start3A_447 = arith.constant 0 : i32
    %dma_start3A_448 = tpu.memref_slice %arg6[%dma_start3A_443, %dma_start3A_447] : memref<32x128xi32, #tpu.memory_space<vmem>> -> memref<1x128xi32, #tpu.memory_space<vmem>>
    %dma_start3A_449 = tpu.memref_squeeze %dma_start3A_448 : memref<1x128xi32, #tpu.memory_space<vmem>> -> memref<128xi32, #tpu.memory_space<vmem>>
    %dma_start3A_450 = arith.constant 0 : i32
    %dma_start3A_451 = arith.constant 0 : i32
    %dma_start3A_452 = tpu.memref_slice %arg2[%dma_start3A_450, %dma_start3A_451] : memref<32768x16xf32, #tpu.memory_space<hbm>> -> memref<32768x16xf32, #tpu.memory_space<hbm>>
    tpu.enqueue_indirect_dma source(%dma_start3A_452 : memref<32768x16xf32, #tpu.memory_space<hbm>>) target(%dma_start3A_446 : memref<128x16xf32, #tpu.memory_space<vmem>>) offsets(%dma_start3A_449 : memref<128xi32, #tpu.memory_space<vmem>>) semaphore(%arg9 : memref<!tpu.dma_semaphore, #tpu.memory_space<semaphore_mem>>)
    %dma_start3A_453 = arith.constant 29 : i32
    %dma_start3A_454 = arith.constant 3712 : i32
    %dma_start3A_455 = arith.constant 0 : i32
    %dma_start3A_456 = tpu.memref_slice %arg7[%dma_start3A_454, %dma_start3A_455] : memref<4096x16xf32, #tpu.memory_space<vmem>> -> memref<128x16xf32, #tpu.memory_space<vmem>>
    %dma_start3A_457 = arith.constant 0 : i32
    %dma_start3A_458 = tpu.memref_slice %arg6[%dma_start3A_453, %dma_start3A_457] : memref<32x128xi32, #tpu.memory_space<vmem>> -> memref<1x128xi32, #tpu.memory_space<vmem>>
    %dma_start3A_459 = tpu.memref_squeeze %dma_start3A_458 : memref<1x128xi32, #tpu.memory_space<vmem>> -> memref<128xi32, #tpu.memory_space<vmem>>
    %dma_start3A_460 = arith.constant 0 : i32
    %dma_start3A_461 = arith.constant 0 : i32
    %dma_start3A_462 = tpu.memref_slice %arg2[%dma_start3A_460, %dma_start3A_461] : memref<32768x16xf32, #tpu.memory_space<hbm>> -> memref<32768x16xf32, #tpu.memory_space<hbm>>
    tpu.enqueue_indirect_dma source(%dma_start3A_462 : memref<32768x16xf32, #tpu.memory_space<hbm>>) target(%dma_start3A_456 : memref<128x16xf32, #tpu.memory_space<vmem>>) offsets(%dma_start3A_459 : memref<128xi32, #tpu.memory_space<vmem>>) semaphore(%arg9 : memref<!tpu.dma_semaphore, #tpu.memory_space<semaphore_mem>>)
    %dma_start3A_463 = arith.constant 30 : i32
    %dma_start3A_464 = arith.constant 3840 : i32
    %dma_start3A_465 = arith.constant 0 : i32
    %dma_start3A_466 = tpu.memref_slice %arg7[%dma_start3A_464, %dma_start3A_465] : memref<4096x16xf32, #tpu.memory_space<vmem>> -> memref<128x16xf32, #tpu.memory_space<vmem>>
    %dma_start3A_467 = arith.constant 0 : i32
    %dma_start3A_468 = tpu.memref_slice %arg6[%dma_start3A_463, %dma_start3A_467] : memref<32x128xi32, #tpu.memory_space<vmem>> -> memref<1x128xi32, #tpu.memory_space<vmem>>
    %dma_start3A_469 = tpu.memref_squeeze %dma_start3A_468 : memref<1x128xi32, #tpu.memory_space<vmem>> -> memref<128xi32, #tpu.memory_space<vmem>>
    %dma_start3A_470 = arith.constant 0 : i32
    %dma_start3A_471 = arith.constant 0 : i32
    %dma_start3A_472 = tpu.memref_slice %arg2[%dma_start3A_470, %dma_start3A_471] : memref<32768x16xf32, #tpu.memory_space<hbm>> -> memref<32768x16xf32, #tpu.memory_space<hbm>>
    tpu.enqueue_indirect_dma source(%dma_start3A_472 : memref<32768x16xf32, #tpu.memory_space<hbm>>) target(%dma_start3A_466 : memref<128x16xf32, #tpu.memory_space<vmem>>) offsets(%dma_start3A_469 : memref<128xi32, #tpu.memory_space<vmem>>) semaphore(%arg9 : memref<!tpu.dma_semaphore, #tpu.memory_space<semaphore_mem>>)
    %dma_start3A_473 = arith.constant 31 : i32
    %dma_start3A_474 = arith.constant 3968 : i32
    %dma_start3A_475 = arith.constant 0 : i32
    %dma_start3A_476 = tpu.memref_slice %arg7[%dma_start3A_474, %dma_start3A_475] : memref<4096x16xf32, #tpu.memory_space<vmem>> -> memref<128x16xf32, #tpu.memory_space<vmem>>
    %dma_start3A_477 = arith.constant 0 : i32
    %dma_start3A_478 = tpu.memref_slice %arg6[%dma_start3A_473, %dma_start3A_477] : memref<32x128xi32, #tpu.memory_space<vmem>> -> memref<1x128xi32, #tpu.memory_space<vmem>>
    %dma_start3A_479 = tpu.memref_squeeze %dma_start3A_478 : memref<1x128xi32, #tpu.memory_space<vmem>> -> memref<128xi32, #tpu.memory_space<vmem>>
    %dma_start3A_480 = arith.constant 0 : i32
    %dma_start3A_481 = arith.constant 0 : i32
    %dma_start3A_482 = tpu.memref_slice %arg2[%dma_start3A_480, %dma_start3A_481] : memref<32768x16xf32, #tpu.memory_space<hbm>> -> memref<32768x16xf32, #tpu.memory_space<hbm>>
    tpu.enqueue_indirect_dma source(%dma_start3A_482 : memref<32768x16xf32, #tpu.memory_space<hbm>>) target(%dma_start3A_476 : memref<128x16xf32, #tpu.memory_space<vmem>>) offsets(%dma_start3A_479 : memref<128xi32, #tpu.memory_space<vmem>>) semaphore(%arg9 : memref<!tpu.dma_semaphore, #tpu.memory_space<semaphore_mem>>)
    %dma_wait3A_483 = arith.constant 16 : i32
    %dma_wait3A_484 = arith.constant 2048 : i32
    %dma_wait3A_485 = arith.constant 0 : i32
    %dma_wait3A_486 = tpu.memref_slice %arg7[%dma_wait3A_484, %dma_wait3A_485] : memref<4096x16xf32, #tpu.memory_space<vmem>> -> memref<128x16xf32, #tpu.memory_space<vmem>>
    %dma_wait3A_487 = arith.constant 0 : i32
    %dma_wait3A_488 = tpu.memref_slice %arg6[%dma_wait3A_483, %dma_wait3A_487] : memref<32x128xi32, #tpu.memory_space<vmem>> -> memref<1x128xi32, #tpu.memory_space<vmem>>
    %dma_wait3A_489 = tpu.memref_squeeze %dma_wait3A_488 : memref<1x128xi32, #tpu.memory_space<vmem>> -> memref<128xi32, #tpu.memory_space<vmem>>
    %dma_wait3A_490 = arith.constant 0 : i32
    %dma_wait3A_491 = arith.constant 0 : i32
    %dma_wait3A_492 = tpu.memref_slice %arg2[%dma_wait3A_490, %dma_wait3A_491] : memref<32768x16xf32, #tpu.memory_space<hbm>> -> memref<32768x16xf32, #tpu.memory_space<hbm>>
    tpu.wait_indirect_dma semaphore(%arg9 : memref<!tpu.dma_semaphore, #tpu.memory_space<semaphore_mem>>) src(%dma_wait3A_492 : memref<32768x16xf32, #tpu.memory_space<hbm>>) dst(%dma_wait3A_486 : memref<128x16xf32, #tpu.memory_space<vmem>>)
    %dma_wait3A_493 = arith.constant 17 : i32
    %dma_wait3A_494 = arith.constant 2176 : i32
    %dma_wait3A_495 = arith.constant 0 : i32
    %dma_wait3A_496 = tpu.memref_slice %arg7[%dma_wait3A_494, %dma_wait3A_495] : memref<4096x16xf32, #tpu.memory_space<vmem>> -> memref<128x16xf32, #tpu.memory_space<vmem>>
    %dma_wait3A_497 = arith.constant 0 : i32
    %dma_wait3A_498 = tpu.memref_slice %arg6[%dma_wait3A_493, %dma_wait3A_497] : memref<32x128xi32, #tpu.memory_space<vmem>> -> memref<1x128xi32, #tpu.memory_space<vmem>>
    %dma_wait3A_499 = tpu.memref_squeeze %dma_wait3A_498 : memref<1x128xi32, #tpu.memory_space<vmem>> -> memref<128xi32, #tpu.memory_space<vmem>>
    %dma_wait3A_500 = arith.constant 0 : i32
    %dma_wait3A_501 = arith.constant 0 : i32
    %dma_wait3A_502 = tpu.memref_slice %arg2[%dma_wait3A_500, %dma_wait3A_501] : memref<32768x16xf32, #tpu.memory_space<hbm>> -> memref<32768x16xf32, #tpu.memory_space<hbm>>
    tpu.wait_indirect_dma semaphore(%arg9 : memref<!tpu.dma_semaphore, #tpu.memory_space<semaphore_mem>>) src(%dma_wait3A_502 : memref<32768x16xf32, #tpu.memory_space<hbm>>) dst(%dma_wait3A_496 : memref<128x16xf32, #tpu.memory_space<vmem>>)
    %dma_wait3A_503 = arith.constant 18 : i32
    %dma_wait3A_504 = arith.constant 2304 : i32
    %dma_wait3A_505 = arith.constant 0 : i32
    %dma_wait3A_506 = tpu.memref_slice %arg7[%dma_wait3A_504, %dma_wait3A_505] : memref<4096x16xf32, #tpu.memory_space<vmem>> -> memref<128x16xf32, #tpu.memory_space<vmem>>
    %dma_wait3A_507 = arith.constant 0 : i32
    %dma_wait3A_508 = tpu.memref_slice %arg6[%dma_wait3A_503, %dma_wait3A_507] : memref<32x128xi32, #tpu.memory_space<vmem>> -> memref<1x128xi32, #tpu.memory_space<vmem>>
    %dma_wait3A_509 = tpu.memref_squeeze %dma_wait3A_508 : memref<1x128xi32, #tpu.memory_space<vmem>> -> memref<128xi32, #tpu.memory_space<vmem>>
    %dma_wait3A_510 = arith.constant 0 : i32
    %dma_wait3A_511 = arith.constant 0 : i32
    %dma_wait3A_512 = tpu.memref_slice %arg2[%dma_wait3A_510, %dma_wait3A_511] : memref<32768x16xf32, #tpu.memory_space<hbm>> -> memref<32768x16xf32, #tpu.memory_space<hbm>>
    tpu.wait_indirect_dma semaphore(%arg9 : memref<!tpu.dma_semaphore, #tpu.memory_space<semaphore_mem>>) src(%dma_wait3A_512 : memref<32768x16xf32, #tpu.memory_space<hbm>>) dst(%dma_wait3A_506 : memref<128x16xf32, #tpu.memory_space<vmem>>)
    %dma_wait3A_513 = arith.constant 19 : i32
    %dma_wait3A_514 = arith.constant 2432 : i32
    %dma_wait3A_515 = arith.constant 0 : i32
    %dma_wait3A_516 = tpu.memref_slice %arg7[%dma_wait3A_514, %dma_wait3A_515] : memref<4096x16xf32, #tpu.memory_space<vmem>> -> memref<128x16xf32, #tpu.memory_space<vmem>>
    %dma_wait3A_517 = arith.constant 0 : i32
    %dma_wait3A_518 = tpu.memref_slice %arg6[%dma_wait3A_513, %dma_wait3A_517] : memref<32x128xi32, #tpu.memory_space<vmem>> -> memref<1x128xi32, #tpu.memory_space<vmem>>
    %dma_wait3A_519 = tpu.memref_squeeze %dma_wait3A_518 : memref<1x128xi32, #tpu.memory_space<vmem>> -> memref<128xi32, #tpu.memory_space<vmem>>
    %dma_wait3A_520 = arith.constant 0 : i32
    %dma_wait3A_521 = arith.constant 0 : i32
    %dma_wait3A_522 = tpu.memref_slice %arg2[%dma_wait3A_520, %dma_wait3A_521] : memref<32768x16xf32, #tpu.memory_space<hbm>> -> memref<32768x16xf32, #tpu.memory_space<hbm>>
    tpu.wait_indirect_dma semaphore(%arg9 : memref<!tpu.dma_semaphore, #tpu.memory_space<semaphore_mem>>) src(%dma_wait3A_522 : memref<32768x16xf32, #tpu.memory_space<hbm>>) dst(%dma_wait3A_516 : memref<128x16xf32, #tpu.memory_space<vmem>>)
    %dma_wait3A_523 = arith.constant 20 : i32
    %dma_wait3A_524 = arith.constant 2560 : i32
    %dma_wait3A_525 = arith.constant 0 : i32
    %dma_wait3A_526 = tpu.memref_slice %arg7[%dma_wait3A_524, %dma_wait3A_525] : memref<4096x16xf32, #tpu.memory_space<vmem>> -> memref<128x16xf32, #tpu.memory_space<vmem>>
    %dma_wait3A_527 = arith.constant 0 : i32
    %dma_wait3A_528 = tpu.memref_slice %arg6[%dma_wait3A_523, %dma_wait3A_527] : memref<32x128xi32, #tpu.memory_space<vmem>> -> memref<1x128xi32, #tpu.memory_space<vmem>>
    %dma_wait3A_529 = tpu.memref_squeeze %dma_wait3A_528 : memref<1x128xi32, #tpu.memory_space<vmem>> -> memref<128xi32, #tpu.memory_space<vmem>>
    %dma_wait3A_530 = arith.constant 0 : i32
    %dma_wait3A_531 = arith.constant 0 : i32
    %dma_wait3A_532 = tpu.memref_slice %arg2[%dma_wait3A_530, %dma_wait3A_531] : memref<32768x16xf32, #tpu.memory_space<hbm>> -> memref<32768x16xf32, #tpu.memory_space<hbm>>
    tpu.wait_indirect_dma semaphore(%arg9 : memref<!tpu.dma_semaphore, #tpu.memory_space<semaphore_mem>>) src(%dma_wait3A_532 : memref<32768x16xf32, #tpu.memory_space<hbm>>) dst(%dma_wait3A_526 : memref<128x16xf32, #tpu.memory_space<vmem>>)
    %dma_wait3A_533 = arith.constant 21 : i32
    %dma_wait3A_534 = arith.constant 2688 : i32
    %dma_wait3A_535 = arith.constant 0 : i32
    %dma_wait3A_536 = tpu.memref_slice %arg7[%dma_wait3A_534, %dma_wait3A_535] : memref<4096x16xf32, #tpu.memory_space<vmem>> -> memref<128x16xf32, #tpu.memory_space<vmem>>
    %dma_wait3A_537 = arith.constant 0 : i32
    %dma_wait3A_538 = tpu.memref_slice %arg6[%dma_wait3A_533, %dma_wait3A_537] : memref<32x128xi32, #tpu.memory_space<vmem>> -> memref<1x128xi32, #tpu.memory_space<vmem>>
    %dma_wait3A_539 = tpu.memref_squeeze %dma_wait3A_538 : memref<1x128xi32, #tpu.memory_space<vmem>> -> memref<128xi32, #tpu.memory_space<vmem>>
    %dma_wait3A_540 = arith.constant 0 : i32
    %dma_wait3A_541 = arith.constant 0 : i32
    %dma_wait3A_542 = tpu.memref_slice %arg2[%dma_wait3A_540, %dma_wait3A_541] : memref<32768x16xf32, #tpu.memory_space<hbm>> -> memref<32768x16xf32, #tpu.memory_space<hbm>>
    tpu.wait_indirect_dma semaphore(%arg9 : memref<!tpu.dma_semaphore, #tpu.memory_space<semaphore_mem>>) src(%dma_wait3A_542 : memref<32768x16xf32, #tpu.memory_space<hbm>>) dst(%dma_wait3A_536 : memref<128x16xf32, #tpu.memory_space<vmem>>)
    %dma_wait3A_543 = arith.constant 22 : i32
    %dma_wait3A_544 = arith.constant 2816 : i32
    %dma_wait3A_545 = arith.constant 0 : i32
    %dma_wait3A_546 = tpu.memref_slice %arg7[%dma_wait3A_544, %dma_wait3A_545] : memref<4096x16xf32, #tpu.memory_space<vmem>> -> memref<128x16xf32, #tpu.memory_space<vmem>>
    %dma_wait3A_547 = arith.constant 0 : i32
    %dma_wait3A_548 = tpu.memref_slice %arg6[%dma_wait3A_543, %dma_wait3A_547] : memref<32x128xi32, #tpu.memory_space<vmem>> -> memref<1x128xi32, #tpu.memory_space<vmem>>
    %dma_wait3A_549 = tpu.memref_squeeze %dma_wait3A_548 : memref<1x128xi32, #tpu.memory_space<vmem>> -> memref<128xi32, #tpu.memory_space<vmem>>
    %dma_wait3A_550 = arith.constant 0 : i32
    %dma_wait3A_551 = arith.constant 0 : i32
    %dma_wait3A_552 = tpu.memref_slice %arg2[%dma_wait3A_550, %dma_wait3A_551] : memref<32768x16xf32, #tpu.memory_space<hbm>> -> memref<32768x16xf32, #tpu.memory_space<hbm>>
    tpu.wait_indirect_dma semaphore(%arg9 : memref<!tpu.dma_semaphore, #tpu.memory_space<semaphore_mem>>) src(%dma_wait3A_552 : memref<32768x16xf32, #tpu.memory_space<hbm>>) dst(%dma_wait3A_546 : memref<128x16xf32, #tpu.memory_space<vmem>>)
    %dma_wait3A_553 = arith.constant 23 : i32
    %dma_wait3A_554 = arith.constant 2944 : i32
    %dma_wait3A_555 = arith.constant 0 : i32
    %dma_wait3A_556 = tpu.memref_slice %arg7[%dma_wait3A_554, %dma_wait3A_555] : memref<4096x16xf32, #tpu.memory_space<vmem>> -> memref<128x16xf32, #tpu.memory_space<vmem>>
    %dma_wait3A_557 = arith.constant 0 : i32
    %dma_wait3A_558 = tpu.memref_slice %arg6[%dma_wait3A_553, %dma_wait3A_557] : memref<32x128xi32, #tpu.memory_space<vmem>> -> memref<1x128xi32, #tpu.memory_space<vmem>>
    %dma_wait3A_559 = tpu.memref_squeeze %dma_wait3A_558 : memref<1x128xi32, #tpu.memory_space<vmem>> -> memref<128xi32, #tpu.memory_space<vmem>>
    %dma_wait3A_560 = arith.constant 0 : i32
    %dma_wait3A_561 = arith.constant 0 : i32
    %dma_wait3A_562 = tpu.memref_slice %arg2[%dma_wait3A_560, %dma_wait3A_561] : memref<32768x16xf32, #tpu.memory_space<hbm>> -> memref<32768x16xf32, #tpu.memory_space<hbm>>
    tpu.wait_indirect_dma semaphore(%arg9 : memref<!tpu.dma_semaphore, #tpu.memory_space<semaphore_mem>>) src(%dma_wait3A_562 : memref<32768x16xf32, #tpu.memory_space<hbm>>) dst(%dma_wait3A_556 : memref<128x16xf32, #tpu.memory_space<vmem>>)
    %dma_wait3A_563 = arith.constant 24 : i32
    %dma_wait3A_564 = arith.constant 3072 : i32
    %dma_wait3A_565 = arith.constant 0 : i32
    %dma_wait3A_566 = tpu.memref_slice %arg7[%dma_wait3A_564, %dma_wait3A_565] : memref<4096x16xf32, #tpu.memory_space<vmem>> -> memref<128x16xf32, #tpu.memory_space<vmem>>
    %dma_wait3A_567 = arith.constant 0 : i32
    %dma_wait3A_568 = tpu.memref_slice %arg6[%dma_wait3A_563, %dma_wait3A_567] : memref<32x128xi32, #tpu.memory_space<vmem>> -> memref<1x128xi32, #tpu.memory_space<vmem>>
    %dma_wait3A_569 = tpu.memref_squeeze %dma_wait3A_568 : memref<1x128xi32, #tpu.memory_space<vmem>> -> memref<128xi32, #tpu.memory_space<vmem>>
    %dma_wait3A_570 = arith.constant 0 : i32
    %dma_wait3A_571 = arith.constant 0 : i32
    %dma_wait3A_572 = tpu.memref_slice %arg2[%dma_wait3A_570, %dma_wait3A_571] : memref<32768x16xf32, #tpu.memory_space<hbm>> -> memref<32768x16xf32, #tpu.memory_space<hbm>>
    tpu.wait_indirect_dma semaphore(%arg9 : memref<!tpu.dma_semaphore, #tpu.memory_space<semaphore_mem>>) src(%dma_wait3A_572 : memref<32768x16xf32, #tpu.memory_space<hbm>>) dst(%dma_wait3A_566 : memref<128x16xf32, #tpu.memory_space<vmem>>)
    %dma_wait3A_573 = arith.constant 25 : i32
    %dma_wait3A_574 = arith.constant 3200 : i32
    %dma_wait3A_575 = arith.constant 0 : i32
    %dma_wait3A_576 = tpu.memref_slice %arg7[%dma_wait3A_574, %dma_wait3A_575] : memref<4096x16xf32, #tpu.memory_space<vmem>> -> memref<128x16xf32, #tpu.memory_space<vmem>>
    %dma_wait3A_577 = arith.constant 0 : i32
    %dma_wait3A_578 = tpu.memref_slice %arg6[%dma_wait3A_573, %dma_wait3A_577] : memref<32x128xi32, #tpu.memory_space<vmem>> -> memref<1x128xi32, #tpu.memory_space<vmem>>
    %dma_wait3A_579 = tpu.memref_squeeze %dma_wait3A_578 : memref<1x128xi32, #tpu.memory_space<vmem>> -> memref<128xi32, #tpu.memory_space<vmem>>
    %dma_wait3A_580 = arith.constant 0 : i32
    %dma_wait3A_581 = arith.constant 0 : i32
    %dma_wait3A_582 = tpu.memref_slice %arg2[%dma_wait3A_580, %dma_wait3A_581] : memref<32768x16xf32, #tpu.memory_space<hbm>> -> memref<32768x16xf32, #tpu.memory_space<hbm>>
    tpu.wait_indirect_dma semaphore(%arg9 : memref<!tpu.dma_semaphore, #tpu.memory_space<semaphore_mem>>) src(%dma_wait3A_582 : memref<32768x16xf32, #tpu.memory_space<hbm>>) dst(%dma_wait3A_576 : memref<128x16xf32, #tpu.memory_space<vmem>>)
    %dma_wait3A_583 = arith.constant 26 : i32
    %dma_wait3A_584 = arith.constant 3328 : i32
    %dma_wait3A_585 = arith.constant 0 : i32
    %dma_wait3A_586 = tpu.memref_slice %arg7[%dma_wait3A_584, %dma_wait3A_585] : memref<4096x16xf32, #tpu.memory_space<vmem>> -> memref<128x16xf32, #tpu.memory_space<vmem>>
    %dma_wait3A_587 = arith.constant 0 : i32
    %dma_wait3A_588 = tpu.memref_slice %arg6[%dma_wait3A_583, %dma_wait3A_587] : memref<32x128xi32, #tpu.memory_space<vmem>> -> memref<1x128xi32, #tpu.memory_space<vmem>>
    %dma_wait3A_589 = tpu.memref_squeeze %dma_wait3A_588 : memref<1x128xi32, #tpu.memory_space<vmem>> -> memref<128xi32, #tpu.memory_space<vmem>>
    %dma_wait3A_590 = arith.constant 0 : i32
    %dma_wait3A_591 = arith.constant 0 : i32
    %dma_wait3A_592 = tpu.memref_slice %arg2[%dma_wait3A_590, %dma_wait3A_591] : memref<32768x16xf32, #tpu.memory_space<hbm>> -> memref<32768x16xf32, #tpu.memory_space<hbm>>
    tpu.wait_indirect_dma semaphore(%arg9 : memref<!tpu.dma_semaphore, #tpu.memory_space<semaphore_mem>>) src(%dma_wait3A_592 : memref<32768x16xf32, #tpu.memory_space<hbm>>) dst(%dma_wait3A_586 : memref<128x16xf32, #tpu.memory_space<vmem>>)
    %dma_wait3A_593 = arith.constant 27 : i32
    %dma_wait3A_594 = arith.constant 3456 : i32
    %dma_wait3A_595 = arith.constant 0 : i32
    %dma_wait3A_596 = tpu.memref_slice %arg7[%dma_wait3A_594, %dma_wait3A_595] : memref<4096x16xf32, #tpu.memory_space<vmem>> -> memref<128x16xf32, #tpu.memory_space<vmem>>
    %dma_wait3A_597 = arith.constant 0 : i32
    %dma_wait3A_598 = tpu.memref_slice %arg6[%dma_wait3A_593, %dma_wait3A_597] : memref<32x128xi32, #tpu.memory_space<vmem>> -> memref<1x128xi32, #tpu.memory_space<vmem>>
    %dma_wait3A_599 = tpu.memref_squeeze %dma_wait3A_598 : memref<1x128xi32, #tpu.memory_space<vmem>> -> memref<128xi32, #tpu.memory_space<vmem>>
    %dma_wait3A_600 = arith.constant 0 : i32
    %dma_wait3A_601 = arith.constant 0 : i32
    %dma_wait3A_602 = tpu.memref_slice %arg2[%dma_wait3A_600, %dma_wait3A_601] : memref<32768x16xf32, #tpu.memory_space<hbm>> -> memref<32768x16xf32, #tpu.memory_space<hbm>>
    tpu.wait_indirect_dma semaphore(%arg9 : memref<!tpu.dma_semaphore, #tpu.memory_space<semaphore_mem>>) src(%dma_wait3A_602 : memref<32768x16xf32, #tpu.memory_space<hbm>>) dst(%dma_wait3A_596 : memref<128x16xf32, #tpu.memory_space<vmem>>)
    %dma_wait3A_603 = arith.constant 28 : i32
    %dma_wait3A_604 = arith.constant 3584 : i32
    %dma_wait3A_605 = arith.constant 0 : i32
    %dma_wait3A_606 = tpu.memref_slice %arg7[%dma_wait3A_604, %dma_wait3A_605] : memref<4096x16xf32, #tpu.memory_space<vmem>> -> memref<128x16xf32, #tpu.memory_space<vmem>>
    %dma_wait3A_607 = arith.constant 0 : i32
    %dma_wait3A_608 = tpu.memref_slice %arg6[%dma_wait3A_603, %dma_wait3A_607] : memref<32x128xi32, #tpu.memory_space<vmem>> -> memref<1x128xi32, #tpu.memory_space<vmem>>
    %dma_wait3A_609 = tpu.memref_squeeze %dma_wait3A_608 : memref<1x128xi32, #tpu.memory_space<vmem>> -> memref<128xi32, #tpu.memory_space<vmem>>
    %dma_wait3A_610 = arith.constant 0 : i32
    %dma_wait3A_611 = arith.constant 0 : i32
    %dma_wait3A_612 = tpu.memref_slice %arg2[%dma_wait3A_610, %dma_wait3A_611] : memref<32768x16xf32, #tpu.memory_space<hbm>> -> memref<32768x16xf32, #tpu.memory_space<hbm>>
    tpu.wait_indirect_dma semaphore(%arg9 : memref<!tpu.dma_semaphore, #tpu.memory_space<semaphore_mem>>) src(%dma_wait3A_612 : memref<32768x16xf32, #tpu.memory_space<hbm>>) dst(%dma_wait3A_606 : memref<128x16xf32, #tpu.memory_space<vmem>>)
    %dma_wait3A_613 = arith.constant 29 : i32
    %dma_wait3A_614 = arith.constant 3712 : i32
    %dma_wait3A_615 = arith.constant 0 : i32
    %dma_wait3A_616 = tpu.memref_slice %arg7[%dma_wait3A_614, %dma_wait3A_615] : memref<4096x16xf32, #tpu.memory_space<vmem>> -> memref<128x16xf32, #tpu.memory_space<vmem>>
    %dma_wait3A_617 = arith.constant 0 : i32
    %dma_wait3A_618 = tpu.memref_slice %arg6[%dma_wait3A_613, %dma_wait3A_617] : memref<32x128xi32, #tpu.memory_space<vmem>> -> memref<1x128xi32, #tpu.memory_space<vmem>>
    %dma_wait3A_619 = tpu.memref_squeeze %dma_wait3A_618 : memref<1x128xi32, #tpu.memory_space<vmem>> -> memref<128xi32, #tpu.memory_space<vmem>>
    %dma_wait3A_620 = arith.constant 0 : i32
    %dma_wait3A_621 = arith.constant 0 : i32
    %dma_wait3A_622 = tpu.memref_slice %arg2[%dma_wait3A_620, %dma_wait3A_621] : memref<32768x16xf32, #tpu.memory_space<hbm>> -> memref<32768x16xf32, #tpu.memory_space<hbm>>
    tpu.wait_indirect_dma semaphore(%arg9 : memref<!tpu.dma_semaphore, #tpu.memory_space<semaphore_mem>>) src(%dma_wait3A_622 : memref<32768x16xf32, #tpu.memory_space<hbm>>) dst(%dma_wait3A_616 : memref<128x16xf32, #tpu.memory_space<vmem>>)
    %dma_wait3A_623 = arith.constant 30 : i32
    %dma_wait3A_624 = arith.constant 3840 : i32
    %dma_wait3A_625 = arith.constant 0 : i32
    %dma_wait3A_626 = tpu.memref_slice %arg7[%dma_wait3A_624, %dma_wait3A_625] : memref<4096x16xf32, #tpu.memory_space<vmem>> -> memref<128x16xf32, #tpu.memory_space<vmem>>
    %dma_wait3A_627 = arith.constant 0 : i32
    %dma_wait3A_628 = tpu.memref_slice %arg6[%dma_wait3A_623, %dma_wait3A_627] : memref<32x128xi32, #tpu.memory_space<vmem>> -> memref<1x128xi32, #tpu.memory_space<vmem>>
    %dma_wait3A_629 = tpu.memref_squeeze %dma_wait3A_628 : memref<1x128xi32, #tpu.memory_space<vmem>> -> memref<128xi32, #tpu.memory_space<vmem>>
    %dma_wait3A_630 = arith.constant 0 : i32
    %dma_wait3A_631 = arith.constant 0 : i32
    %dma_wait3A_632 = tpu.memref_slice %arg2[%dma_wait3A_630, %dma_wait3A_631] : memref<32768x16xf32, #tpu.memory_space<hbm>> -> memref<32768x16xf32, #tpu.memory_space<hbm>>
    tpu.wait_indirect_dma semaphore(%arg9 : memref<!tpu.dma_semaphore, #tpu.memory_space<semaphore_mem>>) src(%dma_wait3A_632 : memref<32768x16xf32, #tpu.memory_space<hbm>>) dst(%dma_wait3A_626 : memref<128x16xf32, #tpu.memory_space<vmem>>)
    %dma_wait3A_633 = arith.constant 31 : i32
    %dma_wait3A_634 = arith.constant 3968 : i32
    %dma_wait3A_635 = arith.constant 0 : i32
    %dma_wait3A_636 = tpu.memref_slice %arg7[%dma_wait3A_634, %dma_wait3A_635] : memref<4096x16xf32, #tpu.memory_space<vmem>> -> memref<128x16xf32, #tpu.memory_space<vmem>>
    %dma_wait3A_637 = arith.constant 0 : i32
    %dma_wait3A_638 = tpu.memref_slice %arg6[%dma_wait3A_633, %dma_wait3A_637] : memref<32x128xi32, #tpu.memory_space<vmem>> -> memref<1x128xi32, #tpu.memory_space<vmem>>
    %dma_wait3A_639 = tpu.memref_squeeze %dma_wait3A_638 : memref<1x128xi32, #tpu.memory_space<vmem>> -> memref<128xi32, #tpu.memory_space<vmem>>
    %dma_wait3A_640 = arith.constant 0 : i32
    %dma_wait3A_641 = arith.constant 0 : i32
    %dma_wait3A_642 = tpu.memref_slice %arg2[%dma_wait3A_640, %dma_wait3A_641] : memref<32768x16xf32, #tpu.memory_space<hbm>> -> memref<32768x16xf32, #tpu.memory_space<hbm>>
    tpu.wait_indirect_dma semaphore(%arg9 : memref<!tpu.dma_semaphore, #tpu.memory_space<semaphore_mem>>) src(%dma_wait3A_642 : memref<32768x16xf32, #tpu.memory_space<hbm>>) dst(%dma_wait3A_636 : memref<128x16xf32, #tpu.memory_space<vmem>>)
    %scan3A = arith.constant 0 : i32
    %scan3A_643 = arith.constant 0 : i32
    %scan3A_644 = arith.constant 4096 : i32
    %scan3A_645 = arith.addi %scan3A_643, %scan3A_644 : i32
    %scan3A_646 = arith.constant 1 : i32
    scf.for %scan3A_650 = %scan3A_643 to %scan3A_645 step %scan3A_646  : i32 {
      %shift_right_logical3A = arith.constant 5 : i32
      %shift_right_logical3A_651 = arith.shrui %scan3A_650, %shift_right_logical3A : i32
      %get3A = arith.index_cast %shift_right_logical3A_651 : i32 to index
      %get3A_652 = arith.constant 0 : index
      %get3A_653 = tpu.vector_load %arg8[%get3A, %get3A_652] {strides = array<i32>} : memref<128x16xf32, #tpu.memory_space<vmem>>, vector<1x16xf32>,
      %get3A_654 = vector.shape_cast %get3A_653 : vector<1x16xf32> to vector<16xf32>
      %get3A_655 = arith.index_cast %scan3A_650 : i32 to index
      %get3A_656 = arith.constant 0 : index
      %get3A_657 = tpu.vector_load %arg7[%get3A_655, %get3A_656] {strides = array<i32>} : memref<4096x16xf32, #tpu.memory_space<vmem>>, vector<1x16xf32>,
      %get3A_658 = vector.shape_cast %get3A_657 : vector<1x16xf32> to vector<16xf32>
      %sub3A = arith.subf %get3A_658, %get3A_654 : vector<16xf32>
      %swap3A = arith.index_cast %scan3A_650 : i32 to index
      %swap3A_659 = arith.constant 0 : index
      %swap3A_660 = tpu.vector_load %arg7[%swap3A, %swap3A_659] {strides = array<i32>} : memref<4096x16xf32, #tpu.memory_space<vmem>>, vector<1x16xf32>,
      %swap3A_661 = vector.shape_cast %swap3A_660 : vector<1x16xf32> to vector<16xf32>
      %swap3A_662 = vector.shape_cast %sub3A : vector<16xf32> to vector<1x16xf32>
      tpu.vector_store %arg7[%swap3A, %swap3A_659], %swap3A_662 {strides = array<i32>} : memref<4096x16xf32, #tpu.memory_space<vmem>>, vector<1x16xf32>,
    }
    %scan3A_647 = arith.constant 4096 : i32
    %mul3A_648 = arith.constant 4096 : i32
    %mul3A_649 = arith.muli %add3A, %mul3A_648 : i32
    "tpu.region"() ({
      %run_scoped3A = tpu.sem_alloc : memref<!tpu.dma_semaphore, #tpu.memory_space<semaphore_mem>>
      %dma_start3A_650 = arith.constant 0 : i32
      %dma_start3A_651 = tpu.memref_slice %arg5[%mul3A_649, %dma_start3A_650] : memref<131072x16xf32, #tpu.memory_space<hbm>> -> memref<4096x16xf32, #tpu.memory_space<hbm>>
      %dma_start3A_652 = arith.constant 0 : i32
      %dma_start3A_653 = tpu.memref_slice %arg5[%mul3A_649, %dma_start3A_652] : memref<131072x16xf32, #tpu.memory_space<hbm>> -> memref<4096x16xf32, #tpu.memory_space<hbm>>
      tpu.enqueue_dma source(%arg7 : memref<4096x16xf32, #tpu.memory_space<vmem>>) target(%dma_start3A_653 : memref<4096x16xf32, #tpu.memory_space<hbm>>) target_semaphore(%run_scoped3A : memref<!tpu.dma_semaphore, #tpu.memory_space<semaphore_mem>>)
      %dma_wait3A_654 = arith.constant 0 : i32
      %dma_wait3A_655 = tpu.memref_slice %arg5[%mul3A_649, %dma_wait3A_654] : memref<131072x16xf32, #tpu.memory_space<hbm>> -> memref<4096x16xf32, #tpu.memory_space<hbm>>
      %dma_wait3A_656 = arith.constant 0 : i32
      %dma_wait3A_657 = tpu.memref_slice %arg5[%mul3A_649, %dma_wait3A_656] : memref<131072x16xf32, #tpu.memory_space<hbm>> -> memref<4096x16xf32, #tpu.memory_space<hbm>>
      tpu.wait_dma2 semaphore(%run_scoped3A : memref<!tpu.dma_semaphore, #tpu.memory_space<semaphore_mem>>) src(%arg7 : memref<4096x16xf32, #tpu.memory_space<vmem>>) dst(%dma_wait3A_657 : memref<4096x16xf32, #tpu.memory_space<hbm>>)
      tpu.yield
    }) : () -> ()
    return
  }
}

module attributes {stable_mosaic.version = 14 : i64} {
  func.func @_fps_body(%arg0: memref<4x64x128xf32, #tpu.memory_space<vmem>>, %arg1: memref<4x64x128xf32, #tpu.memory_space<vmem>>, %arg2: memref<4x64x128xf32, #tpu.memory_space<vmem>>, %arg3: memref<4x8x128xf32, #tpu.memory_space<vmem>>, %arg4: memref<4x8x128xf32, #tpu.memory_space<vmem>>, %arg5: memref<4x8x128xf32, #tpu.memory_space<vmem>>, %arg6: memref<4x8x128xi32, #tpu.memory_space<vmem>>) attributes {dimension_semantics = [], scalar_prefetch = 0 : i64, scratch_operands = 0 : i64, tpu.core_type = #tpu.core_type<tc>} {
    %iota3A = tpu.iota {dimensions = array<i32: 0>} : vector<64x128xi32>
    %mul3A = arith.constant 128 : i32
    %mul3A_0 = vector.broadcast %mul3A : i32 to vector<64x128xi32>
    %mul3A_1 = arith.muli %iota3A, %mul3A_0 : vector<64x128xi32>
    %iota3A_2 = tpu.iota {dimensions = array<i32: 1>} : vector<64x128xi32>
    %add3A = arith.addi %mul3A_1, %iota3A_2 : vector<64x128xi32>
    %iota3A_3 = tpu.iota {dimensions = array<i32: 0>} : vector<8x128xi32>
    %mul3A_4 = arith.constant 128 : i32
    %mul3A_5 = vector.broadcast %mul3A_4 : i32 to vector<8x128xi32>
    %mul3A_6 = arith.muli %iota3A_3, %mul3A_5 : vector<8x128xi32>
    %iota3A_7 = tpu.iota {dimensions = array<i32: 1>} : vector<8x128xi32>
    %add3A_8 = arith.addi %mul3A_6, %iota3A_7 : vector<8x128xi32>
    %broadcast_in_dim3A = arith.constant 1.000000e+10 : f32
    %broadcast_in_dim3A_9 = vector.broadcast %broadcast_in_dim3A : f32 to vector<64x128xf32>
    %broadcast_in_dim3A_10 = arith.constant 0 : i32
    %broadcast_in_dim3A_11 = vector.broadcast %broadcast_in_dim3A_10 : i32 to vector<1x1xi32>
    %get3A = arith.constant 0 : index
    %get3A_12 = arith.constant 0 : index
    %get3A_13 = arith.constant 0 : index
    %get3A_14 = vector.load %arg0[%get3A, %get3A_12, %get3A_13] : memref<4x64x128xf32, #tpu.memory_space<vmem>>, vector<1x64x128xf32>
    %get3A_15 = vector.shape_cast %get3A_14 : vector<1x64x128xf32> to vector<64x128xf32>
    %slice3A = vector.extract_strided_slice %get3A_15 {offsets = [0, 0], sizes = [1, 1], strides = [1, 1]} : vector<64x128xf32> to vector<1x1xf32>
    %get3A_16 = arith.constant 0 : index
    %get3A_17 = arith.constant 0 : index
    %get3A_18 = arith.constant 0 : index
    %get3A_19 = vector.load %arg1[%get3A_16, %get3A_17, %get3A_18] : memref<4x64x128xf32, #tpu.memory_space<vmem>>, vector<1x64x128xf32>
    %get3A_20 = vector.shape_cast %get3A_19 : vector<1x64x128xf32> to vector<64x128xf32>
    %slice3A_21 = vector.extract_strided_slice %get3A_20 {offsets = [0, 0], sizes = [1, 1], strides = [1, 1]} : vector<64x128xf32> to vector<1x1xf32>
    %get3A_22 = arith.constant 0 : index
    %get3A_23 = arith.constant 0 : index
    %get3A_24 = arith.constant 0 : index
    %get3A_25 = vector.load %arg2[%get3A_22, %get3A_23, %get3A_24] : memref<4x64x128xf32, #tpu.memory_space<vmem>>, vector<1x64x128xf32>
    %get3A_26 = vector.shape_cast %get3A_25 : vector<1x64x128xf32> to vector<64x128xf32>
    %slice3A_27 = vector.extract_strided_slice %get3A_26 {offsets = [0, 0], sizes = [1, 1], strides = [1, 1]} : vector<64x128xf32> to vector<1x1xf32>
    %broadcast_in_dim3A_28 = arith.constant 1.000000e+10 : f32
    %broadcast_in_dim3A_29 = vector.broadcast %broadcast_in_dim3A_28 : f32 to vector<64x128xf32>
    %broadcast_in_dim3A_30 = arith.constant 0 : i32
    %broadcast_in_dim3A_31 = vector.broadcast %broadcast_in_dim3A_30 : i32 to vector<1x1xi32>
    %get3A_32 = arith.constant 1 : index
    %get3A_33 = arith.constant 0 : index
    %get3A_34 = arith.constant 0 : index
    %get3A_35 = vector.load %arg0[%get3A_32, %get3A_33, %get3A_34] : memref<4x64x128xf32, #tpu.memory_space<vmem>>, vector<1x64x128xf32>
    %get3A_36 = vector.shape_cast %get3A_35 : vector<1x64x128xf32> to vector<64x128xf32>
    %slice3A_37 = vector.extract_strided_slice %get3A_36 {offsets = [0, 0], sizes = [1, 1], strides = [1, 1]} : vector<64x128xf32> to vector<1x1xf32>
    %get3A_38 = arith.constant 1 : index
    %get3A_39 = arith.constant 0 : index
    %get3A_40 = arith.constant 0 : index
    %get3A_41 = vector.load %arg1[%get3A_38, %get3A_39, %get3A_40] : memref<4x64x128xf32, #tpu.memory_space<vmem>>, vector<1x64x128xf32>
    %get3A_42 = vector.shape_cast %get3A_41 : vector<1x64x128xf32> to vector<64x128xf32>
    %slice3A_43 = vector.extract_strided_slice %get3A_42 {offsets = [0, 0], sizes = [1, 1], strides = [1, 1]} : vector<64x128xf32> to vector<1x1xf32>
    %get3A_44 = arith.constant 1 : index
    %get3A_45 = arith.constant 0 : index
    %get3A_46 = arith.constant 0 : index
    %get3A_47 = vector.load %arg2[%get3A_44, %get3A_45, %get3A_46] : memref<4x64x128xf32, #tpu.memory_space<vmem>>, vector<1x64x128xf32>
    %get3A_48 = vector.shape_cast %get3A_47 : vector<1x64x128xf32> to vector<64x128xf32>
    %slice3A_49 = vector.extract_strided_slice %get3A_48 {offsets = [0, 0], sizes = [1, 1], strides = [1, 1]} : vector<64x128xf32> to vector<1x1xf32>
    %broadcast_in_dim3A_50 = arith.constant 1.000000e+10 : f32
    %broadcast_in_dim3A_51 = vector.broadcast %broadcast_in_dim3A_50 : f32 to vector<64x128xf32>
    %broadcast_in_dim3A_52 = arith.constant 0 : i32
    %broadcast_in_dim3A_53 = vector.broadcast %broadcast_in_dim3A_52 : i32 to vector<1x1xi32>
    %get3A_54 = arith.constant 2 : index
    %get3A_55 = arith.constant 0 : index
    %get3A_56 = arith.constant 0 : index
    %get3A_57 = vector.load %arg0[%get3A_54, %get3A_55, %get3A_56] : memref<4x64x128xf32, #tpu.memory_space<vmem>>, vector<1x64x128xf32>
    %get3A_58 = vector.shape_cast %get3A_57 : vector<1x64x128xf32> to vector<64x128xf32>
    %slice3A_59 = vector.extract_strided_slice %get3A_58 {offsets = [0, 0], sizes = [1, 1], strides = [1, 1]} : vector<64x128xf32> to vector<1x1xf32>
    %get3A_60 = arith.constant 2 : index
    %get3A_61 = arith.constant 0 : index
    %get3A_62 = arith.constant 0 : index
    %get3A_63 = vector.load %arg1[%get3A_60, %get3A_61, %get3A_62] : memref<4x64x128xf32, #tpu.memory_space<vmem>>, vector<1x64x128xf32>
    %get3A_64 = vector.shape_cast %get3A_63 : vector<1x64x128xf32> to vector<64x128xf32>
    %slice3A_65 = vector.extract_strided_slice %get3A_64 {offsets = [0, 0], sizes = [1, 1], strides = [1, 1]} : vector<64x128xf32> to vector<1x1xf32>
    %get3A_66 = arith.constant 2 : index
    %get3A_67 = arith.constant 0 : index
    %get3A_68 = arith.constant 0 : index
    %get3A_69 = vector.load %arg2[%get3A_66, %get3A_67, %get3A_68] : memref<4x64x128xf32, #tpu.memory_space<vmem>>, vector<1x64x128xf32>
    %get3A_70 = vector.shape_cast %get3A_69 : vector<1x64x128xf32> to vector<64x128xf32>
    %slice3A_71 = vector.extract_strided_slice %get3A_70 {offsets = [0, 0], sizes = [1, 1], strides = [1, 1]} : vector<64x128xf32> to vector<1x1xf32>
    %broadcast_in_dim3A_72 = arith.constant 1.000000e+10 : f32
    %broadcast_in_dim3A_73 = vector.broadcast %broadcast_in_dim3A_72 : f32 to vector<64x128xf32>
    %broadcast_in_dim3A_74 = arith.constant 0 : i32
    %broadcast_in_dim3A_75 = vector.broadcast %broadcast_in_dim3A_74 : i32 to vector<1x1xi32>
    %get3A_76 = arith.constant 3 : index
    %get3A_77 = arith.constant 0 : index
    %get3A_78 = arith.constant 0 : index
    %get3A_79 = vector.load %arg0[%get3A_76, %get3A_77, %get3A_78] : memref<4x64x128xf32, #tpu.memory_space<vmem>>, vector<1x64x128xf32>
    %get3A_80 = vector.shape_cast %get3A_79 : vector<1x64x128xf32> to vector<64x128xf32>
    %slice3A_81 = vector.extract_strided_slice %get3A_80 {offsets = [0, 0], sizes = [1, 1], strides = [1, 1]} : vector<64x128xf32> to vector<1x1xf32>
    %get3A_82 = arith.constant 3 : index
    %get3A_83 = arith.constant 0 : index
    %get3A_84 = arith.constant 0 : index
    %get3A_85 = vector.load %arg1[%get3A_82, %get3A_83, %get3A_84] : memref<4x64x128xf32, #tpu.memory_space<vmem>>, vector<1x64x128xf32>
    %get3A_86 = vector.shape_cast %get3A_85 : vector<1x64x128xf32> to vector<64x128xf32>
    %slice3A_87 = vector.extract_strided_slice %get3A_86 {offsets = [0, 0], sizes = [1, 1], strides = [1, 1]} : vector<64x128xf32> to vector<1x1xf32>
    %get3A_88 = arith.constant 3 : index
    %get3A_89 = arith.constant 0 : index
    %get3A_90 = arith.constant 0 : index
    %get3A_91 = vector.load %arg2[%get3A_88, %get3A_89, %get3A_90] : memref<4x64x128xf32, #tpu.memory_space<vmem>>, vector<1x64x128xf32>
    %get3A_92 = vector.shape_cast %get3A_91 : vector<1x64x128xf32> to vector<64x128xf32>
    %slice3A_93 = vector.extract_strided_slice %get3A_92 {offsets = [0, 0], sizes = [1, 1], strides = [1, 1]} : vector<64x128xf32> to vector<1x1xf32>
    %scan3A = arith.constant 0 : i32
    %scan3A_94 = arith.constant 1024 : i32
    %scan3A_95 = arith.addi %scan3A, %scan3A_94 : i32
    %scan3A_96 = arith.constant 1 : i32
    %scan3A_97:20 = scf.for %scan3A_99 = %scan3A to %scan3A_95 step %scan3A_96 iter_args(%scan3A_100 = %broadcast_in_dim3A_9, %scan3A_101 = %broadcast_in_dim3A_11, %scan3A_102 = %slice3A, %scan3A_103 = %slice3A_21, %scan3A_104 = %slice3A_27, %scan3A_105 = %broadcast_in_dim3A_29, %scan3A_106 = %broadcast_in_dim3A_31, %scan3A_107 = %slice3A_37, %scan3A_108 = %slice3A_43, %scan3A_109 = %slice3A_49, %scan3A_110 = %broadcast_in_dim3A_51, %scan3A_111 = %broadcast_in_dim3A_53, %scan3A_112 = %slice3A_59, %scan3A_113 = %slice3A_65, %scan3A_114 = %slice3A_71, %scan3A_115 = %broadcast_in_dim3A_73, %scan3A_116 = %broadcast_in_dim3A_75, %scan3A_117 = %slice3A_81, %scan3A_118 = %slice3A_87, %scan3A_119 = %slice3A_93) -> (vector<64x128xf32>, vector<1x1xi32>, vector<1x1xf32>, vector<1x1xf32>, vector<1x1xf32>, vector<64x128xf32>, vector<1x1xi32>, vector<1x1xf32>, vector<1x1xf32>, vector<1x1xf32>, vector<64x128xf32>, vector<1x1xi32>, vector<1x1xf32>, vector<1x1xf32>, vector<1x1xf32>, vector<64x128xf32>, vector<1x1xi32>, vector<1x1xf32>, vector<1x1xf32>, vector<1x1xf32>)  : i32 {
      %eq3A = vector.broadcast %scan3A_99 : i32 to vector<8x128xi32>
      %eq3A_120 = arith.cmpi eq, %add3A_8, %eq3A : vector<8x128xi32>
      %get3A_121 = arith.constant 0 : index
      %get3A_122 = arith.constant 0 : index
      %get3A_123 = arith.constant 0 : index
      %get3A_124 = vector.load %arg0[%get3A_121, %get3A_122, %get3A_123] : memref<4x64x128xf32, #tpu.memory_space<vmem>>, vector<1x64x128xf32>
      %get3A_125 = vector.shape_cast %get3A_124 : vector<1x64x128xf32> to vector<64x128xf32>
      %get3A_126 = arith.constant 0 : index
      %get3A_127 = arith.constant 0 : index
      %get3A_128 = arith.constant 0 : index
      %get3A_129 = vector.load %arg1[%get3A_126, %get3A_127, %get3A_128] : memref<4x64x128xf32, #tpu.memory_space<vmem>>, vector<1x64x128xf32>
      %get3A_130 = vector.shape_cast %get3A_129 : vector<1x64x128xf32> to vector<64x128xf32>
      %get3A_131 = arith.constant 0 : index
      %get3A_132 = arith.constant 0 : index
      %get3A_133 = arith.constant 0 : index
      %get3A_134 = vector.load %arg2[%get3A_131, %get3A_132, %get3A_133] : memref<4x64x128xf32, #tpu.memory_space<vmem>>, vector<1x64x128xf32>
      %get3A_135 = vector.shape_cast %get3A_134 : vector<1x64x128xf32> to vector<64x128xf32>
      %get3A_136 = arith.constant 0 : index
      %get3A_137 = arith.constant 0 : index
      %get3A_138 = arith.constant 0 : index
      %get3A_139 = vector.load %arg6[%get3A_136, %get3A_137, %get3A_138] : memref<4x8x128xi32, #tpu.memory_space<vmem>>, vector<1x8x128xi32>
      %get3A_140 = vector.shape_cast %get3A_139 : vector<1x8x128xi32> to vector<8x128xi32>
      %broadcast_in_dim3A_141 = vector.shape_cast %scan3A_101 : vector<1x1xi32> to vector<1x1xi32>
      %broadcast_in_dim3A_142 = vector.broadcast %broadcast_in_dim3A_141 : vector<1x1xi32> to vector<8x128xi32>
      %select_n3A = arith.select %eq3A_120, %broadcast_in_dim3A_142, %get3A_140 : vector<8x128xi1>, vector<8x128xi32>
      %swap3A = arith.constant 0 : index
      %swap3A_143 = arith.constant 0 : index
      %swap3A_144 = arith.constant 0 : index
      %swap3A_145 = vector.load %arg6[%swap3A, %swap3A_143, %swap3A_144] : memref<4x8x128xi32, #tpu.memory_space<vmem>>, vector<1x8x128xi32>
      %swap3A_146 = vector.shape_cast %swap3A_145 : vector<1x8x128xi32> to vector<8x128xi32>
      %swap3A_147 = vector.shape_cast %select_n3A : vector<8x128xi32> to vector<1x8x128xi32>
      tpu.vector_store %arg6[%swap3A, %swap3A_143, %swap3A_144], %swap3A_147 {strides = array<i32>} : memref<4x8x128xi32, #tpu.memory_space<vmem>>, vector<1x8x128xi32>,
      %get3A_148 = arith.constant 0 : index
      %get3A_149 = arith.constant 0 : index
      %get3A_150 = arith.constant 0 : index
      %get3A_151 = vector.load %arg3[%get3A_148, %get3A_149, %get3A_150] : memref<4x8x128xf32, #tpu.memory_space<vmem>>, vector<1x8x128xf32>
      %get3A_152 = vector.shape_cast %get3A_151 : vector<1x8x128xf32> to vector<8x128xf32>
      %broadcast_in_dim3A_153 = vector.shape_cast %scan3A_102 : vector<1x1xf32> to vector<1x1xf32>
      %broadcast_in_dim3A_154 = vector.broadcast %broadcast_in_dim3A_153 : vector<1x1xf32> to vector<8x128xf32>
      %select_n3A_155 = arith.select %eq3A_120, %broadcast_in_dim3A_154, %get3A_152 : vector<8x128xi1>, vector<8x128xf32>
      %swap3A_156 = arith.constant 0 : index
      %swap3A_157 = arith.constant 0 : index
      %swap3A_158 = arith.constant 0 : index
      %swap3A_159 = vector.load %arg3[%swap3A_156, %swap3A_157, %swap3A_158] : memref<4x8x128xf32, #tpu.memory_space<vmem>>, vector<1x8x128xf32>
      %swap3A_160 = vector.shape_cast %swap3A_159 : vector<1x8x128xf32> to vector<8x128xf32>
      %swap3A_161 = vector.shape_cast %select_n3A_155 : vector<8x128xf32> to vector<1x8x128xf32>
      tpu.vector_store %arg3[%swap3A_156, %swap3A_157, %swap3A_158], %swap3A_161 {strides = array<i32>} : memref<4x8x128xf32, #tpu.memory_space<vmem>>, vector<1x8x128xf32>,
      %get3A_162 = arith.constant 0 : index
      %get3A_163 = arith.constant 0 : index
      %get3A_164 = arith.constant 0 : index
      %get3A_165 = vector.load %arg4[%get3A_162, %get3A_163, %get3A_164] : memref<4x8x128xf32, #tpu.memory_space<vmem>>, vector<1x8x128xf32>
      %get3A_166 = vector.shape_cast %get3A_165 : vector<1x8x128xf32> to vector<8x128xf32>
      %broadcast_in_dim3A_167 = vector.shape_cast %scan3A_103 : vector<1x1xf32> to vector<1x1xf32>
      %broadcast_in_dim3A_168 = vector.broadcast %broadcast_in_dim3A_167 : vector<1x1xf32> to vector<8x128xf32>
      %select_n3A_169 = arith.select %eq3A_120, %broadcast_in_dim3A_168, %get3A_166 : vector<8x128xi1>, vector<8x128xf32>
      %swap3A_170 = arith.constant 0 : index
      %swap3A_171 = arith.constant 0 : index
      %swap3A_172 = arith.constant 0 : index
      %swap3A_173 = vector.load %arg4[%swap3A_170, %swap3A_171, %swap3A_172] : memref<4x8x128xf32, #tpu.memory_space<vmem>>, vector<1x8x128xf32>
      %swap3A_174 = vector.shape_cast %swap3A_173 : vector<1x8x128xf32> to vector<8x128xf32>
      %swap3A_175 = vector.shape_cast %select_n3A_169 : vector<8x128xf32> to vector<1x8x128xf32>
      tpu.vector_store %arg4[%swap3A_170, %swap3A_171, %swap3A_172], %swap3A_175 {strides = array<i32>} : memref<4x8x128xf32, #tpu.memory_space<vmem>>, vector<1x8x128xf32>,
      %get3A_176 = arith.constant 0 : index
      %get3A_177 = arith.constant 0 : index
      %get3A_178 = arith.constant 0 : index
      %get3A_179 = vector.load %arg5[%get3A_176, %get3A_177, %get3A_178] : memref<4x8x128xf32, #tpu.memory_space<vmem>>, vector<1x8x128xf32>
      %get3A_180 = vector.shape_cast %get3A_179 : vector<1x8x128xf32> to vector<8x128xf32>
      %broadcast_in_dim3A_181 = vector.shape_cast %scan3A_104 : vector<1x1xf32> to vector<1x1xf32>
      %broadcast_in_dim3A_182 = vector.broadcast %broadcast_in_dim3A_181 : vector<1x1xf32> to vector<8x128xf32>
      %select_n3A_183 = arith.select %eq3A_120, %broadcast_in_dim3A_182, %get3A_180 : vector<8x128xi1>, vector<8x128xf32>
      %swap3A_184 = arith.constant 0 : index
      %swap3A_185 = arith.constant 0 : index
      %swap3A_186 = arith.constant 0 : index
      %swap3A_187 = vector.load %arg5[%swap3A_184, %swap3A_185, %swap3A_186] : memref<4x8x128xf32, #tpu.memory_space<vmem>>, vector<1x8x128xf32>
      %swap3A_188 = vector.shape_cast %swap3A_187 : vector<1x8x128xf32> to vector<8x128xf32>
      %swap3A_189 = vector.shape_cast %select_n3A_183 : vector<8x128xf32> to vector<1x8x128xf32>
      tpu.vector_store %arg5[%swap3A_184, %swap3A_185, %swap3A_186], %swap3A_189 {strides = array<i32>} : memref<4x8x128xf32, #tpu.memory_space<vmem>>, vector<1x8x128xf32>,
      %sub3A = vector.broadcast %scan3A_102 : vector<1x1xf32> to vector<64x128xf32>
      %sub3A_190 = arith.subf %get3A_125, %sub3A : vector<64x128xf32>
      %sub3A_191 = vector.broadcast %scan3A_103 : vector<1x1xf32> to vector<64x128xf32>
      %sub3A_192 = arith.subf %get3A_130, %sub3A_191 : vector<64x128xf32>
      %sub3A_193 = vector.broadcast %scan3A_104 : vector<1x1xf32> to vector<64x128xf32>
      %sub3A_194 = arith.subf %get3A_135, %sub3A_193 : vector<64x128xf32>
      %mul3A_195 = arith.mulf %sub3A_190, %sub3A_190 : vector<64x128xf32>
      %mul3A_196 = arith.mulf %sub3A_192, %sub3A_192 : vector<64x128xf32>
      %add3A_197 = arith.addf %mul3A_195, %mul3A_196 : vector<64x128xf32>
      %mul3A_198 = arith.mulf %sub3A_194, %sub3A_194 : vector<64x128xf32>
      %add3A_199 = arith.addf %add3A_197, %mul3A_198 : vector<64x128xf32>
      %min3A = arith.minimumf %scan3A_100, %add3A_199 : vector<64x128xf32>
      %get3A_200 = arith.constant 1 : index
      %get3A_201 = arith.constant 0 : index
      %get3A_202 = arith.constant 0 : index
      %get3A_203 = vector.load %arg0[%get3A_200, %get3A_201, %get3A_202] : memref<4x64x128xf32, #tpu.memory_space<vmem>>, vector<1x64x128xf32>
      %get3A_204 = vector.shape_cast %get3A_203 : vector<1x64x128xf32> to vector<64x128xf32>
      %get3A_205 = arith.constant 1 : index
      %get3A_206 = arith.constant 0 : index
      %get3A_207 = arith.constant 0 : index
      %get3A_208 = vector.load %arg1[%get3A_205, %get3A_206, %get3A_207] : memref<4x64x128xf32, #tpu.memory_space<vmem>>, vector<1x64x128xf32>
      %get3A_209 = vector.shape_cast %get3A_208 : vector<1x64x128xf32> to vector<64x128xf32>
      %get3A_210 = arith.constant 1 : index
      %get3A_211 = arith.constant 0 : index
      %get3A_212 = arith.constant 0 : index
      %get3A_213 = vector.load %arg2[%get3A_210, %get3A_211, %get3A_212] : memref<4x64x128xf32, #tpu.memory_space<vmem>>, vector<1x64x128xf32>
      %get3A_214 = vector.shape_cast %get3A_213 : vector<1x64x128xf32> to vector<64x128xf32>
      %get3A_215 = arith.constant 1 : index
      %get3A_216 = arith.constant 0 : index
      %get3A_217 = arith.constant 0 : index
      %get3A_218 = vector.load %arg6[%get3A_215, %get3A_216, %get3A_217] : memref<4x8x128xi32, #tpu.memory_space<vmem>>, vector<1x8x128xi32>
      %get3A_219 = vector.shape_cast %get3A_218 : vector<1x8x128xi32> to vector<8x128xi32>
      %broadcast_in_dim3A_220 = vector.shape_cast %scan3A_106 : vector<1x1xi32> to vector<1x1xi32>
      %broadcast_in_dim3A_221 = vector.broadcast %broadcast_in_dim3A_220 : vector<1x1xi32> to vector<8x128xi32>
      %select_n3A_222 = arith.select %eq3A_120, %broadcast_in_dim3A_221, %get3A_219 : vector<8x128xi1>, vector<8x128xi32>
      %swap3A_223 = arith.constant 1 : index
      %swap3A_224 = arith.constant 0 : index
      %swap3A_225 = arith.constant 0 : index
      %swap3A_226 = vector.load %arg6[%swap3A_223, %swap3A_224, %swap3A_225] : memref<4x8x128xi32, #tpu.memory_space<vmem>>, vector<1x8x128xi32>
      %swap3A_227 = vector.shape_cast %swap3A_226 : vector<1x8x128xi32> to vector<8x128xi32>
      %swap3A_228 = vector.shape_cast %select_n3A_222 : vector<8x128xi32> to vector<1x8x128xi32>
      tpu.vector_store %arg6[%swap3A_223, %swap3A_224, %swap3A_225], %swap3A_228 {strides = array<i32>} : memref<4x8x128xi32, #tpu.memory_space<vmem>>, vector<1x8x128xi32>,
      %get3A_229 = arith.constant 1 : index
      %get3A_230 = arith.constant 0 : index
      %get3A_231 = arith.constant 0 : index
      %get3A_232 = vector.load %arg3[%get3A_229, %get3A_230, %get3A_231] : memref<4x8x128xf32, #tpu.memory_space<vmem>>, vector<1x8x128xf32>
      %get3A_233 = vector.shape_cast %get3A_232 : vector<1x8x128xf32> to vector<8x128xf32>
      %broadcast_in_dim3A_234 = vector.shape_cast %scan3A_107 : vector<1x1xf32> to vector<1x1xf32>
      %broadcast_in_dim3A_235 = vector.broadcast %broadcast_in_dim3A_234 : vector<1x1xf32> to vector<8x128xf32>
      %select_n3A_236 = arith.select %eq3A_120, %broadcast_in_dim3A_235, %get3A_233 : vector<8x128xi1>, vector<8x128xf32>
      %swap3A_237 = arith.constant 1 : index
      %swap3A_238 = arith.constant 0 : index
      %swap3A_239 = arith.constant 0 : index
      %swap3A_240 = vector.load %arg3[%swap3A_237, %swap3A_238, %swap3A_239] : memref<4x8x128xf32, #tpu.memory_space<vmem>>, vector<1x8x128xf32>
      %swap3A_241 = vector.shape_cast %swap3A_240 : vector<1x8x128xf32> to vector<8x128xf32>
      %swap3A_242 = vector.shape_cast %select_n3A_236 : vector<8x128xf32> to vector<1x8x128xf32>
      tpu.vector_store %arg3[%swap3A_237, %swap3A_238, %swap3A_239], %swap3A_242 {strides = array<i32>} : memref<4x8x128xf32, #tpu.memory_space<vmem>>, vector<1x8x128xf32>,
      %get3A_243 = arith.constant 1 : index
      %get3A_244 = arith.constant 0 : index
      %get3A_245 = arith.constant 0 : index
      %get3A_246 = vector.load %arg4[%get3A_243, %get3A_244, %get3A_245] : memref<4x8x128xf32, #tpu.memory_space<vmem>>, vector<1x8x128xf32>
      %get3A_247 = vector.shape_cast %get3A_246 : vector<1x8x128xf32> to vector<8x128xf32>
      %broadcast_in_dim3A_248 = vector.shape_cast %scan3A_108 : vector<1x1xf32> to vector<1x1xf32>
      %broadcast_in_dim3A_249 = vector.broadcast %broadcast_in_dim3A_248 : vector<1x1xf32> to vector<8x128xf32>
      %select_n3A_250 = arith.select %eq3A_120, %broadcast_in_dim3A_249, %get3A_247 : vector<8x128xi1>, vector<8x128xf32>
      %swap3A_251 = arith.constant 1 : index
      %swap3A_252 = arith.constant 0 : index
      %swap3A_253 = arith.constant 0 : index
      %swap3A_254 = vector.load %arg4[%swap3A_251, %swap3A_252, %swap3A_253] : memref<4x8x128xf32, #tpu.memory_space<vmem>>, vector<1x8x128xf32>
      %swap3A_255 = vector.shape_cast %swap3A_254 : vector<1x8x128xf32> to vector<8x128xf32>
      %swap3A_256 = vector.shape_cast %select_n3A_250 : vector<8x128xf32> to vector<1x8x128xf32>
      tpu.vector_store %arg4[%swap3A_251, %swap3A_252, %swap3A_253], %swap3A_256 {strides = array<i32>} : memref<4x8x128xf32, #tpu.memory_space<vmem>>, vector<1x8x128xf32>,
      %get3A_257 = arith.constant 1 : index
      %get3A_258 = arith.constant 0 : index
      %get3A_259 = arith.constant 0 : index
      %get3A_260 = vector.load %arg5[%get3A_257, %get3A_258, %get3A_259] : memref<4x8x128xf32, #tpu.memory_space<vmem>>, vector<1x8x128xf32>
      %get3A_261 = vector.shape_cast %get3A_260 : vector<1x8x128xf32> to vector<8x128xf32>
      %broadcast_in_dim3A_262 = vector.shape_cast %scan3A_109 : vector<1x1xf32> to vector<1x1xf32>
      %broadcast_in_dim3A_263 = vector.broadcast %broadcast_in_dim3A_262 : vector<1x1xf32> to vector<8x128xf32>
      %select_n3A_264 = arith.select %eq3A_120, %broadcast_in_dim3A_263, %get3A_261 : vector<8x128xi1>, vector<8x128xf32>
      %swap3A_265 = arith.constant 1 : index
      %swap3A_266 = arith.constant 0 : index
      %swap3A_267 = arith.constant 0 : index
      %swap3A_268 = vector.load %arg5[%swap3A_265, %swap3A_266, %swap3A_267] : memref<4x8x128xf32, #tpu.memory_space<vmem>>, vector<1x8x128xf32>
      %swap3A_269 = vector.shape_cast %swap3A_268 : vector<1x8x128xf32> to vector<8x128xf32>
      %swap3A_270 = vector.shape_cast %select_n3A_264 : vector<8x128xf32> to vector<1x8x128xf32>
      tpu.vector_store %arg5[%swap3A_265, %swap3A_266, %swap3A_267], %swap3A_270 {strides = array<i32>} : memref<4x8x128xf32, #tpu.memory_space<vmem>>, vector<1x8x128xf32>,
      %sub3A_271 = vector.broadcast %scan3A_107 : vector<1x1xf32> to vector<64x128xf32>
      %sub3A_272 = arith.subf %get3A_204, %sub3A_271 : vector<64x128xf32>
      %sub3A_273 = vector.broadcast %scan3A_108 : vector<1x1xf32> to vector<64x128xf32>
      %sub3A_274 = arith.subf %get3A_209, %sub3A_273 : vector<64x128xf32>
      %sub3A_275 = vector.broadcast %scan3A_109 : vector<1x1xf32> to vector<64x128xf32>
      %sub3A_276 = arith.subf %get3A_214, %sub3A_275 : vector<64x128xf32>
      %mul3A_277 = arith.mulf %sub3A_272, %sub3A_272 : vector<64x128xf32>
      %mul3A_278 = arith.mulf %sub3A_274, %sub3A_274 : vector<64x128xf32>
      %add3A_279 = arith.addf %mul3A_277, %mul3A_278 : vector<64x128xf32>
      %mul3A_280 = arith.mulf %sub3A_276, %sub3A_276 : vector<64x128xf32>
      %add3A_281 = arith.addf %add3A_279, %mul3A_280 : vector<64x128xf32>
      %min3A_282 = arith.minimumf %scan3A_105, %add3A_281 : vector<64x128xf32>
      %get3A_283 = arith.constant 2 : index
      %get3A_284 = arith.constant 0 : index
      %get3A_285 = arith.constant 0 : index
      %get3A_286 = vector.load %arg0[%get3A_283, %get3A_284, %get3A_285] : memref<4x64x128xf32, #tpu.memory_space<vmem>>, vector<1x64x128xf32>
      %get3A_287 = vector.shape_cast %get3A_286 : vector<1x64x128xf32> to vector<64x128xf32>
      %get3A_288 = arith.constant 2 : index
      %get3A_289 = arith.constant 0 : index
      %get3A_290 = arith.constant 0 : index
      %get3A_291 = vector.load %arg1[%get3A_288, %get3A_289, %get3A_290] : memref<4x64x128xf32, #tpu.memory_space<vmem>>, vector<1x64x128xf32>
      %get3A_292 = vector.shape_cast %get3A_291 : vector<1x64x128xf32> to vector<64x128xf32>
      %get3A_293 = arith.constant 2 : index
      %get3A_294 = arith.constant 0 : index
      %get3A_295 = arith.constant 0 : index
      %get3A_296 = vector.load %arg2[%get3A_293, %get3A_294, %get3A_295] : memref<4x64x128xf32, #tpu.memory_space<vmem>>, vector<1x64x128xf32>
      %get3A_297 = vector.shape_cast %get3A_296 : vector<1x64x128xf32> to vector<64x128xf32>
      %get3A_298 = arith.constant 2 : index
      %get3A_299 = arith.constant 0 : index
      %get3A_300 = arith.constant 0 : index
      %get3A_301 = vector.load %arg6[%get3A_298, %get3A_299, %get3A_300] : memref<4x8x128xi32, #tpu.memory_space<vmem>>, vector<1x8x128xi32>
      %get3A_302 = vector.shape_cast %get3A_301 : vector<1x8x128xi32> to vector<8x128xi32>
      %broadcast_in_dim3A_303 = vector.shape_cast %scan3A_111 : vector<1x1xi32> to vector<1x1xi32>
      %broadcast_in_dim3A_304 = vector.broadcast %broadcast_in_dim3A_303 : vector<1x1xi32> to vector<8x128xi32>
      %select_n3A_305 = arith.select %eq3A_120, %broadcast_in_dim3A_304, %get3A_302 : vector<8x128xi1>, vector<8x128xi32>
      %swap3A_306 = arith.constant 2 : index
      %swap3A_307 = arith.constant 0 : index
      %swap3A_308 = arith.constant 0 : index
      %swap3A_309 = vector.load %arg6[%swap3A_306, %swap3A_307, %swap3A_308] : memref<4x8x128xi32, #tpu.memory_space<vmem>>, vector<1x8x128xi32>
      %swap3A_310 = vector.shape_cast %swap3A_309 : vector<1x8x128xi32> to vector<8x128xi32>
      %swap3A_311 = vector.shape_cast %select_n3A_305 : vector<8x128xi32> to vector<1x8x128xi32>
      tpu.vector_store %arg6[%swap3A_306, %swap3A_307, %swap3A_308], %swap3A_311 {strides = array<i32>} : memref<4x8x128xi32, #tpu.memory_space<vmem>>, vector<1x8x128xi32>,
      %get3A_312 = arith.constant 2 : index
      %get3A_313 = arith.constant 0 : index
      %get3A_314 = arith.constant 0 : index
      %get3A_315 = vector.load %arg3[%get3A_312, %get3A_313, %get3A_314] : memref<4x8x128xf32, #tpu.memory_space<vmem>>, vector<1x8x128xf32>
      %get3A_316 = vector.shape_cast %get3A_315 : vector<1x8x128xf32> to vector<8x128xf32>
      %broadcast_in_dim3A_317 = vector.shape_cast %scan3A_112 : vector<1x1xf32> to vector<1x1xf32>
      %broadcast_in_dim3A_318 = vector.broadcast %broadcast_in_dim3A_317 : vector<1x1xf32> to vector<8x128xf32>
      %select_n3A_319 = arith.select %eq3A_120, %broadcast_in_dim3A_318, %get3A_316 : vector<8x128xi1>, vector<8x128xf32>
      %swap3A_320 = arith.constant 2 : index
      %swap3A_321 = arith.constant 0 : index
      %swap3A_322 = arith.constant 0 : index
      %swap3A_323 = vector.load %arg3[%swap3A_320, %swap3A_321, %swap3A_322] : memref<4x8x128xf32, #tpu.memory_space<vmem>>, vector<1x8x128xf32>
      %swap3A_324 = vector.shape_cast %swap3A_323 : vector<1x8x128xf32> to vector<8x128xf32>
      %swap3A_325 = vector.shape_cast %select_n3A_319 : vector<8x128xf32> to vector<1x8x128xf32>
      tpu.vector_store %arg3[%swap3A_320, %swap3A_321, %swap3A_322], %swap3A_325 {strides = array<i32>} : memref<4x8x128xf32, #tpu.memory_space<vmem>>, vector<1x8x128xf32>,
      %get3A_326 = arith.constant 2 : index
      %get3A_327 = arith.constant 0 : index
      %get3A_328 = arith.constant 0 : index
      %get3A_329 = vector.load %arg4[%get3A_326, %get3A_327, %get3A_328] : memref<4x8x128xf32, #tpu.memory_space<vmem>>, vector<1x8x128xf32>
      %get3A_330 = vector.shape_cast %get3A_329 : vector<1x8x128xf32> to vector<8x128xf32>
      %broadcast_in_dim3A_331 = vector.shape_cast %scan3A_113 : vector<1x1xf32> to vector<1x1xf32>
      %broadcast_in_dim3A_332 = vector.broadcast %broadcast_in_dim3A_331 : vector<1x1xf32> to vector<8x128xf32>
      %select_n3A_333 = arith.select %eq3A_120, %broadcast_in_dim3A_332, %get3A_330 : vector<8x128xi1>, vector<8x128xf32>
      %swap3A_334 = arith.constant 2 : index
      %swap3A_335 = arith.constant 0 : index
      %swap3A_336 = arith.constant 0 : index
      %swap3A_337 = vector.load %arg4[%swap3A_334, %swap3A_335, %swap3A_336] : memref<4x8x128xf32, #tpu.memory_space<vmem>>, vector<1x8x128xf32>
      %swap3A_338 = vector.shape_cast %swap3A_337 : vector<1x8x128xf32> to vector<8x128xf32>
      %swap3A_339 = vector.shape_cast %select_n3A_333 : vector<8x128xf32> to vector<1x8x128xf32>
      tpu.vector_store %arg4[%swap3A_334, %swap3A_335, %swap3A_336], %swap3A_339 {strides = array<i32>} : memref<4x8x128xf32, #tpu.memory_space<vmem>>, vector<1x8x128xf32>,
      %get3A_340 = arith.constant 2 : index
      %get3A_341 = arith.constant 0 : index
      %get3A_342 = arith.constant 0 : index
      %get3A_343 = vector.load %arg5[%get3A_340, %get3A_341, %get3A_342] : memref<4x8x128xf32, #tpu.memory_space<vmem>>, vector<1x8x128xf32>
      %get3A_344 = vector.shape_cast %get3A_343 : vector<1x8x128xf32> to vector<8x128xf32>
      %broadcast_in_dim3A_345 = vector.shape_cast %scan3A_114 : vector<1x1xf32> to vector<1x1xf32>
      %broadcast_in_dim3A_346 = vector.broadcast %broadcast_in_dim3A_345 : vector<1x1xf32> to vector<8x128xf32>
      %select_n3A_347 = arith.select %eq3A_120, %broadcast_in_dim3A_346, %get3A_344 : vector<8x128xi1>, vector<8x128xf32>
      %swap3A_348 = arith.constant 2 : index
      %swap3A_349 = arith.constant 0 : index
      %swap3A_350 = arith.constant 0 : index
      %swap3A_351 = vector.load %arg5[%swap3A_348, %swap3A_349, %swap3A_350] : memref<4x8x128xf32, #tpu.memory_space<vmem>>, vector<1x8x128xf32>
      %swap3A_352 = vector.shape_cast %swap3A_351 : vector<1x8x128xf32> to vector<8x128xf32>
      %swap3A_353 = vector.shape_cast %select_n3A_347 : vector<8x128xf32> to vector<1x8x128xf32>
      tpu.vector_store %arg5[%swap3A_348, %swap3A_349, %swap3A_350], %swap3A_353 {strides = array<i32>} : memref<4x8x128xf32, #tpu.memory_space<vmem>>, vector<1x8x128xf32>,
      %sub3A_354 = vector.broadcast %scan3A_112 : vector<1x1xf32> to vector<64x128xf32>
      %sub3A_355 = arith.subf %get3A_287, %sub3A_354 : vector<64x128xf32>
      %sub3A_356 = vector.broadcast %scan3A_113 : vector<1x1xf32> to vector<64x128xf32>
      %sub3A_357 = arith.subf %get3A_292, %sub3A_356 : vector<64x128xf32>
      %sub3A_358 = vector.broadcast %scan3A_114 : vector<1x1xf32> to vector<64x128xf32>
      %sub3A_359 = arith.subf %get3A_297, %sub3A_358 : vector<64x128xf32>
      %mul3A_360 = arith.mulf %sub3A_355, %sub3A_355 : vector<64x128xf32>
      %mul3A_361 = arith.mulf %sub3A_357, %sub3A_357 : vector<64x128xf32>
      %add3A_362 = arith.addf %mul3A_360, %mul3A_361 : vector<64x128xf32>
      %mul3A_363 = arith.mulf %sub3A_359, %sub3A_359 : vector<64x128xf32>
      %add3A_364 = arith.addf %add3A_362, %mul3A_363 : vector<64x128xf32>
      %min3A_365 = arith.minimumf %scan3A_110, %add3A_364 : vector<64x128xf32>
      %get3A_366 = arith.constant 3 : index
      %get3A_367 = arith.constant 0 : index
      %get3A_368 = arith.constant 0 : index
      %get3A_369 = vector.load %arg0[%get3A_366, %get3A_367, %get3A_368] : memref<4x64x128xf32, #tpu.memory_space<vmem>>, vector<1x64x128xf32>
      %get3A_370 = vector.shape_cast %get3A_369 : vector<1x64x128xf32> to vector<64x128xf32>
      %get3A_371 = arith.constant 3 : index
      %get3A_372 = arith.constant 0 : index
      %get3A_373 = arith.constant 0 : index
      %get3A_374 = vector.load %arg1[%get3A_371, %get3A_372, %get3A_373] : memref<4x64x128xf32, #tpu.memory_space<vmem>>, vector<1x64x128xf32>
      %get3A_375 = vector.shape_cast %get3A_374 : vector<1x64x128xf32> to vector<64x128xf32>
      %get3A_376 = arith.constant 3 : index
      %get3A_377 = arith.constant 0 : index
      %get3A_378 = arith.constant 0 : index
      %get3A_379 = vector.load %arg2[%get3A_376, %get3A_377, %get3A_378] : memref<4x64x128xf32, #tpu.memory_space<vmem>>, vector<1x64x128xf32>
      %get3A_380 = vector.shape_cast %get3A_379 : vector<1x64x128xf32> to vector<64x128xf32>
      %get3A_381 = arith.constant 3 : index
      %get3A_382 = arith.constant 0 : index
      %get3A_383 = arith.constant 0 : index
      %get3A_384 = vector.load %arg6[%get3A_381, %get3A_382, %get3A_383] : memref<4x8x128xi32, #tpu.memory_space<vmem>>, vector<1x8x128xi32>
      %get3A_385 = vector.shape_cast %get3A_384 : vector<1x8x128xi32> to vector<8x128xi32>
      %broadcast_in_dim3A_386 = vector.shape_cast %scan3A_116 : vector<1x1xi32> to vector<1x1xi32>
      %broadcast_in_dim3A_387 = vector.broadcast %broadcast_in_dim3A_386 : vector<1x1xi32> to vector<8x128xi32>
      %select_n3A_388 = arith.select %eq3A_120, %broadcast_in_dim3A_387, %get3A_385 : vector<8x128xi1>, vector<8x128xi32>
      %swap3A_389 = arith.constant 3 : index
      %swap3A_390 = arith.constant 0 : index
      %swap3A_391 = arith.constant 0 : index
      %swap3A_392 = vector.load %arg6[%swap3A_389, %swap3A_390, %swap3A_391] : memref<4x8x128xi32, #tpu.memory_space<vmem>>, vector<1x8x128xi32>
      %swap3A_393 = vector.shape_cast %swap3A_392 : vector<1x8x128xi32> to vector<8x128xi32>
      %swap3A_394 = vector.shape_cast %select_n3A_388 : vector<8x128xi32> to vector<1x8x128xi32>
      tpu.vector_store %arg6[%swap3A_389, %swap3A_390, %swap3A_391], %swap3A_394 {strides = array<i32>} : memref<4x8x128xi32, #tpu.memory_space<vmem>>, vector<1x8x128xi32>,
      %get3A_395 = arith.constant 3 : index
      %get3A_396 = arith.constant 0 : index
      %get3A_397 = arith.constant 0 : index
      %get3A_398 = vector.load %arg3[%get3A_395, %get3A_396, %get3A_397] : memref<4x8x128xf32, #tpu.memory_space<vmem>>, vector<1x8x128xf32>
      %get3A_399 = vector.shape_cast %get3A_398 : vector<1x8x128xf32> to vector<8x128xf32>
      %broadcast_in_dim3A_400 = vector.shape_cast %scan3A_117 : vector<1x1xf32> to vector<1x1xf32>
      %broadcast_in_dim3A_401 = vector.broadcast %broadcast_in_dim3A_400 : vector<1x1xf32> to vector<8x128xf32>
      %select_n3A_402 = arith.select %eq3A_120, %broadcast_in_dim3A_401, %get3A_399 : vector<8x128xi1>, vector<8x128xf32>
      %swap3A_403 = arith.constant 3 : index
      %swap3A_404 = arith.constant 0 : index
      %swap3A_405 = arith.constant 0 : index
      %swap3A_406 = vector.load %arg3[%swap3A_403, %swap3A_404, %swap3A_405] : memref<4x8x128xf32, #tpu.memory_space<vmem>>, vector<1x8x128xf32>
      %swap3A_407 = vector.shape_cast %swap3A_406 : vector<1x8x128xf32> to vector<8x128xf32>
      %swap3A_408 = vector.shape_cast %select_n3A_402 : vector<8x128xf32> to vector<1x8x128xf32>
      tpu.vector_store %arg3[%swap3A_403, %swap3A_404, %swap3A_405], %swap3A_408 {strides = array<i32>} : memref<4x8x128xf32, #tpu.memory_space<vmem>>, vector<1x8x128xf32>,
      %get3A_409 = arith.constant 3 : index
      %get3A_410 = arith.constant 0 : index
      %get3A_411 = arith.constant 0 : index
      %get3A_412 = vector.load %arg4[%get3A_409, %get3A_410, %get3A_411] : memref<4x8x128xf32, #tpu.memory_space<vmem>>, vector<1x8x128xf32>
      %get3A_413 = vector.shape_cast %get3A_412 : vector<1x8x128xf32> to vector<8x128xf32>
      %broadcast_in_dim3A_414 = vector.shape_cast %scan3A_118 : vector<1x1xf32> to vector<1x1xf32>
      %broadcast_in_dim3A_415 = vector.broadcast %broadcast_in_dim3A_414 : vector<1x1xf32> to vector<8x128xf32>
      %select_n3A_416 = arith.select %eq3A_120, %broadcast_in_dim3A_415, %get3A_413 : vector<8x128xi1>, vector<8x128xf32>
      %swap3A_417 = arith.constant 3 : index
      %swap3A_418 = arith.constant 0 : index
      %swap3A_419 = arith.constant 0 : index
      %swap3A_420 = vector.load %arg4[%swap3A_417, %swap3A_418, %swap3A_419] : memref<4x8x128xf32, #tpu.memory_space<vmem>>, vector<1x8x128xf32>
      %swap3A_421 = vector.shape_cast %swap3A_420 : vector<1x8x128xf32> to vector<8x128xf32>
      %swap3A_422 = vector.shape_cast %select_n3A_416 : vector<8x128xf32> to vector<1x8x128xf32>
      tpu.vector_store %arg4[%swap3A_417, %swap3A_418, %swap3A_419], %swap3A_422 {strides = array<i32>} : memref<4x8x128xf32, #tpu.memory_space<vmem>>, vector<1x8x128xf32>,
      %get3A_423 = arith.constant 3 : index
      %get3A_424 = arith.constant 0 : index
      %get3A_425 = arith.constant 0 : index
      %get3A_426 = vector.load %arg5[%get3A_423, %get3A_424, %get3A_425] : memref<4x8x128xf32, #tpu.memory_space<vmem>>, vector<1x8x128xf32>
      %get3A_427 = vector.shape_cast %get3A_426 : vector<1x8x128xf32> to vector<8x128xf32>
      %broadcast_in_dim3A_428 = vector.shape_cast %scan3A_119 : vector<1x1xf32> to vector<1x1xf32>
      %broadcast_in_dim3A_429 = vector.broadcast %broadcast_in_dim3A_428 : vector<1x1xf32> to vector<8x128xf32>
      %select_n3A_430 = arith.select %eq3A_120, %broadcast_in_dim3A_429, %get3A_427 : vector<8x128xi1>, vector<8x128xf32>
      %swap3A_431 = arith.constant 3 : index
      %swap3A_432 = arith.constant 0 : index
      %swap3A_433 = arith.constant 0 : index
      %swap3A_434 = vector.load %arg5[%swap3A_431, %swap3A_432, %swap3A_433] : memref<4x8x128xf32, #tpu.memory_space<vmem>>, vector<1x8x128xf32>
      %swap3A_435 = vector.shape_cast %swap3A_434 : vector<1x8x128xf32> to vector<8x128xf32>
      %swap3A_436 = vector.shape_cast %select_n3A_430 : vector<8x128xf32> to vector<1x8x128xf32>
      tpu.vector_store %arg5[%swap3A_431, %swap3A_432, %swap3A_433], %swap3A_436 {strides = array<i32>} : memref<4x8x128xf32, #tpu.memory_space<vmem>>, vector<1x8x128xf32>,
      %sub3A_437 = vector.broadcast %scan3A_117 : vector<1x1xf32> to vector<64x128xf32>
      %sub3A_438 = arith.subf %get3A_370, %sub3A_437 : vector<64x128xf32>
      %sub3A_439 = vector.broadcast %scan3A_118 : vector<1x1xf32> to vector<64x128xf32>
      %sub3A_440 = arith.subf %get3A_375, %sub3A_439 : vector<64x128xf32>
      %sub3A_441 = vector.broadcast %scan3A_119 : vector<1x1xf32> to vector<64x128xf32>
      %sub3A_442 = arith.subf %get3A_380, %sub3A_441 : vector<64x128xf32>
      %mul3A_443 = arith.mulf %sub3A_438, %sub3A_438 : vector<64x128xf32>
      %mul3A_444 = arith.mulf %sub3A_440, %sub3A_440 : vector<64x128xf32>
      %add3A_445 = arith.addf %mul3A_443, %mul3A_444 : vector<64x128xf32>
      %mul3A_446 = arith.mulf %sub3A_442, %sub3A_442 : vector<64x128xf32>
      %add3A_447 = arith.addf %add3A_445, %mul3A_446 : vector<64x128xf32>
      %min3A_448 = arith.minimumf %scan3A_115, %add3A_447 : vector<64x128xf32>
      %slice3A_449 = vector.extract_strided_slice %min3A {offsets = [0, 0], sizes = [32, 128], strides = [1, 1]} : vector<64x128xf32> to vector<32x128xf32>
      %slice3A_450 = vector.extract_strided_slice %add3A {offsets = [0, 0], sizes = [32, 128], strides = [1, 1]} : vector<64x128xi32> to vector<32x128xi32>
      %slice3A_451 = vector.extract_strided_slice %get3A_125 {offsets = [0, 0], sizes = [32, 128], strides = [1, 1]} : vector<64x128xf32> to vector<32x128xf32>
      %slice3A_452 = vector.extract_strided_slice %get3A_130 {offsets = [0, 0], sizes = [32, 128], strides = [1, 1]} : vector<64x128xf32> to vector<32x128xf32>
      %slice3A_453 = vector.extract_strided_slice %get3A_135 {offsets = [0, 0], sizes = [32, 128], strides = [1, 1]} : vector<64x128xf32> to vector<32x128xf32>
      %slice3A_454 = vector.extract_strided_slice %min3A {offsets = [32, 0], sizes = [32, 128], strides = [1, 1]} : vector<64x128xf32> to vector<32x128xf32>
      %slice3A_455 = vector.extract_strided_slice %add3A {offsets = [32, 0], sizes = [32, 128], strides = [1, 1]} : vector<64x128xi32> to vector<32x128xi32>
      %slice3A_456 = vector.extract_strided_slice %get3A_125 {offsets = [32, 0], sizes = [32, 128], strides = [1, 1]} : vector<64x128xf32> to vector<32x128xf32>
      %slice3A_457 = vector.extract_strided_slice %get3A_130 {offsets = [32, 0], sizes = [32, 128], strides = [1, 1]} : vector<64x128xf32> to vector<32x128xf32>
      %slice3A_458 = vector.extract_strided_slice %get3A_135 {offsets = [32, 0], sizes = [32, 128], strides = [1, 1]} : vector<64x128xf32> to vector<32x128xf32>
      %gt3A = arith.cmpf ogt, %slice3A_454, %slice3A_449 : vector<32x128xf32>
      %eq3A_459 = arith.cmpf oeq, %slice3A_454, %slice3A_449 : vector<32x128xf32>
      %lt3A = arith.cmpi slt, %slice3A_455, %slice3A_450 : vector<32x128xi32>
      %and3A = arith.andi %eq3A_459, %lt3A : vector<32x128xi1>
      %or3A = arith.ori %gt3A, %and3A : vector<32x128xi1>
      %select_n3A_460 = arith.select %or3A, %slice3A_454, %slice3A_449 : vector<32x128xi1>, vector<32x128xf32>
      %select_n3A_461 = arith.select %or3A, %slice3A_455, %slice3A_450 : vector<32x128xi1>, vector<32x128xi32>
      %select_n3A_462 = arith.select %or3A, %slice3A_456, %slice3A_451 : vector<32x128xi1>, vector<32x128xf32>
      %select_n3A_463 = arith.select %or3A, %slice3A_457, %slice3A_452 : vector<32x128xi1>, vector<32x128xf32>
      %select_n3A_464 = arith.select %or3A, %slice3A_458, %slice3A_453 : vector<32x128xi1>, vector<32x128xf32>
      %slice3A_465 = vector.extract_strided_slice %min3A_282 {offsets = [0, 0], sizes = [32, 128], strides = [1, 1]} : vector<64x128xf32> to vector<32x128xf32>
      %slice3A_466 = vector.extract_strided_slice %add3A {offsets = [0, 0], sizes = [32, 128], strides = [1, 1]} : vector<64x128xi32> to vector<32x128xi32>
      %slice3A_467 = vector.extract_strided_slice %get3A_204 {offsets = [0, 0], sizes = [32, 128], strides = [1, 1]} : vector<64x128xf32> to vector<32x128xf32>
      %slice3A_468 = vector.extract_strided_slice %get3A_209 {offsets = [0, 0], sizes = [32, 128], strides = [1, 1]} : vector<64x128xf32> to vector<32x128xf32>
      %slice3A_469 = vector.extract_strided_slice %get3A_214 {offsets = [0, 0], sizes = [32, 128], strides = [1, 1]} : vector<64x128xf32> to vector<32x128xf32>
      %slice3A_470 = vector.extract_strided_slice %min3A_282 {offsets = [32, 0], sizes = [32, 128], strides = [1, 1]} : vector<64x128xf32> to vector<32x128xf32>
      %slice3A_471 = vector.extract_strided_slice %add3A {offsets = [32, 0], sizes = [32, 128], strides = [1, 1]} : vector<64x128xi32> to vector<32x128xi32>
      %slice3A_472 = vector.extract_strided_slice %get3A_204 {offsets = [32, 0], sizes = [32, 128], strides = [1, 1]} : vector<64x128xf32> to vector<32x128xf32>
      %slice3A_473 = vector.extract_strided_slice %get3A_209 {offsets = [32, 0], sizes = [32, 128], strides = [1, 1]} : vector<64x128xf32> to vector<32x128xf32>
      %slice3A_474 = vector.extract_strided_slice %get3A_214 {offsets = [32, 0], sizes = [32, 128], strides = [1, 1]} : vector<64x128xf32> to vector<32x128xf32>
      %gt3A_475 = arith.cmpf ogt, %slice3A_470, %slice3A_465 : vector<32x128xf32>
      %eq3A_476 = arith.cmpf oeq, %slice3A_470, %slice3A_465 : vector<32x128xf32>
      %lt3A_477 = arith.cmpi slt, %slice3A_471, %slice3A_466 : vector<32x128xi32>
      %and3A_478 = arith.andi %eq3A_476, %lt3A_477 : vector<32x128xi1>
      %or3A_479 = arith.ori %gt3A_475, %and3A_478 : vector<32x128xi1>
      %select_n3A_480 = arith.select %or3A_479, %slice3A_470, %slice3A_465 : vector<32x128xi1>, vector<32x128xf32>
      %select_n3A_481 = arith.select %or3A_479, %slice3A_471, %slice3A_466 : vector<32x128xi1>, vector<32x128xi32>
      %select_n3A_482 = arith.select %or3A_479, %slice3A_472, %slice3A_467 : vector<32x128xi1>, vector<32x128xf32>
      %select_n3A_483 = arith.select %or3A_479, %slice3A_473, %slice3A_468 : vector<32x128xi1>, vector<32x128xf32>
      %select_n3A_484 = arith.select %or3A_479, %slice3A_474, %slice3A_469 : vector<32x128xi1>, vector<32x128xf32>
      %slice3A_485 = vector.extract_strided_slice %min3A_365 {offsets = [0, 0], sizes = [32, 128], strides = [1, 1]} : vector<64x128xf32> to vector<32x128xf32>
      %slice3A_486 = vector.extract_strided_slice %add3A {offsets = [0, 0], sizes = [32, 128], strides = [1, 1]} : vector<64x128xi32> to vector<32x128xi32>
      %slice3A_487 = vector.extract_strided_slice %get3A_287 {offsets = [0, 0], sizes = [32, 128], strides = [1, 1]} : vector<64x128xf32> to vector<32x128xf32>
      %slice3A_488 = vector.extract_strided_slice %get3A_292 {offsets = [0, 0], sizes = [32, 128], strides = [1, 1]} : vector<64x128xf32> to vector<32x128xf32>
      %slice3A_489 = vector.extract_strided_slice %get3A_297 {offsets = [0, 0], sizes = [32, 128], strides = [1, 1]} : vector<64x128xf32> to vector<32x128xf32>
      %slice3A_490 = vector.extract_strided_slice %min3A_365 {offsets = [32, 0], sizes = [32, 128], strides = [1, 1]} : vector<64x128xf32> to vector<32x128xf32>
      %slice3A_491 = vector.extract_strided_slice %add3A {offsets = [32, 0], sizes = [32, 128], strides = [1, 1]} : vector<64x128xi32> to vector<32x128xi32>
      %slice3A_492 = vector.extract_strided_slice %get3A_287 {offsets = [32, 0], sizes = [32, 128], strides = [1, 1]} : vector<64x128xf32> to vector<32x128xf32>
      %slice3A_493 = vector.extract_strided_slice %get3A_292 {offsets = [32, 0], sizes = [32, 128], strides = [1, 1]} : vector<64x128xf32> to vector<32x128xf32>
      %slice3A_494 = vector.extract_strided_slice %get3A_297 {offsets = [32, 0], sizes = [32, 128], strides = [1, 1]} : vector<64x128xf32> to vector<32x128xf32>
      %gt3A_495 = arith.cmpf ogt, %slice3A_490, %slice3A_485 : vector<32x128xf32>
      %eq3A_496 = arith.cmpf oeq, %slice3A_490, %slice3A_485 : vector<32x128xf32>
      %lt3A_497 = arith.cmpi slt, %slice3A_491, %slice3A_486 : vector<32x128xi32>
      %and3A_498 = arith.andi %eq3A_496, %lt3A_497 : vector<32x128xi1>
      %or3A_499 = arith.ori %gt3A_495, %and3A_498 : vector<32x128xi1>
      %select_n3A_500 = arith.select %or3A_499, %slice3A_490, %slice3A_485 : vector<32x128xi1>, vector<32x128xf32>
      %select_n3A_501 = arith.select %or3A_499, %slice3A_491, %slice3A_486 : vector<32x128xi1>, vector<32x128xi32>
      %select_n3A_502 = arith.select %or3A_499, %slice3A_492, %slice3A_487 : vector<32x128xi1>, vector<32x128xf32>
      %select_n3A_503 = arith.select %or3A_499, %slice3A_493, %slice3A_488 : vector<32x128xi1>, vector<32x128xf32>
      %select_n3A_504 = arith.select %or3A_499, %slice3A_494, %slice3A_489 : vector<32x128xi1>, vector<32x128xf32>
      %slice3A_505 = vector.extract_strided_slice %min3A_448 {offsets = [0, 0], sizes = [32, 128], strides = [1, 1]} : vector<64x128xf32> to vector<32x128xf32>
      %slice3A_506 = vector.extract_strided_slice %add3A {offsets = [0, 0], sizes = [32, 128], strides = [1, 1]} : vector<64x128xi32> to vector<32x128xi32>
      %slice3A_507 = vector.extract_strided_slice %get3A_370 {offsets = [0, 0], sizes = [32, 128], strides = [1, 1]} : vector<64x128xf32> to vector<32x128xf32>
      %slice3A_508 = vector.extract_strided_slice %get3A_375 {offsets = [0, 0], sizes = [32, 128], strides = [1, 1]} : vector<64x128xf32> to vector<32x128xf32>
      %slice3A_509 = vector.extract_strided_slice %get3A_380 {offsets = [0, 0], sizes = [32, 128], strides = [1, 1]} : vector<64x128xf32> to vector<32x128xf32>
      %slice3A_510 = vector.extract_strided_slice %min3A_448 {offsets = [32, 0], sizes = [32, 128], strides = [1, 1]} : vector<64x128xf32> to vector<32x128xf32>
      %slice3A_511 = vector.extract_strided_slice %add3A {offsets = [32, 0], sizes = [32, 128], strides = [1, 1]} : vector<64x128xi32> to vector<32x128xi32>
      %slice3A_512 = vector.extract_strided_slice %get3A_370 {offsets = [32, 0], sizes = [32, 128], strides = [1, 1]} : vector<64x128xf32> to vector<32x128xf32>
      %slice3A_513 = vector.extract_strided_slice %get3A_375 {offsets = [32, 0], sizes = [32, 128], strides = [1, 1]} : vector<64x128xf32> to vector<32x128xf32>
      %slice3A_514 = vector.extract_strided_slice %get3A_380 {offsets = [32, 0], sizes = [32, 128], strides = [1, 1]} : vector<64x128xf32> to vector<32x128xf32>
      %gt3A_515 = arith.cmpf ogt, %slice3A_510, %slice3A_505 : vector<32x128xf32>
      %eq3A_516 = arith.cmpf oeq, %slice3A_510, %slice3A_505 : vector<32x128xf32>
      %lt3A_517 = arith.cmpi slt, %slice3A_511, %slice3A_506 : vector<32x128xi32>
      %and3A_518 = arith.andi %eq3A_516, %lt3A_517 : vector<32x128xi1>
      %or3A_519 = arith.ori %gt3A_515, %and3A_518 : vector<32x128xi1>
      %select_n3A_520 = arith.select %or3A_519, %slice3A_510, %slice3A_505 : vector<32x128xi1>, vector<32x128xf32>
      %select_n3A_521 = arith.select %or3A_519, %slice3A_511, %slice3A_506 : vector<32x128xi1>, vector<32x128xi32>
      %select_n3A_522 = arith.select %or3A_519, %slice3A_512, %slice3A_507 : vector<32x128xi1>, vector<32x128xf32>
      %select_n3A_523 = arith.select %or3A_519, %slice3A_513, %slice3A_508 : vector<32x128xi1>, vector<32x128xf32>
      %select_n3A_524 = arith.select %or3A_519, %slice3A_514, %slice3A_509 : vector<32x128xi1>, vector<32x128xf32>
      %slice3A_525 = vector.extract_strided_slice %select_n3A_460 {offsets = [0, 0], sizes = [16, 128], strides = [1, 1]} : vector<32x128xf32> to vector<16x128xf32>
      %slice3A_526 = vector.extract_strided_slice %select_n3A_461 {offsets = [0, 0], sizes = [16, 128], strides = [1, 1]} : vector<32x128xi32> to vector<16x128xi32>
      %slice3A_527 = vector.extract_strided_slice %select_n3A_462 {offsets = [0, 0], sizes = [16, 128], strides = [1, 1]} : vector<32x128xf32> to vector<16x128xf32>
      %slice3A_528 = vector.extract_strided_slice %select_n3A_463 {offsets = [0, 0], sizes = [16, 128], strides = [1, 1]} : vector<32x128xf32> to vector<16x128xf32>
      %slice3A_529 = vector.extract_strided_slice %select_n3A_464 {offsets = [0, 0], sizes = [16, 128], strides = [1, 1]} : vector<32x128xf32> to vector<16x128xf32>
      %slice3A_530 = vector.extract_strided_slice %select_n3A_460 {offsets = [16, 0], sizes = [16, 128], strides = [1, 1]} : vector<32x128xf32> to vector<16x128xf32>
      %slice3A_531 = vector.extract_strided_slice %select_n3A_461 {offsets = [16, 0], sizes = [16, 128], strides = [1, 1]} : vector<32x128xi32> to vector<16x128xi32>
      %slice3A_532 = vector.extract_strided_slice %select_n3A_462 {offsets = [16, 0], sizes = [16, 128], strides = [1, 1]} : vector<32x128xf32> to vector<16x128xf32>
      %slice3A_533 = vector.extract_strided_slice %select_n3A_463 {offsets = [16, 0], sizes = [16, 128], strides = [1, 1]} : vector<32x128xf32> to vector<16x128xf32>
      %slice3A_534 = vector.extract_strided_slice %select_n3A_464 {offsets = [16, 0], sizes = [16, 128], strides = [1, 1]} : vector<32x128xf32> to vector<16x128xf32>
      %gt3A_535 = arith.cmpf ogt, %slice3A_530, %slice3A_525 : vector<16x128xf32>
      %eq3A_536 = arith.cmpf oeq, %slice3A_530, %slice3A_525 : vector<16x128xf32>
      %lt3A_537 = arith.cmpi slt, %slice3A_531, %slice3A_526 : vector<16x128xi32>
      %and3A_538 = arith.andi %eq3A_536, %lt3A_537 : vector<16x128xi1>
      %or3A_539 = arith.ori %gt3A_535, %and3A_538 : vector<16x128xi1>
      %select_n3A_540 = arith.select %or3A_539, %slice3A_530, %slice3A_525 : vector<16x128xi1>, vector<16x128xf32>
      %select_n3A_541 = arith.select %or3A_539, %slice3A_531, %slice3A_526 : vector<16x128xi1>, vector<16x128xi32>
      %select_n3A_542 = arith.select %or3A_539, %slice3A_532, %slice3A_527 : vector<16x128xi1>, vector<16x128xf32>
      %select_n3A_543 = arith.select %or3A_539, %slice3A_533, %slice3A_528 : vector<16x128xi1>, vector<16x128xf32>
      %select_n3A_544 = arith.select %or3A_539, %slice3A_534, %slice3A_529 : vector<16x128xi1>, vector<16x128xf32>
      %slice3A_545 = vector.extract_strided_slice %select_n3A_480 {offsets = [0, 0], sizes = [16, 128], strides = [1, 1]} : vector<32x128xf32> to vector<16x128xf32>
      %slice3A_546 = vector.extract_strided_slice %select_n3A_481 {offsets = [0, 0], sizes = [16, 128], strides = [1, 1]} : vector<32x128xi32> to vector<16x128xi32>
      %slice3A_547 = vector.extract_strided_slice %select_n3A_482 {offsets = [0, 0], sizes = [16, 128], strides = [1, 1]} : vector<32x128xf32> to vector<16x128xf32>
      %slice3A_548 = vector.extract_strided_slice %select_n3A_483 {offsets = [0, 0], sizes = [16, 128], strides = [1, 1]} : vector<32x128xf32> to vector<16x128xf32>
      %slice3A_549 = vector.extract_strided_slice %select_n3A_484 {offsets = [0, 0], sizes = [16, 128], strides = [1, 1]} : vector<32x128xf32> to vector<16x128xf32>
      %slice3A_550 = vector.extract_strided_slice %select_n3A_480 {offsets = [16, 0], sizes = [16, 128], strides = [1, 1]} : vector<32x128xf32> to vector<16x128xf32>
      %slice3A_551 = vector.extract_strided_slice %select_n3A_481 {offsets = [16, 0], sizes = [16, 128], strides = [1, 1]} : vector<32x128xi32> to vector<16x128xi32>
      %slice3A_552 = vector.extract_strided_slice %select_n3A_482 {offsets = [16, 0], sizes = [16, 128], strides = [1, 1]} : vector<32x128xf32> to vector<16x128xf32>
      %slice3A_553 = vector.extract_strided_slice %select_n3A_483 {offsets = [16, 0], sizes = [16, 128], strides = [1, 1]} : vector<32x128xf32> to vector<16x128xf32>
      %slice3A_554 = vector.extract_strided_slice %select_n3A_484 {offsets = [16, 0], sizes = [16, 128], strides = [1, 1]} : vector<32x128xf32> to vector<16x128xf32>
      %gt3A_555 = arith.cmpf ogt, %slice3A_550, %slice3A_545 : vector<16x128xf32>
      %eq3A_556 = arith.cmpf oeq, %slice3A_550, %slice3A_545 : vector<16x128xf32>
      %lt3A_557 = arith.cmpi slt, %slice3A_551, %slice3A_546 : vector<16x128xi32>
      %and3A_558 = arith.andi %eq3A_556, %lt3A_557 : vector<16x128xi1>
      %or3A_559 = arith.ori %gt3A_555, %and3A_558 : vector<16x128xi1>
      %select_n3A_560 = arith.select %or3A_559, %slice3A_550, %slice3A_545 : vector<16x128xi1>, vector<16x128xf32>
      %select_n3A_561 = arith.select %or3A_559, %slice3A_551, %slice3A_546 : vector<16x128xi1>, vector<16x128xi32>
      %select_n3A_562 = arith.select %or3A_559, %slice3A_552, %slice3A_547 : vector<16x128xi1>, vector<16x128xf32>
      %select_n3A_563 = arith.select %or3A_559, %slice3A_553, %slice3A_548 : vector<16x128xi1>, vector<16x128xf32>
      %select_n3A_564 = arith.select %or3A_559, %slice3A_554, %slice3A_549 : vector<16x128xi1>, vector<16x128xf32>
      %slice3A_565 = vector.extract_strided_slice %select_n3A_500 {offsets = [0, 0], sizes = [16, 128], strides = [1, 1]} : vector<32x128xf32> to vector<16x128xf32>
      %slice3A_566 = vector.extract_strided_slice %select_n3A_501 {offsets = [0, 0], sizes = [16, 128], strides = [1, 1]} : vector<32x128xi32> to vector<16x128xi32>
      %slice3A_567 = vector.extract_strided_slice %select_n3A_502 {offsets = [0, 0], sizes = [16, 128], strides = [1, 1]} : vector<32x128xf32> to vector<16x128xf32>
      %slice3A_568 = vector.extract_strided_slice %select_n3A_503 {offsets = [0, 0], sizes = [16, 128], strides = [1, 1]} : vector<32x128xf32> to vector<16x128xf32>
      %slice3A_569 = vector.extract_strided_slice %select_n3A_504 {offsets = [0, 0], sizes = [16, 128], strides = [1, 1]} : vector<32x128xf32> to vector<16x128xf32>
      %slice3A_570 = vector.extract_strided_slice %select_n3A_500 {offsets = [16, 0], sizes = [16, 128], strides = [1, 1]} : vector<32x128xf32> to vector<16x128xf32>
      %slice3A_571 = vector.extract_strided_slice %select_n3A_501 {offsets = [16, 0], sizes = [16, 128], strides = [1, 1]} : vector<32x128xi32> to vector<16x128xi32>
      %slice3A_572 = vector.extract_strided_slice %select_n3A_502 {offsets = [16, 0], sizes = [16, 128], strides = [1, 1]} : vector<32x128xf32> to vector<16x128xf32>
      %slice3A_573 = vector.extract_strided_slice %select_n3A_503 {offsets = [16, 0], sizes = [16, 128], strides = [1, 1]} : vector<32x128xf32> to vector<16x128xf32>
      %slice3A_574 = vector.extract_strided_slice %select_n3A_504 {offsets = [16, 0], sizes = [16, 128], strides = [1, 1]} : vector<32x128xf32> to vector<16x128xf32>
      %gt3A_575 = arith.cmpf ogt, %slice3A_570, %slice3A_565 : vector<16x128xf32>
      %eq3A_576 = arith.cmpf oeq, %slice3A_570, %slice3A_565 : vector<16x128xf32>
      %lt3A_577 = arith.cmpi slt, %slice3A_571, %slice3A_566 : vector<16x128xi32>
      %and3A_578 = arith.andi %eq3A_576, %lt3A_577 : vector<16x128xi1>
      %or3A_579 = arith.ori %gt3A_575, %and3A_578 : vector<16x128xi1>
      %select_n3A_580 = arith.select %or3A_579, %slice3A_570, %slice3A_565 : vector<16x128xi1>, vector<16x128xf32>
      %select_n3A_581 = arith.select %or3A_579, %slice3A_571, %slice3A_566 : vector<16x128xi1>, vector<16x128xi32>
      %select_n3A_582 = arith.select %or3A_579, %slice3A_572, %slice3A_567 : vector<16x128xi1>, vector<16x128xf32>
      %select_n3A_583 = arith.select %or3A_579, %slice3A_573, %slice3A_568 : vector<16x128xi1>, vector<16x128xf32>
      %select_n3A_584 = arith.select %or3A_579, %slice3A_574, %slice3A_569 : vector<16x128xi1>, vector<16x128xf32>
      %slice3A_585 = vector.extract_strided_slice %select_n3A_520 {offsets = [0, 0], sizes = [16, 128], strides = [1, 1]} : vector<32x128xf32> to vector<16x128xf32>
      %slice3A_586 = vector.extract_strided_slice %select_n3A_521 {offsets = [0, 0], sizes = [16, 128], strides = [1, 1]} : vector<32x128xi32> to vector<16x128xi32>
      %slice3A_587 = vector.extract_strided_slice %select_n3A_522 {offsets = [0, 0], sizes = [16, 128], strides = [1, 1]} : vector<32x128xf32> to vector<16x128xf32>
      %slice3A_588 = vector.extract_strided_slice %select_n3A_523 {offsets = [0, 0], sizes = [16, 128], strides = [1, 1]} : vector<32x128xf32> to vector<16x128xf32>
      %slice3A_589 = vector.extract_strided_slice %select_n3A_524 {offsets = [0, 0], sizes = [16, 128], strides = [1, 1]} : vector<32x128xf32> to vector<16x128xf32>
      %slice3A_590 = vector.extract_strided_slice %select_n3A_520 {offsets = [16, 0], sizes = [16, 128], strides = [1, 1]} : vector<32x128xf32> to vector<16x128xf32>
      %slice3A_591 = vector.extract_strided_slice %select_n3A_521 {offsets = [16, 0], sizes = [16, 128], strides = [1, 1]} : vector<32x128xi32> to vector<16x128xi32>
      %slice3A_592 = vector.extract_strided_slice %select_n3A_522 {offsets = [16, 0], sizes = [16, 128], strides = [1, 1]} : vector<32x128xf32> to vector<16x128xf32>
      %slice3A_593 = vector.extract_strided_slice %select_n3A_523 {offsets = [16, 0], sizes = [16, 128], strides = [1, 1]} : vector<32x128xf32> to vector<16x128xf32>
      %slice3A_594 = vector.extract_strided_slice %select_n3A_524 {offsets = [16, 0], sizes = [16, 128], strides = [1, 1]} : vector<32x128xf32> to vector<16x128xf32>
      %gt3A_595 = arith.cmpf ogt, %slice3A_590, %slice3A_585 : vector<16x128xf32>
      %eq3A_596 = arith.cmpf oeq, %slice3A_590, %slice3A_585 : vector<16x128xf32>
      %lt3A_597 = arith.cmpi slt, %slice3A_591, %slice3A_586 : vector<16x128xi32>
      %and3A_598 = arith.andi %eq3A_596, %lt3A_597 : vector<16x128xi1>
      %or3A_599 = arith.ori %gt3A_595, %and3A_598 : vector<16x128xi1>
      %select_n3A_600 = arith.select %or3A_599, %slice3A_590, %slice3A_585 : vector<16x128xi1>, vector<16x128xf32>
      %select_n3A_601 = arith.select %or3A_599, %slice3A_591, %slice3A_586 : vector<16x128xi1>, vector<16x128xi32>
      %select_n3A_602 = arith.select %or3A_599, %slice3A_592, %slice3A_587 : vector<16x128xi1>, vector<16x128xf32>
      %select_n3A_603 = arith.select %or3A_599, %slice3A_593, %slice3A_588 : vector<16x128xi1>, vector<16x128xf32>
      %select_n3A_604 = arith.select %or3A_599, %slice3A_594, %slice3A_589 : vector<16x128xi1>, vector<16x128xf32>
      %slice3A_605 = vector.extract_strided_slice %select_n3A_540 {offsets = [0, 0], sizes = [8, 128], strides = [1, 1]} : vector<16x128xf32> to vector<8x128xf32>
      %slice3A_606 = vector.extract_strided_slice %select_n3A_541 {offsets = [0, 0], sizes = [8, 128], strides = [1, 1]} : vector<16x128xi32> to vector<8x128xi32>
      %slice3A_607 = vector.extract_strided_slice %select_n3A_542 {offsets = [0, 0], sizes = [8, 128], strides = [1, 1]} : vector<16x128xf32> to vector<8x128xf32>
      %slice3A_608 = vector.extract_strided_slice %select_n3A_543 {offsets = [0, 0], sizes = [8, 128], strides = [1, 1]} : vector<16x128xf32> to vector<8x128xf32>
      %slice3A_609 = vector.extract_strided_slice %select_n3A_544 {offsets = [0, 0], sizes = [8, 128], strides = [1, 1]} : vector<16x128xf32> to vector<8x128xf32>
      %slice3A_610 = vector.extract_strided_slice %select_n3A_540 {offsets = [8, 0], sizes = [8, 128], strides = [1, 1]} : vector<16x128xf32> to vector<8x128xf32>
      %slice3A_611 = vector.extract_strided_slice %select_n3A_541 {offsets = [8, 0], sizes = [8, 128], strides = [1, 1]} : vector<16x128xi32> to vector<8x128xi32>
      %slice3A_612 = vector.extract_strided_slice %select_n3A_542 {offsets = [8, 0], sizes = [8, 128], strides = [1, 1]} : vector<16x128xf32> to vector<8x128xf32>
      %slice3A_613 = vector.extract_strided_slice %select_n3A_543 {offsets = [8, 0], sizes = [8, 128], strides = [1, 1]} : vector<16x128xf32> to vector<8x128xf32>
      %slice3A_614 = vector.extract_strided_slice %select_n3A_544 {offsets = [8, 0], sizes = [8, 128], strides = [1, 1]} : vector<16x128xf32> to vector<8x128xf32>
      %gt3A_615 = arith.cmpf ogt, %slice3A_610, %slice3A_605 : vector<8x128xf32>
      %eq3A_616 = arith.cmpf oeq, %slice3A_610, %slice3A_605 : vector<8x128xf32>
      %lt3A_617 = arith.cmpi slt, %slice3A_611, %slice3A_606 : vector<8x128xi32>
      %and3A_618 = arith.andi %eq3A_616, %lt3A_617 : vector<8x128xi1>
      %or3A_619 = arith.ori %gt3A_615, %and3A_618 : vector<8x128xi1>
      %select_n3A_620 = arith.select %or3A_619, %slice3A_610, %slice3A_605 : vector<8x128xi1>, vector<8x128xf32>
      %select_n3A_621 = arith.select %or3A_619, %slice3A_611, %slice3A_606 : vector<8x128xi1>, vector<8x128xi32>
      %select_n3A_622 = arith.select %or3A_619, %slice3A_612, %slice3A_607 : vector<8x128xi1>, vector<8x128xf32>
      %select_n3A_623 = arith.select %or3A_619, %slice3A_613, %slice3A_608 : vector<8x128xi1>, vector<8x128xf32>
      %select_n3A_624 = arith.select %or3A_619, %slice3A_614, %slice3A_609 : vector<8x128xi1>, vector<8x128xf32>
      %slice3A_625 = vector.extract_strided_slice %select_n3A_560 {offsets = [0, 0], sizes = [8, 128], strides = [1, 1]} : vector<16x128xf32> to vector<8x128xf32>
      %slice3A_626 = vector.extract_strided_slice %select_n3A_561 {offsets = [0, 0], sizes = [8, 128], strides = [1, 1]} : vector<16x128xi32> to vector<8x128xi32>
      %slice3A_627 = vector.extract_strided_slice %select_n3A_562 {offsets = [0, 0], sizes = [8, 128], strides = [1, 1]} : vector<16x128xf32> to vector<8x128xf32>
      %slice3A_628 = vector.extract_strided_slice %select_n3A_563 {offsets = [0, 0], sizes = [8, 128], strides = [1, 1]} : vector<16x128xf32> to vector<8x128xf32>
      %slice3A_629 = vector.extract_strided_slice %select_n3A_564 {offsets = [0, 0], sizes = [8, 128], strides = [1, 1]} : vector<16x128xf32> to vector<8x128xf32>
      %slice3A_630 = vector.extract_strided_slice %select_n3A_560 {offsets = [8, 0], sizes = [8, 128], strides = [1, 1]} : vector<16x128xf32> to vector<8x128xf32>
      %slice3A_631 = vector.extract_strided_slice %select_n3A_561 {offsets = [8, 0], sizes = [8, 128], strides = [1, 1]} : vector<16x128xi32> to vector<8x128xi32>
      %slice3A_632 = vector.extract_strided_slice %select_n3A_562 {offsets = [8, 0], sizes = [8, 128], strides = [1, 1]} : vector<16x128xf32> to vector<8x128xf32>
      %slice3A_633 = vector.extract_strided_slice %select_n3A_563 {offsets = [8, 0], sizes = [8, 128], strides = [1, 1]} : vector<16x128xf32> to vector<8x128xf32>
      %slice3A_634 = vector.extract_strided_slice %select_n3A_564 {offsets = [8, 0], sizes = [8, 128], strides = [1, 1]} : vector<16x128xf32> to vector<8x128xf32>
      %gt3A_635 = arith.cmpf ogt, %slice3A_630, %slice3A_625 : vector<8x128xf32>
      %eq3A_636 = arith.cmpf oeq, %slice3A_630, %slice3A_625 : vector<8x128xf32>
      %lt3A_637 = arith.cmpi slt, %slice3A_631, %slice3A_626 : vector<8x128xi32>
      %and3A_638 = arith.andi %eq3A_636, %lt3A_637 : vector<8x128xi1>
      %or3A_639 = arith.ori %gt3A_635, %and3A_638 : vector<8x128xi1>
      %select_n3A_640 = arith.select %or3A_639, %slice3A_630, %slice3A_625 : vector<8x128xi1>, vector<8x128xf32>
      %select_n3A_641 = arith.select %or3A_639, %slice3A_631, %slice3A_626 : vector<8x128xi1>, vector<8x128xi32>
      %select_n3A_642 = arith.select %or3A_639, %slice3A_632, %slice3A_627 : vector<8x128xi1>, vector<8x128xf32>
      %select_n3A_643 = arith.select %or3A_639, %slice3A_633, %slice3A_628 : vector<8x128xi1>, vector<8x128xf32>
      %select_n3A_644 = arith.select %or3A_639, %slice3A_634, %slice3A_629 : vector<8x128xi1>, vector<8x128xf32>
      %slice3A_645 = vector.extract_strided_slice %select_n3A_580 {offsets = [0, 0], sizes = [8, 128], strides = [1, 1]} : vector<16x128xf32> to vector<8x128xf32>
      %slice3A_646 = vector.extract_strided_slice %select_n3A_581 {offsets = [0, 0], sizes = [8, 128], strides = [1, 1]} : vector<16x128xi32> to vector<8x128xi32>
      %slice3A_647 = vector.extract_strided_slice %select_n3A_582 {offsets = [0, 0], sizes = [8, 128], strides = [1, 1]} : vector<16x128xf32> to vector<8x128xf32>
      %slice3A_648 = vector.extract_strided_slice %select_n3A_583 {offsets = [0, 0], sizes = [8, 128], strides = [1, 1]} : vector<16x128xf32> to vector<8x128xf32>
      %slice3A_649 = vector.extract_strided_slice %select_n3A_584 {offsets = [0, 0], sizes = [8, 128], strides = [1, 1]} : vector<16x128xf32> to vector<8x128xf32>
      %slice3A_650 = vector.extract_strided_slice %select_n3A_580 {offsets = [8, 0], sizes = [8, 128], strides = [1, 1]} : vector<16x128xf32> to vector<8x128xf32>
      %slice3A_651 = vector.extract_strided_slice %select_n3A_581 {offsets = [8, 0], sizes = [8, 128], strides = [1, 1]} : vector<16x128xi32> to vector<8x128xi32>
      %slice3A_652 = vector.extract_strided_slice %select_n3A_582 {offsets = [8, 0], sizes = [8, 128], strides = [1, 1]} : vector<16x128xf32> to vector<8x128xf32>
      %slice3A_653 = vector.extract_strided_slice %select_n3A_583 {offsets = [8, 0], sizes = [8, 128], strides = [1, 1]} : vector<16x128xf32> to vector<8x128xf32>
      %slice3A_654 = vector.extract_strided_slice %select_n3A_584 {offsets = [8, 0], sizes = [8, 128], strides = [1, 1]} : vector<16x128xf32> to vector<8x128xf32>
      %gt3A_655 = arith.cmpf ogt, %slice3A_650, %slice3A_645 : vector<8x128xf32>
      %eq3A_656 = arith.cmpf oeq, %slice3A_650, %slice3A_645 : vector<8x128xf32>
      %lt3A_657 = arith.cmpi slt, %slice3A_651, %slice3A_646 : vector<8x128xi32>
      %and3A_658 = arith.andi %eq3A_656, %lt3A_657 : vector<8x128xi1>
      %or3A_659 = arith.ori %gt3A_655, %and3A_658 : vector<8x128xi1>
      %select_n3A_660 = arith.select %or3A_659, %slice3A_650, %slice3A_645 : vector<8x128xi1>, vector<8x128xf32>
      %select_n3A_661 = arith.select %or3A_659, %slice3A_651, %slice3A_646 : vector<8x128xi1>, vector<8x128xi32>
      %select_n3A_662 = arith.select %or3A_659, %slice3A_652, %slice3A_647 : vector<8x128xi1>, vector<8x128xf32>
      %select_n3A_663 = arith.select %or3A_659, %slice3A_653, %slice3A_648 : vector<8x128xi1>, vector<8x128xf32>
      %select_n3A_664 = arith.select %or3A_659, %slice3A_654, %slice3A_649 : vector<8x128xi1>, vector<8x128xf32>
      %slice3A_665 = vector.extract_strided_slice %select_n3A_600 {offsets = [0, 0], sizes = [8, 128], strides = [1, 1]} : vector<16x128xf32> to vector<8x128xf32>
      %slice3A_666 = vector.extract_strided_slice %select_n3A_601 {offsets = [0, 0], sizes = [8, 128], strides = [1, 1]} : vector<16x128xi32> to vector<8x128xi32>
      %slice3A_667 = vector.extract_strided_slice %select_n3A_602 {offsets = [0, 0], sizes = [8, 128], strides = [1, 1]} : vector<16x128xf32> to vector<8x128xf32>
      %slice3A_668 = vector.extract_strided_slice %select_n3A_603 {offsets = [0, 0], sizes = [8, 128], strides = [1, 1]} : vector<16x128xf32> to vector<8x128xf32>
      %slice3A_669 = vector.extract_strided_slice %select_n3A_604 {offsets = [0, 0], sizes = [8, 128], strides = [1, 1]} : vector<16x128xf32> to vector<8x128xf32>
      %slice3A_670 = vector.extract_strided_slice %select_n3A_600 {offsets = [8, 0], sizes = [8, 128], strides = [1, 1]} : vector<16x128xf32> to vector<8x128xf32>
      %slice3A_671 = vector.extract_strided_slice %select_n3A_601 {offsets = [8, 0], sizes = [8, 128], strides = [1, 1]} : vector<16x128xi32> to vector<8x128xi32>
      %slice3A_672 = vector.extract_strided_slice %select_n3A_602 {offsets = [8, 0], sizes = [8, 128], strides = [1, 1]} : vector<16x128xf32> to vector<8x128xf32>
      %slice3A_673 = vector.extract_strided_slice %select_n3A_603 {offsets = [8, 0], sizes = [8, 128], strides = [1, 1]} : vector<16x128xf32> to vector<8x128xf32>
      %slice3A_674 = vector.extract_strided_slice %select_n3A_604 {offsets = [8, 0], sizes = [8, 128], strides = [1, 1]} : vector<16x128xf32> to vector<8x128xf32>
      %gt3A_675 = arith.cmpf ogt, %slice3A_670, %slice3A_665 : vector<8x128xf32>
      %eq3A_676 = arith.cmpf oeq, %slice3A_670, %slice3A_665 : vector<8x128xf32>
      %lt3A_677 = arith.cmpi slt, %slice3A_671, %slice3A_666 : vector<8x128xi32>
      %and3A_678 = arith.andi %eq3A_676, %lt3A_677 : vector<8x128xi1>
      %or3A_679 = arith.ori %gt3A_675, %and3A_678 : vector<8x128xi1>
      %select_n3A_680 = arith.select %or3A_679, %slice3A_670, %slice3A_665 : vector<8x128xi1>, vector<8x128xf32>
      %select_n3A_681 = arith.select %or3A_679, %slice3A_671, %slice3A_666 : vector<8x128xi1>, vector<8x128xi32>
      %select_n3A_682 = arith.select %or3A_679, %slice3A_672, %slice3A_667 : vector<8x128xi1>, vector<8x128xf32>
      %select_n3A_683 = arith.select %or3A_679, %slice3A_673, %slice3A_668 : vector<8x128xi1>, vector<8x128xf32>
      %select_n3A_684 = arith.select %or3A_679, %slice3A_674, %slice3A_669 : vector<8x128xi1>, vector<8x128xf32>
      %roll3A = arith.constant 1 : i32
      %roll3A_685 = tpu.dynamic_rotate %select_n3A_620 by %roll3A dim 0 : vector<8x128xf32>, i32 -> vector<8x128xf32>
      %roll3A_686 = arith.constant 1 : i32
      %roll3A_687 = tpu.dynamic_rotate %select_n3A_621 by %roll3A_686 dim 0 : vector<8x128xi32>, i32 -> vector<8x128xi32>
      %roll3A_688 = arith.constant 1 : i32
      %roll3A_689 = tpu.dynamic_rotate %select_n3A_622 by %roll3A_688 dim 0 : vector<8x128xf32>, i32 -> vector<8x128xf32>
      %roll3A_690 = arith.constant 1 : i32
      %roll3A_691 = tpu.dynamic_rotate %select_n3A_623 by %roll3A_690 dim 0 : vector<8x128xf32>, i32 -> vector<8x128xf32>
      %roll3A_692 = arith.constant 1 : i32
      %roll3A_693 = tpu.dynamic_rotate %select_n3A_624 by %roll3A_692 dim 0 : vector<8x128xf32>, i32 -> vector<8x128xf32>
      %gt3A_694 = arith.cmpf ogt, %roll3A_685, %select_n3A_620 : vector<8x128xf32>
      %eq3A_695 = arith.cmpf oeq, %roll3A_685, %select_n3A_620 : vector<8x128xf32>
      %lt3A_696 = arith.cmpi slt, %roll3A_687, %select_n3A_621 : vector<8x128xi32>
      %and3A_697 = arith.andi %eq3A_695, %lt3A_696 : vector<8x128xi1>
      %or3A_698 = arith.ori %gt3A_694, %and3A_697 : vector<8x128xi1>
      %select_n3A_699 = arith.select %or3A_698, %roll3A_685, %select_n3A_620 : vector<8x128xi1>, vector<8x128xf32>
      %select_n3A_700 = arith.select %or3A_698, %roll3A_687, %select_n3A_621 : vector<8x128xi1>, vector<8x128xi32>
      %select_n3A_701 = arith.select %or3A_698, %roll3A_689, %select_n3A_622 : vector<8x128xi1>, vector<8x128xf32>
      %select_n3A_702 = arith.select %or3A_698, %roll3A_691, %select_n3A_623 : vector<8x128xi1>, vector<8x128xf32>
      %select_n3A_703 = arith.select %or3A_698, %roll3A_693, %select_n3A_624 : vector<8x128xi1>, vector<8x128xf32>
      %roll3A_704 = arith.constant 1 : i32
      %roll3A_705 = tpu.dynamic_rotate %select_n3A_640 by %roll3A_704 dim 0 : vector<8x128xf32>, i32 -> vector<8x128xf32>
      %roll3A_706 = arith.constant 1 : i32
      %roll3A_707 = tpu.dynamic_rotate %select_n3A_641 by %roll3A_706 dim 0 : vector<8x128xi32>, i32 -> vector<8x128xi32>
      %roll3A_708 = arith.constant 1 : i32
      %roll3A_709 = tpu.dynamic_rotate %select_n3A_642 by %roll3A_708 dim 0 : vector<8x128xf32>, i32 -> vector<8x128xf32>
      %roll3A_710 = arith.constant 1 : i32
      %roll3A_711 = tpu.dynamic_rotate %select_n3A_643 by %roll3A_710 dim 0 : vector<8x128xf32>, i32 -> vector<8x128xf32>
      %roll3A_712 = arith.constant 1 : i32
      %roll3A_713 = tpu.dynamic_rotate %select_n3A_644 by %roll3A_712 dim 0 : vector<8x128xf32>, i32 -> vector<8x128xf32>
      %gt3A_714 = arith.cmpf ogt, %roll3A_705, %select_n3A_640 : vector<8x128xf32>
      %eq3A_715 = arith.cmpf oeq, %roll3A_705, %select_n3A_640 : vector<8x128xf32>
      %lt3A_716 = arith.cmpi slt, %roll3A_707, %select_n3A_641 : vector<8x128xi32>
      %and3A_717 = arith.andi %eq3A_715, %lt3A_716 : vector<8x128xi1>
      %or3A_718 = arith.ori %gt3A_714, %and3A_717 : vector<8x128xi1>
      %select_n3A_719 = arith.select %or3A_718, %roll3A_705, %select_n3A_640 : vector<8x128xi1>, vector<8x128xf32>
      %select_n3A_720 = arith.select %or3A_718, %roll3A_707, %select_n3A_641 : vector<8x128xi1>, vector<8x128xi32>
      %select_n3A_721 = arith.select %or3A_718, %roll3A_709, %select_n3A_642 : vector<8x128xi1>, vector<8x128xf32>
      %select_n3A_722 = arith.select %or3A_718, %roll3A_711, %select_n3A_643 : vector<8x128xi1>, vector<8x128xf32>
      %select_n3A_723 = arith.select %or3A_718, %roll3A_713, %select_n3A_644 : vector<8x128xi1>, vector<8x128xf32>
      %roll3A_724 = arith.constant 1 : i32
      %roll3A_725 = tpu.dynamic_rotate %select_n3A_660 by %roll3A_724 dim 0 : vector<8x128xf32>, i32 -> vector<8x128xf32>
      %roll3A_726 = arith.constant 1 : i32
      %roll3A_727 = tpu.dynamic_rotate %select_n3A_661 by %roll3A_726 dim 0 : vector<8x128xi32>, i32 -> vector<8x128xi32>
      %roll3A_728 = arith.constant 1 : i32
      %roll3A_729 = tpu.dynamic_rotate %select_n3A_662 by %roll3A_728 dim 0 : vector<8x128xf32>, i32 -> vector<8x128xf32>
      %roll3A_730 = arith.constant 1 : i32
      %roll3A_731 = tpu.dynamic_rotate %select_n3A_663 by %roll3A_730 dim 0 : vector<8x128xf32>, i32 -> vector<8x128xf32>
      %roll3A_732 = arith.constant 1 : i32
      %roll3A_733 = tpu.dynamic_rotate %select_n3A_664 by %roll3A_732 dim 0 : vector<8x128xf32>, i32 -> vector<8x128xf32>
      %gt3A_734 = arith.cmpf ogt, %roll3A_725, %select_n3A_660 : vector<8x128xf32>
      %eq3A_735 = arith.cmpf oeq, %roll3A_725, %select_n3A_660 : vector<8x128xf32>
      %lt3A_736 = arith.cmpi slt, %roll3A_727, %select_n3A_661 : vector<8x128xi32>
      %and3A_737 = arith.andi %eq3A_735, %lt3A_736 : vector<8x128xi1>
      %or3A_738 = arith.ori %gt3A_734, %and3A_737 : vector<8x128xi1>
      %select_n3A_739 = arith.select %or3A_738, %roll3A_725, %select_n3A_660 : vector<8x128xi1>, vector<8x128xf32>
      %select_n3A_740 = arith.select %or3A_738, %roll3A_727, %select_n3A_661 : vector<8x128xi1>, vector<8x128xi32>
      %select_n3A_741 = arith.select %or3A_738, %roll3A_729, %select_n3A_662 : vector<8x128xi1>, vector<8x128xf32>
      %select_n3A_742 = arith.select %or3A_738, %roll3A_731, %select_n3A_663 : vector<8x128xi1>, vector<8x128xf32>
      %select_n3A_743 = arith.select %or3A_738, %roll3A_733, %select_n3A_664 : vector<8x128xi1>, vector<8x128xf32>
      %roll3A_744 = arith.constant 1 : i32
      %roll3A_745 = tpu.dynamic_rotate %select_n3A_680 by %roll3A_744 dim 0 : vector<8x128xf32>, i32 -> vector<8x128xf32>
      %roll3A_746 = arith.constant 1 : i32
      %roll3A_747 = tpu.dynamic_rotate %select_n3A_681 by %roll3A_746 dim 0 : vector<8x128xi32>, i32 -> vector<8x128xi32>
      %roll3A_748 = arith.constant 1 : i32
      %roll3A_749 = tpu.dynamic_rotate %select_n3A_682 by %roll3A_748 dim 0 : vector<8x128xf32>, i32 -> vector<8x128xf32>
      %roll3A_750 = arith.constant 1 : i32
      %roll3A_751 = tpu.dynamic_rotate %select_n3A_683 by %roll3A_750 dim 0 : vector<8x128xf32>, i32 -> vector<8x128xf32>
      %roll3A_752 = arith.constant 1 : i32
      %roll3A_753 = tpu.dynamic_rotate %select_n3A_684 by %roll3A_752 dim 0 : vector<8x128xf32>, i32 -> vector<8x128xf32>
      %gt3A_754 = arith.cmpf ogt, %roll3A_745, %select_n3A_680 : vector<8x128xf32>
      %eq3A_755 = arith.cmpf oeq, %roll3A_745, %select_n3A_680 : vector<8x128xf32>
      %lt3A_756 = arith.cmpi slt, %roll3A_747, %select_n3A_681 : vector<8x128xi32>
      %and3A_757 = arith.andi %eq3A_755, %lt3A_756 : vector<8x128xi1>
      %or3A_758 = arith.ori %gt3A_754, %and3A_757 : vector<8x128xi1>
      %select_n3A_759 = arith.select %or3A_758, %roll3A_745, %select_n3A_680 : vector<8x128xi1>, vector<8x128xf32>
      %select_n3A_760 = arith.select %or3A_758, %roll3A_747, %select_n3A_681 : vector<8x128xi1>, vector<8x128xi32>
      %select_n3A_761 = arith.select %or3A_758, %roll3A_749, %select_n3A_682 : vector<8x128xi1>, vector<8x128xf32>
      %select_n3A_762 = arith.select %or3A_758, %roll3A_751, %select_n3A_683 : vector<8x128xi1>, vector<8x128xf32>
      %select_n3A_763 = arith.select %or3A_758, %roll3A_753, %select_n3A_684 : vector<8x128xi1>, vector<8x128xf32>
      %roll3A_764 = arith.constant 2 : i32
      %roll3A_765 = tpu.dynamic_rotate %select_n3A_699 by %roll3A_764 dim 0 : vector<8x128xf32>, i32 -> vector<8x128xf32>
      %roll3A_766 = arith.constant 2 : i32
      %roll3A_767 = tpu.dynamic_rotate %select_n3A_700 by %roll3A_766 dim 0 : vector<8x128xi32>, i32 -> vector<8x128xi32>
      %roll3A_768 = arith.constant 2 : i32
      %roll3A_769 = tpu.dynamic_rotate %select_n3A_701 by %roll3A_768 dim 0 : vector<8x128xf32>, i32 -> vector<8x128xf32>
      %roll3A_770 = arith.constant 2 : i32
      %roll3A_771 = tpu.dynamic_rotate %select_n3A_702 by %roll3A_770 dim 0 : vector<8x128xf32>, i32 -> vector<8x128xf32>
      %roll3A_772 = arith.constant 2 : i32
      %roll3A_773 = tpu.dynamic_rotate %select_n3A_703 by %roll3A_772 dim 0 : vector<8x128xf32>, i32 -> vector<8x128xf32>
      %gt3A_774 = arith.cmpf ogt, %roll3A_765, %select_n3A_699 : vector<8x128xf32>
      %eq3A_775 = arith.cmpf oeq, %roll3A_765, %select_n3A_699 : vector<8x128xf32>
      %lt3A_776 = arith.cmpi slt, %roll3A_767, %select_n3A_700 : vector<8x128xi32>
      %and3A_777 = arith.andi %eq3A_775, %lt3A_776 : vector<8x128xi1>
      %or3A_778 = arith.ori %gt3A_774, %and3A_777 : vector<8x128xi1>
      %select_n3A_779 = arith.select %or3A_778, %roll3A_765, %select_n3A_699 : vector<8x128xi1>, vector<8x128xf32>
      %select_n3A_780 = arith.select %or3A_778, %roll3A_767, %select_n3A_700 : vector<8x128xi1>, vector<8x128xi32>
      %select_n3A_781 = arith.select %or3A_778, %roll3A_769, %select_n3A_701 : vector<8x128xi1>, vector<8x128xf32>
      %select_n3A_782 = arith.select %or3A_778, %roll3A_771, %select_n3A_702 : vector<8x128xi1>, vector<8x128xf32>
      %select_n3A_783 = arith.select %or3A_778, %roll3A_773, %select_n3A_703 : vector<8x128xi1>, vector<8x128xf32>
      %roll3A_784 = arith.constant 2 : i32
      %roll3A_785 = tpu.dynamic_rotate %select_n3A_719 by %roll3A_784 dim 0 : vector<8x128xf32>, i32 -> vector<8x128xf32>
      %roll3A_786 = arith.constant 2 : i32
      %roll3A_787 = tpu.dynamic_rotate %select_n3A_720 by %roll3A_786 dim 0 : vector<8x128xi32>, i32 -> vector<8x128xi32>
      %roll3A_788 = arith.constant 2 : i32
      %roll3A_789 = tpu.dynamic_rotate %select_n3A_721 by %roll3A_788 dim 0 : vector<8x128xf32>, i32 -> vector<8x128xf32>
      %roll3A_790 = arith.constant 2 : i32
      %roll3A_791 = tpu.dynamic_rotate %select_n3A_722 by %roll3A_790 dim 0 : vector<8x128xf32>, i32 -> vector<8x128xf32>
      %roll3A_792 = arith.constant 2 : i32
      %roll3A_793 = tpu.dynamic_rotate %select_n3A_723 by %roll3A_792 dim 0 : vector<8x128xf32>, i32 -> vector<8x128xf32>
      %gt3A_794 = arith.cmpf ogt, %roll3A_785, %select_n3A_719 : vector<8x128xf32>
      %eq3A_795 = arith.cmpf oeq, %roll3A_785, %select_n3A_719 : vector<8x128xf32>
      %lt3A_796 = arith.cmpi slt, %roll3A_787, %select_n3A_720 : vector<8x128xi32>
      %and3A_797 = arith.andi %eq3A_795, %lt3A_796 : vector<8x128xi1>
      %or3A_798 = arith.ori %gt3A_794, %and3A_797 : vector<8x128xi1>
      %select_n3A_799 = arith.select %or3A_798, %roll3A_785, %select_n3A_719 : vector<8x128xi1>, vector<8x128xf32>
      %select_n3A_800 = arith.select %or3A_798, %roll3A_787, %select_n3A_720 : vector<8x128xi1>, vector<8x128xi32>
      %select_n3A_801 = arith.select %or3A_798, %roll3A_789, %select_n3A_721 : vector<8x128xi1>, vector<8x128xf32>
      %select_n3A_802 = arith.select %or3A_798, %roll3A_791, %select_n3A_722 : vector<8x128xi1>, vector<8x128xf32>
      %select_n3A_803 = arith.select %or3A_798, %roll3A_793, %select_n3A_723 : vector<8x128xi1>, vector<8x128xf32>
      %roll3A_804 = arith.constant 2 : i32
      %roll3A_805 = tpu.dynamic_rotate %select_n3A_739 by %roll3A_804 dim 0 : vector<8x128xf32>, i32 -> vector<8x128xf32>
      %roll3A_806 = arith.constant 2 : i32
      %roll3A_807 = tpu.dynamic_rotate %select_n3A_740 by %roll3A_806 dim 0 : vector<8x128xi32>, i32 -> vector<8x128xi32>
      %roll3A_808 = arith.constant 2 : i32
      %roll3A_809 = tpu.dynamic_rotate %select_n3A_741 by %roll3A_808 dim 0 : vector<8x128xf32>, i32 -> vector<8x128xf32>
      %roll3A_810 = arith.constant 2 : i32
      %roll3A_811 = tpu.dynamic_rotate %select_n3A_742 by %roll3A_810 dim 0 : vector<8x128xf32>, i32 -> vector<8x128xf32>
      %roll3A_812 = arith.constant 2 : i32
      %roll3A_813 = tpu.dynamic_rotate %select_n3A_743 by %roll3A_812 dim 0 : vector<8x128xf32>, i32 -> vector<8x128xf32>
      %gt3A_814 = arith.cmpf ogt, %roll3A_805, %select_n3A_739 : vector<8x128xf32>
      %eq3A_815 = arith.cmpf oeq, %roll3A_805, %select_n3A_739 : vector<8x128xf32>
      %lt3A_816 = arith.cmpi slt, %roll3A_807, %select_n3A_740 : vector<8x128xi32>
      %and3A_817 = arith.andi %eq3A_815, %lt3A_816 : vector<8x128xi1>
      %or3A_818 = arith.ori %gt3A_814, %and3A_817 : vector<8x128xi1>
      %select_n3A_819 = arith.select %or3A_818, %roll3A_805, %select_n3A_739 : vector<8x128xi1>, vector<8x128xf32>
      %select_n3A_820 = arith.select %or3A_818, %roll3A_807, %select_n3A_740 : vector<8x128xi1>, vector<8x128xi32>
      %select_n3A_821 = arith.select %or3A_818, %roll3A_809, %select_n3A_741 : vector<8x128xi1>, vector<8x128xf32>
      %select_n3A_822 = arith.select %or3A_818, %roll3A_811, %select_n3A_742 : vector<8x128xi1>, vector<8x128xf32>
      %select_n3A_823 = arith.select %or3A_818, %roll3A_813, %select_n3A_743 : vector<8x128xi1>, vector<8x128xf32>
      %roll3A_824 = arith.constant 2 : i32
      %roll3A_825 = tpu.dynamic_rotate %select_n3A_759 by %roll3A_824 dim 0 : vector<8x128xf32>, i32 -> vector<8x128xf32>
      %roll3A_826 = arith.constant 2 : i32
      %roll3A_827 = tpu.dynamic_rotate %select_n3A_760 by %roll3A_826 dim 0 : vector<8x128xi32>, i32 -> vector<8x128xi32>
      %roll3A_828 = arith.constant 2 : i32
      %roll3A_829 = tpu.dynamic_rotate %select_n3A_761 by %roll3A_828 dim 0 : vector<8x128xf32>, i32 -> vector<8x128xf32>
      %roll3A_830 = arith.constant 2 : i32
      %roll3A_831 = tpu.dynamic_rotate %select_n3A_762 by %roll3A_830 dim 0 : vector<8x128xf32>, i32 -> vector<8x128xf32>
      %roll3A_832 = arith.constant 2 : i32
      %roll3A_833 = tpu.dynamic_rotate %select_n3A_763 by %roll3A_832 dim 0 : vector<8x128xf32>, i32 -> vector<8x128xf32>
      %gt3A_834 = arith.cmpf ogt, %roll3A_825, %select_n3A_759 : vector<8x128xf32>
      %eq3A_835 = arith.cmpf oeq, %roll3A_825, %select_n3A_759 : vector<8x128xf32>
      %lt3A_836 = arith.cmpi slt, %roll3A_827, %select_n3A_760 : vector<8x128xi32>
      %and3A_837 = arith.andi %eq3A_835, %lt3A_836 : vector<8x128xi1>
      %or3A_838 = arith.ori %gt3A_834, %and3A_837 : vector<8x128xi1>
      %select_n3A_839 = arith.select %or3A_838, %roll3A_825, %select_n3A_759 : vector<8x128xi1>, vector<8x128xf32>
      %select_n3A_840 = arith.select %or3A_838, %roll3A_827, %select_n3A_760 : vector<8x128xi1>, vector<8x128xi32>
      %select_n3A_841 = arith.select %or3A_838, %roll3A_829, %select_n3A_761 : vector<8x128xi1>, vector<8x128xf32>
      %select_n3A_842 = arith.select %or3A_838, %roll3A_831, %select_n3A_762 : vector<8x128xi1>, vector<8x128xf32>
      %select_n3A_843 = arith.select %or3A_838, %roll3A_833, %select_n3A_763 : vector<8x128xi1>, vector<8x128xf32>
      %roll3A_844 = arith.constant 4 : i32
      %roll3A_845 = tpu.dynamic_rotate %select_n3A_779 by %roll3A_844 dim 0 : vector<8x128xf32>, i32 -> vector<8x128xf32>
      %roll3A_846 = arith.constant 4 : i32
      %roll3A_847 = tpu.dynamic_rotate %select_n3A_780 by %roll3A_846 dim 0 : vector<8x128xi32>, i32 -> vector<8x128xi32>
      %roll3A_848 = arith.constant 4 : i32
      %roll3A_849 = tpu.dynamic_rotate %select_n3A_781 by %roll3A_848 dim 0 : vector<8x128xf32>, i32 -> vector<8x128xf32>
      %roll3A_850 = arith.constant 4 : i32
      %roll3A_851 = tpu.dynamic_rotate %select_n3A_782 by %roll3A_850 dim 0 : vector<8x128xf32>, i32 -> vector<8x128xf32>
      %roll3A_852 = arith.constant 4 : i32
      %roll3A_853 = tpu.dynamic_rotate %select_n3A_783 by %roll3A_852 dim 0 : vector<8x128xf32>, i32 -> vector<8x128xf32>
      %gt3A_854 = arith.cmpf ogt, %roll3A_845, %select_n3A_779 : vector<8x128xf32>
      %eq3A_855 = arith.cmpf oeq, %roll3A_845, %select_n3A_779 : vector<8x128xf32>
      %lt3A_856 = arith.cmpi slt, %roll3A_847, %select_n3A_780 : vector<8x128xi32>
      %and3A_857 = arith.andi %eq3A_855, %lt3A_856 : vector<8x128xi1>
      %or3A_858 = arith.ori %gt3A_854, %and3A_857 : vector<8x128xi1>
      %select_n3A_859 = arith.select %or3A_858, %roll3A_845, %select_n3A_779 : vector<8x128xi1>, vector<8x128xf32>
      %select_n3A_860 = arith.select %or3A_858, %roll3A_847, %select_n3A_780 : vector<8x128xi1>, vector<8x128xi32>
      %select_n3A_861 = arith.select %or3A_858, %roll3A_849, %select_n3A_781 : vector<8x128xi1>, vector<8x128xf32>
      %select_n3A_862 = arith.select %or3A_858, %roll3A_851, %select_n3A_782 : vector<8x128xi1>, vector<8x128xf32>
      %select_n3A_863 = arith.select %or3A_858, %roll3A_853, %select_n3A_783 : vector<8x128xi1>, vector<8x128xf32>
      %roll3A_864 = arith.constant 4 : i32
      %roll3A_865 = tpu.dynamic_rotate %select_n3A_799 by %roll3A_864 dim 0 : vector<8x128xf32>, i32 -> vector<8x128xf32>
      %roll3A_866 = arith.constant 4 : i32
      %roll3A_867 = tpu.dynamic_rotate %select_n3A_800 by %roll3A_866 dim 0 : vector<8x128xi32>, i32 -> vector<8x128xi32>
      %roll3A_868 = arith.constant 4 : i32
      %roll3A_869 = tpu.dynamic_rotate %select_n3A_801 by %roll3A_868 dim 0 : vector<8x128xf32>, i32 -> vector<8x128xf32>
      %roll3A_870 = arith.constant 4 : i32
      %roll3A_871 = tpu.dynamic_rotate %select_n3A_802 by %roll3A_870 dim 0 : vector<8x128xf32>, i32 -> vector<8x128xf32>
      %roll3A_872 = arith.constant 4 : i32
      %roll3A_873 = tpu.dynamic_rotate %select_n3A_803 by %roll3A_872 dim 0 : vector<8x128xf32>, i32 -> vector<8x128xf32>
      %gt3A_874 = arith.cmpf ogt, %roll3A_865, %select_n3A_799 : vector<8x128xf32>
      %eq3A_875 = arith.cmpf oeq, %roll3A_865, %select_n3A_799 : vector<8x128xf32>
      %lt3A_876 = arith.cmpi slt, %roll3A_867, %select_n3A_800 : vector<8x128xi32>
      %and3A_877 = arith.andi %eq3A_875, %lt3A_876 : vector<8x128xi1>
      %or3A_878 = arith.ori %gt3A_874, %and3A_877 : vector<8x128xi1>
      %select_n3A_879 = arith.select %or3A_878, %roll3A_865, %select_n3A_799 : vector<8x128xi1>, vector<8x128xf32>
      %select_n3A_880 = arith.select %or3A_878, %roll3A_867, %select_n3A_800 : vector<8x128xi1>, vector<8x128xi32>
      %select_n3A_881 = arith.select %or3A_878, %roll3A_869, %select_n3A_801 : vector<8x128xi1>, vector<8x128xf32>
      %select_n3A_882 = arith.select %or3A_878, %roll3A_871, %select_n3A_802 : vector<8x128xi1>, vector<8x128xf32>
      %select_n3A_883 = arith.select %or3A_878, %roll3A_873, %select_n3A_803 : vector<8x128xi1>, vector<8x128xf32>
      %roll3A_884 = arith.constant 4 : i32
      %roll3A_885 = tpu.dynamic_rotate %select_n3A_819 by %roll3A_884 dim 0 : vector<8x128xf32>, i32 -> vector<8x128xf32>
      %roll3A_886 = arith.constant 4 : i32
      %roll3A_887 = tpu.dynamic_rotate %select_n3A_820 by %roll3A_886 dim 0 : vector<8x128xi32>, i32 -> vector<8x128xi32>
      %roll3A_888 = arith.constant 4 : i32
      %roll3A_889 = tpu.dynamic_rotate %select_n3A_821 by %roll3A_888 dim 0 : vector<8x128xf32>, i32 -> vector<8x128xf32>
      %roll3A_890 = arith.constant 4 : i32
      %roll3A_891 = tpu.dynamic_rotate %select_n3A_822 by %roll3A_890 dim 0 : vector<8x128xf32>, i32 -> vector<8x128xf32>
      %roll3A_892 = arith.constant 4 : i32
      %roll3A_893 = tpu.dynamic_rotate %select_n3A_823 by %roll3A_892 dim 0 : vector<8x128xf32>, i32 -> vector<8x128xf32>
      %gt3A_894 = arith.cmpf ogt, %roll3A_885, %select_n3A_819 : vector<8x128xf32>
      %eq3A_895 = arith.cmpf oeq, %roll3A_885, %select_n3A_819 : vector<8x128xf32>
      %lt3A_896 = arith.cmpi slt, %roll3A_887, %select_n3A_820 : vector<8x128xi32>
      %and3A_897 = arith.andi %eq3A_895, %lt3A_896 : vector<8x128xi1>
      %or3A_898 = arith.ori %gt3A_894, %and3A_897 : vector<8x128xi1>
      %select_n3A_899 = arith.select %or3A_898, %roll3A_885, %select_n3A_819 : vector<8x128xi1>, vector<8x128xf32>
      %select_n3A_900 = arith.select %or3A_898, %roll3A_887, %select_n3A_820 : vector<8x128xi1>, vector<8x128xi32>
      %select_n3A_901 = arith.select %or3A_898, %roll3A_889, %select_n3A_821 : vector<8x128xi1>, vector<8x128xf32>
      %select_n3A_902 = arith.select %or3A_898, %roll3A_891, %select_n3A_822 : vector<8x128xi1>, vector<8x128xf32>
      %select_n3A_903 = arith.select %or3A_898, %roll3A_893, %select_n3A_823 : vector<8x128xi1>, vector<8x128xf32>
      %roll3A_904 = arith.constant 4 : i32
      %roll3A_905 = tpu.dynamic_rotate %select_n3A_839 by %roll3A_904 dim 0 : vector<8x128xf32>, i32 -> vector<8x128xf32>
      %roll3A_906 = arith.constant 4 : i32
      %roll3A_907 = tpu.dynamic_rotate %select_n3A_840 by %roll3A_906 dim 0 : vector<8x128xi32>, i32 -> vector<8x128xi32>
      %roll3A_908 = arith.constant 4 : i32
      %roll3A_909 = tpu.dynamic_rotate %select_n3A_841 by %roll3A_908 dim 0 : vector<8x128xf32>, i32 -> vector<8x128xf32>
      %roll3A_910 = arith.constant 4 : i32
      %roll3A_911 = tpu.dynamic_rotate %select_n3A_842 by %roll3A_910 dim 0 : vector<8x128xf32>, i32 -> vector<8x128xf32>
      %roll3A_912 = arith.constant 4 : i32
      %roll3A_913 = tpu.dynamic_rotate %select_n3A_843 by %roll3A_912 dim 0 : vector<8x128xf32>, i32 -> vector<8x128xf32>
      %gt3A_914 = arith.cmpf ogt, %roll3A_905, %select_n3A_839 : vector<8x128xf32>
      %eq3A_915 = arith.cmpf oeq, %roll3A_905, %select_n3A_839 : vector<8x128xf32>
      %lt3A_916 = arith.cmpi slt, %roll3A_907, %select_n3A_840 : vector<8x128xi32>
      %and3A_917 = arith.andi %eq3A_915, %lt3A_916 : vector<8x128xi1>
      %or3A_918 = arith.ori %gt3A_914, %and3A_917 : vector<8x128xi1>
      %select_n3A_919 = arith.select %or3A_918, %roll3A_905, %select_n3A_839 : vector<8x128xi1>, vector<8x128xf32>
      %select_n3A_920 = arith.select %or3A_918, %roll3A_907, %select_n3A_840 : vector<8x128xi1>, vector<8x128xi32>
      %select_n3A_921 = arith.select %or3A_918, %roll3A_909, %select_n3A_841 : vector<8x128xi1>, vector<8x128xf32>
      %select_n3A_922 = arith.select %or3A_918, %roll3A_911, %select_n3A_842 : vector<8x128xi1>, vector<8x128xf32>
      %select_n3A_923 = arith.select %or3A_918, %roll3A_913, %select_n3A_843 : vector<8x128xi1>, vector<8x128xf32>
      %roll3A_924 = arith.constant 1 : i32
      %roll3A_925 = tpu.dynamic_rotate %select_n3A_859 by %roll3A_924 dim 1 : vector<8x128xf32>, i32 -> vector<8x128xf32>
      %roll3A_926 = arith.constant 1 : i32
      %roll3A_927 = tpu.dynamic_rotate %select_n3A_860 by %roll3A_926 dim 1 : vector<8x128xi32>, i32 -> vector<8x128xi32>
      %roll3A_928 = arith.constant 1 : i32
      %roll3A_929 = tpu.dynamic_rotate %select_n3A_861 by %roll3A_928 dim 1 : vector<8x128xf32>, i32 -> vector<8x128xf32>
      %roll3A_930 = arith.constant 1 : i32
      %roll3A_931 = tpu.dynamic_rotate %select_n3A_862 by %roll3A_930 dim 1 : vector<8x128xf32>, i32 -> vector<8x128xf32>
      %roll3A_932 = arith.constant 1 : i32
      %roll3A_933 = tpu.dynamic_rotate %select_n3A_863 by %roll3A_932 dim 1 : vector<8x128xf32>, i32 -> vector<8x128xf32>
      %gt3A_934 = arith.cmpf ogt, %roll3A_925, %select_n3A_859 : vector<8x128xf32>
      %eq3A_935 = arith.cmpf oeq, %roll3A_925, %select_n3A_859 : vector<8x128xf32>
      %lt3A_936 = arith.cmpi slt, %roll3A_927, %select_n3A_860 : vector<8x128xi32>
      %and3A_937 = arith.andi %eq3A_935, %lt3A_936 : vector<8x128xi1>
      %or3A_938 = arith.ori %gt3A_934, %and3A_937 : vector<8x128xi1>
      %select_n3A_939 = arith.select %or3A_938, %roll3A_925, %select_n3A_859 : vector<8x128xi1>, vector<8x128xf32>
      %select_n3A_940 = arith.select %or3A_938, %roll3A_927, %select_n3A_860 : vector<8x128xi1>, vector<8x128xi32>
      %select_n3A_941 = arith.select %or3A_938, %roll3A_929, %select_n3A_861 : vector<8x128xi1>, vector<8x128xf32>
      %select_n3A_942 = arith.select %or3A_938, %roll3A_931, %select_n3A_862 : vector<8x128xi1>, vector<8x128xf32>
      %select_n3A_943 = arith.select %or3A_938, %roll3A_933, %select_n3A_863 : vector<8x128xi1>, vector<8x128xf32>
      %roll3A_944 = arith.constant 1 : i32
      %roll3A_945 = tpu.dynamic_rotate %select_n3A_879 by %roll3A_944 dim 1 : vector<8x128xf32>, i32 -> vector<8x128xf32>
      %roll3A_946 = arith.constant 1 : i32
      %roll3A_947 = tpu.dynamic_rotate %select_n3A_880 by %roll3A_946 dim 1 : vector<8x128xi32>, i32 -> vector<8x128xi32>
      %roll3A_948 = arith.constant 1 : i32
      %roll3A_949 = tpu.dynamic_rotate %select_n3A_881 by %roll3A_948 dim 1 : vector<8x128xf32>, i32 -> vector<8x128xf32>
      %roll3A_950 = arith.constant 1 : i32
      %roll3A_951 = tpu.dynamic_rotate %select_n3A_882 by %roll3A_950 dim 1 : vector<8x128xf32>, i32 -> vector<8x128xf32>
      %roll3A_952 = arith.constant 1 : i32
      %roll3A_953 = tpu.dynamic_rotate %select_n3A_883 by %roll3A_952 dim 1 : vector<8x128xf32>, i32 -> vector<8x128xf32>
      %gt3A_954 = arith.cmpf ogt, %roll3A_945, %select_n3A_879 : vector<8x128xf32>
      %eq3A_955 = arith.cmpf oeq, %roll3A_945, %select_n3A_879 : vector<8x128xf32>
      %lt3A_956 = arith.cmpi slt, %roll3A_947, %select_n3A_880 : vector<8x128xi32>
      %and3A_957 = arith.andi %eq3A_955, %lt3A_956 : vector<8x128xi1>
      %or3A_958 = arith.ori %gt3A_954, %and3A_957 : vector<8x128xi1>
      %select_n3A_959 = arith.select %or3A_958, %roll3A_945, %select_n3A_879 : vector<8x128xi1>, vector<8x128xf32>
      %select_n3A_960 = arith.select %or3A_958, %roll3A_947, %select_n3A_880 : vector<8x128xi1>, vector<8x128xi32>
      %select_n3A_961 = arith.select %or3A_958, %roll3A_949, %select_n3A_881 : vector<8x128xi1>, vector<8x128xf32>
      %select_n3A_962 = arith.select %or3A_958, %roll3A_951, %select_n3A_882 : vector<8x128xi1>, vector<8x128xf32>
      %select_n3A_963 = arith.select %or3A_958, %roll3A_953, %select_n3A_883 : vector<8x128xi1>, vector<8x128xf32>
      %roll3A_964 = arith.constant 1 : i32
      %roll3A_965 = tpu.dynamic_rotate %select_n3A_899 by %roll3A_964 dim 1 : vector<8x128xf32>, i32 -> vector<8x128xf32>
      %roll3A_966 = arith.constant 1 : i32
      %roll3A_967 = tpu.dynamic_rotate %select_n3A_900 by %roll3A_966 dim 1 : vector<8x128xi32>, i32 -> vector<8x128xi32>
      %roll3A_968 = arith.constant 1 : i32
      %roll3A_969 = tpu.dynamic_rotate %select_n3A_901 by %roll3A_968 dim 1 : vector<8x128xf32>, i32 -> vector<8x128xf32>
      %roll3A_970 = arith.constant 1 : i32
      %roll3A_971 = tpu.dynamic_rotate %select_n3A_902 by %roll3A_970 dim 1 : vector<8x128xf32>, i32 -> vector<8x128xf32>
      %roll3A_972 = arith.constant 1 : i32
      %roll3A_973 = tpu.dynamic_rotate %select_n3A_903 by %roll3A_972 dim 1 : vector<8x128xf32>, i32 -> vector<8x128xf32>
      %gt3A_974 = arith.cmpf ogt, %roll3A_965, %select_n3A_899 : vector<8x128xf32>
      %eq3A_975 = arith.cmpf oeq, %roll3A_965, %select_n3A_899 : vector<8x128xf32>
      %lt3A_976 = arith.cmpi slt, %roll3A_967, %select_n3A_900 : vector<8x128xi32>
      %and3A_977 = arith.andi %eq3A_975, %lt3A_976 : vector<8x128xi1>
      %or3A_978 = arith.ori %gt3A_974, %and3A_977 : vector<8x128xi1>
      %select_n3A_979 = arith.select %or3A_978, %roll3A_965, %select_n3A_899 : vector<8x128xi1>, vector<8x128xf32>
      %select_n3A_980 = arith.select %or3A_978, %roll3A_967, %select_n3A_900 : vector<8x128xi1>, vector<8x128xi32>
      %select_n3A_981 = arith.select %or3A_978, %roll3A_969, %select_n3A_901 : vector<8x128xi1>, vector<8x128xf32>
      %select_n3A_982 = arith.select %or3A_978, %roll3A_971, %select_n3A_902 : vector<8x128xi1>, vector<8x128xf32>
      %select_n3A_983 = arith.select %or3A_978, %roll3A_973, %select_n3A_903 : vector<8x128xi1>, vector<8x128xf32>
      %roll3A_984 = arith.constant 1 : i32
      %roll3A_985 = tpu.dynamic_rotate %select_n3A_919 by %roll3A_984 dim 1 : vector<8x128xf32>, i32 -> vector<8x128xf32>
      %roll3A_986 = arith.constant 1 : i32
      %roll3A_987 = tpu.dynamic_rotate %select_n3A_920 by %roll3A_986 dim 1 : vector<8x128xi32>, i32 -> vector<8x128xi32>
      %roll3A_988 = arith.constant 1 : i32
      %roll3A_989 = tpu.dynamic_rotate %select_n3A_921 by %roll3A_988 dim 1 : vector<8x128xf32>, i32 -> vector<8x128xf32>
      %roll3A_990 = arith.constant 1 : i32
      %roll3A_991 = tpu.dynamic_rotate %select_n3A_922 by %roll3A_990 dim 1 : vector<8x128xf32>, i32 -> vector<8x128xf32>
      %roll3A_992 = arith.constant 1 : i32
      %roll3A_993 = tpu.dynamic_rotate %select_n3A_923 by %roll3A_992 dim 1 : vector<8x128xf32>, i32 -> vector<8x128xf32>
      %gt3A_994 = arith.cmpf ogt, %roll3A_985, %select_n3A_919 : vector<8x128xf32>
      %eq3A_995 = arith.cmpf oeq, %roll3A_985, %select_n3A_919 : vector<8x128xf32>
      %lt3A_996 = arith.cmpi slt, %roll3A_987, %select_n3A_920 : vector<8x128xi32>
      %and3A_997 = arith.andi %eq3A_995, %lt3A_996 : vector<8x128xi1>
      %or3A_998 = arith.ori %gt3A_994, %and3A_997 : vector<8x128xi1>
      %select_n3A_999 = arith.select %or3A_998, %roll3A_985, %select_n3A_919 : vector<8x128xi1>, vector<8x128xf32>
      %select_n3A_1000 = arith.select %or3A_998, %roll3A_987, %select_n3A_920 : vector<8x128xi1>, vector<8x128xi32>
      %select_n3A_1001 = arith.select %or3A_998, %roll3A_989, %select_n3A_921 : vector<8x128xi1>, vector<8x128xf32>
      %select_n3A_1002 = arith.select %or3A_998, %roll3A_991, %select_n3A_922 : vector<8x128xi1>, vector<8x128xf32>
      %select_n3A_1003 = arith.select %or3A_998, %roll3A_993, %select_n3A_923 : vector<8x128xi1>, vector<8x128xf32>
      %roll3A_1004 = arith.constant 2 : i32
      %roll3A_1005 = tpu.dynamic_rotate %select_n3A_939 by %roll3A_1004 dim 1 : vector<8x128xf32>, i32 -> vector<8x128xf32>
      %roll3A_1006 = arith.constant 2 : i32
      %roll3A_1007 = tpu.dynamic_rotate %select_n3A_940 by %roll3A_1006 dim 1 : vector<8x128xi32>, i32 -> vector<8x128xi32>
      %roll3A_1008 = arith.constant 2 : i32
      %roll3A_1009 = tpu.dynamic_rotate %select_n3A_941 by %roll3A_1008 dim 1 : vector<8x128xf32>, i32 -> vector<8x128xf32>
      %roll3A_1010 = arith.constant 2 : i32
      %roll3A_1011 = tpu.dynamic_rotate %select_n3A_942 by %roll3A_1010 dim 1 : vector<8x128xf32>, i32 -> vector<8x128xf32>
      %roll3A_1012 = arith.constant 2 : i32
      %roll3A_1013 = tpu.dynamic_rotate %select_n3A_943 by %roll3A_1012 dim 1 : vector<8x128xf32>, i32 -> vector<8x128xf32>
      %gt3A_1014 = arith.cmpf ogt, %roll3A_1005, %select_n3A_939 : vector<8x128xf32>
      %eq3A_1015 = arith.cmpf oeq, %roll3A_1005, %select_n3A_939 : vector<8x128xf32>
      %lt3A_1016 = arith.cmpi slt, %roll3A_1007, %select_n3A_940 : vector<8x128xi32>
      %and3A_1017 = arith.andi %eq3A_1015, %lt3A_1016 : vector<8x128xi1>
      %or3A_1018 = arith.ori %gt3A_1014, %and3A_1017 : vector<8x128xi1>
      %select_n3A_1019 = arith.select %or3A_1018, %roll3A_1005, %select_n3A_939 : vector<8x128xi1>, vector<8x128xf32>
      %select_n3A_1020 = arith.select %or3A_1018, %roll3A_1007, %select_n3A_940 : vector<8x128xi1>, vector<8x128xi32>
      %select_n3A_1021 = arith.select %or3A_1018, %roll3A_1009, %select_n3A_941 : vector<8x128xi1>, vector<8x128xf32>
      %select_n3A_1022 = arith.select %or3A_1018, %roll3A_1011, %select_n3A_942 : vector<8x128xi1>, vector<8x128xf32>
      %select_n3A_1023 = arith.select %or3A_1018, %roll3A_1013, %select_n3A_943 : vector<8x128xi1>, vector<8x128xf32>
      %roll3A_1024 = arith.constant 2 : i32
      %roll3A_1025 = tpu.dynamic_rotate %select_n3A_959 by %roll3A_1024 dim 1 : vector<8x128xf32>, i32 -> vector<8x128xf32>
      %roll3A_1026 = arith.constant 2 : i32
      %roll3A_1027 = tpu.dynamic_rotate %select_n3A_960 by %roll3A_1026 dim 1 : vector<8x128xi32>, i32 -> vector<8x128xi32>
      %roll3A_1028 = arith.constant 2 : i32
      %roll3A_1029 = tpu.dynamic_rotate %select_n3A_961 by %roll3A_1028 dim 1 : vector<8x128xf32>, i32 -> vector<8x128xf32>
      %roll3A_1030 = arith.constant 2 : i32
      %roll3A_1031 = tpu.dynamic_rotate %select_n3A_962 by %roll3A_1030 dim 1 : vector<8x128xf32>, i32 -> vector<8x128xf32>
      %roll3A_1032 = arith.constant 2 : i32
      %roll3A_1033 = tpu.dynamic_rotate %select_n3A_963 by %roll3A_1032 dim 1 : vector<8x128xf32>, i32 -> vector<8x128xf32>
      %gt3A_1034 = arith.cmpf ogt, %roll3A_1025, %select_n3A_959 : vector<8x128xf32>
      %eq3A_1035 = arith.cmpf oeq, %roll3A_1025, %select_n3A_959 : vector<8x128xf32>
      %lt3A_1036 = arith.cmpi slt, %roll3A_1027, %select_n3A_960 : vector<8x128xi32>
      %and3A_1037 = arith.andi %eq3A_1035, %lt3A_1036 : vector<8x128xi1>
      %or3A_1038 = arith.ori %gt3A_1034, %and3A_1037 : vector<8x128xi1>
      %select_n3A_1039 = arith.select %or3A_1038, %roll3A_1025, %select_n3A_959 : vector<8x128xi1>, vector<8x128xf32>
      %select_n3A_1040 = arith.select %or3A_1038, %roll3A_1027, %select_n3A_960 : vector<8x128xi1>, vector<8x128xi32>
      %select_n3A_1041 = arith.select %or3A_1038, %roll3A_1029, %select_n3A_961 : vector<8x128xi1>, vector<8x128xf32>
      %select_n3A_1042 = arith.select %or3A_1038, %roll3A_1031, %select_n3A_962 : vector<8x128xi1>, vector<8x128xf32>
      %select_n3A_1043 = arith.select %or3A_1038, %roll3A_1033, %select_n3A_963 : vector<8x128xi1>, vector<8x128xf32>
      %roll3A_1044 = arith.constant 2 : i32
      %roll3A_1045 = tpu.dynamic_rotate %select_n3A_979 by %roll3A_1044 dim 1 : vector<8x128xf32>, i32 -> vector<8x128xf32>
      %roll3A_1046 = arith.constant 2 : i32
      %roll3A_1047 = tpu.dynamic_rotate %select_n3A_980 by %roll3A_1046 dim 1 : vector<8x128xi32>, i32 -> vector<8x128xi32>
      %roll3A_1048 = arith.constant 2 : i32
      %roll3A_1049 = tpu.dynamic_rotate %select_n3A_981 by %roll3A_1048 dim 1 : vector<8x128xf32>, i32 -> vector<8x128xf32>
      %roll3A_1050 = arith.constant 2 : i32
      %roll3A_1051 = tpu.dynamic_rotate %select_n3A_982 by %roll3A_1050 dim 1 : vector<8x128xf32>, i32 -> vector<8x128xf32>
      %roll3A_1052 = arith.constant 2 : i32
      %roll3A_1053 = tpu.dynamic_rotate %select_n3A_983 by %roll3A_1052 dim 1 : vector<8x128xf32>, i32 -> vector<8x128xf32>
      %gt3A_1054 = arith.cmpf ogt, %roll3A_1045, %select_n3A_979 : vector<8x128xf32>
      %eq3A_1055 = arith.cmpf oeq, %roll3A_1045, %select_n3A_979 : vector<8x128xf32>
      %lt3A_1056 = arith.cmpi slt, %roll3A_1047, %select_n3A_980 : vector<8x128xi32>
      %and3A_1057 = arith.andi %eq3A_1055, %lt3A_1056 : vector<8x128xi1>
      %or3A_1058 = arith.ori %gt3A_1054, %and3A_1057 : vector<8x128xi1>
      %select_n3A_1059 = arith.select %or3A_1058, %roll3A_1045, %select_n3A_979 : vector<8x128xi1>, vector<8x128xf32>
      %select_n3A_1060 = arith.select %or3A_1058, %roll3A_1047, %select_n3A_980 : vector<8x128xi1>, vector<8x128xi32>
      %select_n3A_1061 = arith.select %or3A_1058, %roll3A_1049, %select_n3A_981 : vector<8x128xi1>, vector<8x128xf32>
      %select_n3A_1062 = arith.select %or3A_1058, %roll3A_1051, %select_n3A_982 : vector<8x128xi1>, vector<8x128xf32>
      %select_n3A_1063 = arith.select %or3A_1058, %roll3A_1053, %select_n3A_983 : vector<8x128xi1>, vector<8x128xf32>
      %roll3A_1064 = arith.constant 2 : i32
      %roll3A_1065 = tpu.dynamic_rotate %select_n3A_999 by %roll3A_1064 dim 1 : vector<8x128xf32>, i32 -> vector<8x128xf32>
      %roll3A_1066 = arith.constant 2 : i32
      %roll3A_1067 = tpu.dynamic_rotate %select_n3A_1000 by %roll3A_1066 dim 1 : vector<8x128xi32>, i32 -> vector<8x128xi32>
      %roll3A_1068 = arith.constant 2 : i32
      %roll3A_1069 = tpu.dynamic_rotate %select_n3A_1001 by %roll3A_1068 dim 1 : vector<8x128xf32>, i32 -> vector<8x128xf32>
      %roll3A_1070 = arith.constant 2 : i32
      %roll3A_1071 = tpu.dynamic_rotate %select_n3A_1002 by %roll3A_1070 dim 1 : vector<8x128xf32>, i32 -> vector<8x128xf32>
      %roll3A_1072 = arith.constant 2 : i32
      %roll3A_1073 = tpu.dynamic_rotate %select_n3A_1003 by %roll3A_1072 dim 1 : vector<8x128xf32>, i32 -> vector<8x128xf32>
      %gt3A_1074 = arith.cmpf ogt, %roll3A_1065, %select_n3A_999 : vector<8x128xf32>
      %eq3A_1075 = arith.cmpf oeq, %roll3A_1065, %select_n3A_999 : vector<8x128xf32>
      %lt3A_1076 = arith.cmpi slt, %roll3A_1067, %select_n3A_1000 : vector<8x128xi32>
      %and3A_1077 = arith.andi %eq3A_1075, %lt3A_1076 : vector<8x128xi1>
      %or3A_1078 = arith.ori %gt3A_1074, %and3A_1077 : vector<8x128xi1>
      %select_n3A_1079 = arith.select %or3A_1078, %roll3A_1065, %select_n3A_999 : vector<8x128xi1>, vector<8x128xf32>
      %select_n3A_1080 = arith.select %or3A_1078, %roll3A_1067, %select_n3A_1000 : vector<8x128xi1>, vector<8x128xi32>
      %select_n3A_1081 = arith.select %or3A_1078, %roll3A_1069, %select_n3A_1001 : vector<8x128xi1>, vector<8x128xf32>
      %select_n3A_1082 = arith.select %or3A_1078, %roll3A_1071, %select_n3A_1002 : vector<8x128xi1>, vector<8x128xf32>
      %select_n3A_1083 = arith.select %or3A_1078, %roll3A_1073, %select_n3A_1003 : vector<8x128xi1>, vector<8x128xf32>
      %roll3A_1084 = arith.constant 4 : i32
      %roll3A_1085 = tpu.dynamic_rotate %select_n3A_1019 by %roll3A_1084 dim 1 : vector<8x128xf32>, i32 -> vector<8x128xf32>
      %roll3A_1086 = arith.constant 4 : i32
      %roll3A_1087 = tpu.dynamic_rotate %select_n3A_1020 by %roll3A_1086 dim 1 : vector<8x128xi32>, i32 -> vector<8x128xi32>
      %roll3A_1088 = arith.constant 4 : i32
      %roll3A_1089 = tpu.dynamic_rotate %select_n3A_1021 by %roll3A_1088 dim 1 : vector<8x128xf32>, i32 -> vector<8x128xf32>
      %roll3A_1090 = arith.constant 4 : i32
      %roll3A_1091 = tpu.dynamic_rotate %select_n3A_1022 by %roll3A_1090 dim 1 : vector<8x128xf32>, i32 -> vector<8x128xf32>
      %roll3A_1092 = arith.constant 4 : i32
      %roll3A_1093 = tpu.dynamic_rotate %select_n3A_1023 by %roll3A_1092 dim 1 : vector<8x128xf32>, i32 -> vector<8x128xf32>
      %gt3A_1094 = arith.cmpf ogt, %roll3A_1085, %select_n3A_1019 : vector<8x128xf32>
      %eq3A_1095 = arith.cmpf oeq, %roll3A_1085, %select_n3A_1019 : vector<8x128xf32>
      %lt3A_1096 = arith.cmpi slt, %roll3A_1087, %select_n3A_1020 : vector<8x128xi32>
      %and3A_1097 = arith.andi %eq3A_1095, %lt3A_1096 : vector<8x128xi1>
      %or3A_1098 = arith.ori %gt3A_1094, %and3A_1097 : vector<8x128xi1>
      %select_n3A_1099 = arith.select %or3A_1098, %roll3A_1085, %select_n3A_1019 : vector<8x128xi1>, vector<8x128xf32>
      %select_n3A_1100 = arith.select %or3A_1098, %roll3A_1087, %select_n3A_1020 : vector<8x128xi1>, vector<8x128xi32>
      %select_n3A_1101 = arith.select %or3A_1098, %roll3A_1089, %select_n3A_1021 : vector<8x128xi1>, vector<8x128xf32>
      %select_n3A_1102 = arith.select %or3A_1098, %roll3A_1091, %select_n3A_1022 : vector<8x128xi1>, vector<8x128xf32>
      %select_n3A_1103 = arith.select %or3A_1098, %roll3A_1093, %select_n3A_1023 : vector<8x128xi1>, vector<8x128xf32>
      %roll3A_1104 = arith.constant 4 : i32
      %roll3A_1105 = tpu.dynamic_rotate %select_n3A_1039 by %roll3A_1104 dim 1 : vector<8x128xf32>, i32 -> vector<8x128xf32>
      %roll3A_1106 = arith.constant 4 : i32
      %roll3A_1107 = tpu.dynamic_rotate %select_n3A_1040 by %roll3A_1106 dim 1 : vector<8x128xi32>, i32 -> vector<8x128xi32>
      %roll3A_1108 = arith.constant 4 : i32
      %roll3A_1109 = tpu.dynamic_rotate %select_n3A_1041 by %roll3A_1108 dim 1 : vector<8x128xf32>, i32 -> vector<8x128xf32>
      %roll3A_1110 = arith.constant 4 : i32
      %roll3A_1111 = tpu.dynamic_rotate %select_n3A_1042 by %roll3A_1110 dim 1 : vector<8x128xf32>, i32 -> vector<8x128xf32>
      %roll3A_1112 = arith.constant 4 : i32
      %roll3A_1113 = tpu.dynamic_rotate %select_n3A_1043 by %roll3A_1112 dim 1 : vector<8x128xf32>, i32 -> vector<8x128xf32>
      %gt3A_1114 = arith.cmpf ogt, %roll3A_1105, %select_n3A_1039 : vector<8x128xf32>
      %eq3A_1115 = arith.cmpf oeq, %roll3A_1105, %select_n3A_1039 : vector<8x128xf32>
      %lt3A_1116 = arith.cmpi slt, %roll3A_1107, %select_n3A_1040 : vector<8x128xi32>
      %and3A_1117 = arith.andi %eq3A_1115, %lt3A_1116 : vector<8x128xi1>
      %or3A_1118 = arith.ori %gt3A_1114, %and3A_1117 : vector<8x128xi1>
      %select_n3A_1119 = arith.select %or3A_1118, %roll3A_1105, %select_n3A_1039 : vector<8x128xi1>, vector<8x128xf32>
      %select_n3A_1120 = arith.select %or3A_1118, %roll3A_1107, %select_n3A_1040 : vector<8x128xi1>, vector<8x128xi32>
      %select_n3A_1121 = arith.select %or3A_1118, %roll3A_1109, %select_n3A_1041 : vector<8x128xi1>, vector<8x128xf32>
      %select_n3A_1122 = arith.select %or3A_1118, %roll3A_1111, %select_n3A_1042 : vector<8x128xi1>, vector<8x128xf32>
      %select_n3A_1123 = arith.select %or3A_1118, %roll3A_1113, %select_n3A_1043 : vector<8x128xi1>, vector<8x128xf32>
      %roll3A_1124 = arith.constant 4 : i32
      %roll3A_1125 = tpu.dynamic_rotate %select_n3A_1059 by %roll3A_1124 dim 1 : vector<8x128xf32>, i32 -> vector<8x128xf32>
      %roll3A_1126 = arith.constant 4 : i32
      %roll3A_1127 = tpu.dynamic_rotate %select_n3A_1060 by %roll3A_1126 dim 1 : vector<8x128xi32>, i32 -> vector<8x128xi32>
      %roll3A_1128 = arith.constant 4 : i32
      %roll3A_1129 = tpu.dynamic_rotate %select_n3A_1061 by %roll3A_1128 dim 1 : vector<8x128xf32>, i32 -> vector<8x128xf32>
      %roll3A_1130 = arith.constant 4 : i32
      %roll3A_1131 = tpu.dynamic_rotate %select_n3A_1062 by %roll3A_1130 dim 1 : vector<8x128xf32>, i32 -> vector<8x128xf32>
      %roll3A_1132 = arith.constant 4 : i32
      %roll3A_1133 = tpu.dynamic_rotate %select_n3A_1063 by %roll3A_1132 dim 1 : vector<8x128xf32>, i32 -> vector<8x128xf32>
      %gt3A_1134 = arith.cmpf ogt, %roll3A_1125, %select_n3A_1059 : vector<8x128xf32>
      %eq3A_1135 = arith.cmpf oeq, %roll3A_1125, %select_n3A_1059 : vector<8x128xf32>
      %lt3A_1136 = arith.cmpi slt, %roll3A_1127, %select_n3A_1060 : vector<8x128xi32>
      %and3A_1137 = arith.andi %eq3A_1135, %lt3A_1136 : vector<8x128xi1>
      %or3A_1138 = arith.ori %gt3A_1134, %and3A_1137 : vector<8x128xi1>
      %select_n3A_1139 = arith.select %or3A_1138, %roll3A_1125, %select_n3A_1059 : vector<8x128xi1>, vector<8x128xf32>
      %select_n3A_1140 = arith.select %or3A_1138, %roll3A_1127, %select_n3A_1060 : vector<8x128xi1>, vector<8x128xi32>
      %select_n3A_1141 = arith.select %or3A_1138, %roll3A_1129, %select_n3A_1061 : vector<8x128xi1>, vector<8x128xf32>
      %select_n3A_1142 = arith.select %or3A_1138, %roll3A_1131, %select_n3A_1062 : vector<8x128xi1>, vector<8x128xf32>
      %select_n3A_1143 = arith.select %or3A_1138, %roll3A_1133, %select_n3A_1063 : vector<8x128xi1>, vector<8x128xf32>
      %roll3A_1144 = arith.constant 4 : i32
      %roll3A_1145 = tpu.dynamic_rotate %select_n3A_1079 by %roll3A_1144 dim 1 : vector<8x128xf32>, i32 -> vector<8x128xf32>
      %roll3A_1146 = arith.constant 4 : i32
      %roll3A_1147 = tpu.dynamic_rotate %select_n3A_1080 by %roll3A_1146 dim 1 : vector<8x128xi32>, i32 -> vector<8x128xi32>
      %roll3A_1148 = arith.constant 4 : i32
      %roll3A_1149 = tpu.dynamic_rotate %select_n3A_1081 by %roll3A_1148 dim 1 : vector<8x128xf32>, i32 -> vector<8x128xf32>
      %roll3A_1150 = arith.constant 4 : i32
      %roll3A_1151 = tpu.dynamic_rotate %select_n3A_1082 by %roll3A_1150 dim 1 : vector<8x128xf32>, i32 -> vector<8x128xf32>
      %roll3A_1152 = arith.constant 4 : i32
      %roll3A_1153 = tpu.dynamic_rotate %select_n3A_1083 by %roll3A_1152 dim 1 : vector<8x128xf32>, i32 -> vector<8x128xf32>
      %gt3A_1154 = arith.cmpf ogt, %roll3A_1145, %select_n3A_1079 : vector<8x128xf32>
      %eq3A_1155 = arith.cmpf oeq, %roll3A_1145, %select_n3A_1079 : vector<8x128xf32>
      %lt3A_1156 = arith.cmpi slt, %roll3A_1147, %select_n3A_1080 : vector<8x128xi32>
      %and3A_1157 = arith.andi %eq3A_1155, %lt3A_1156 : vector<8x128xi1>
      %or3A_1158 = arith.ori %gt3A_1154, %and3A_1157 : vector<8x128xi1>
      %select_n3A_1159 = arith.select %or3A_1158, %roll3A_1145, %select_n3A_1079 : vector<8x128xi1>, vector<8x128xf32>
      %select_n3A_1160 = arith.select %or3A_1158, %roll3A_1147, %select_n3A_1080 : vector<8x128xi1>, vector<8x128xi32>
      %select_n3A_1161 = arith.select %or3A_1158, %roll3A_1149, %select_n3A_1081 : vector<8x128xi1>, vector<8x128xf32>
      %select_n3A_1162 = arith.select %or3A_1158, %roll3A_1151, %select_n3A_1082 : vector<8x128xi1>, vector<8x128xf32>
      %select_n3A_1163 = arith.select %or3A_1158, %roll3A_1153, %select_n3A_1083 : vector<8x128xi1>, vector<8x128xf32>
      %roll3A_1164 = arith.constant 8 : i32
      %roll3A_1165 = tpu.dynamic_rotate %select_n3A_1099 by %roll3A_1164 dim 1 : vector<8x128xf32>, i32 -> vector<8x128xf32>
      %roll3A_1166 = arith.constant 8 : i32
      %roll3A_1167 = tpu.dynamic_rotate %select_n3A_1100 by %roll3A_1166 dim 1 : vector<8x128xi32>, i32 -> vector<8x128xi32>
      %roll3A_1168 = arith.constant 8 : i32
      %roll3A_1169 = tpu.dynamic_rotate %select_n3A_1101 by %roll3A_1168 dim 1 : vector<8x128xf32>, i32 -> vector<8x128xf32>
      %roll3A_1170 = arith.constant 8 : i32
      %roll3A_1171 = tpu.dynamic_rotate %select_n3A_1102 by %roll3A_1170 dim 1 : vector<8x128xf32>, i32 -> vector<8x128xf32>
      %roll3A_1172 = arith.constant 8 : i32
      %roll3A_1173 = tpu.dynamic_rotate %select_n3A_1103 by %roll3A_1172 dim 1 : vector<8x128xf32>, i32 -> vector<8x128xf32>
      %gt3A_1174 = arith.cmpf ogt, %roll3A_1165, %select_n3A_1099 : vector<8x128xf32>
      %eq3A_1175 = arith.cmpf oeq, %roll3A_1165, %select_n3A_1099 : vector<8x128xf32>
      %lt3A_1176 = arith.cmpi slt, %roll3A_1167, %select_n3A_1100 : vector<8x128xi32>
      %and3A_1177 = arith.andi %eq3A_1175, %lt3A_1176 : vector<8x128xi1>
      %or3A_1178 = arith.ori %gt3A_1174, %and3A_1177 : vector<8x128xi1>
      %select_n3A_1179 = arith.select %or3A_1178, %roll3A_1165, %select_n3A_1099 : vector<8x128xi1>, vector<8x128xf32>
      %select_n3A_1180 = arith.select %or3A_1178, %roll3A_1167, %select_n3A_1100 : vector<8x128xi1>, vector<8x128xi32>
      %select_n3A_1181 = arith.select %or3A_1178, %roll3A_1169, %select_n3A_1101 : vector<8x128xi1>, vector<8x128xf32>
      %select_n3A_1182 = arith.select %or3A_1178, %roll3A_1171, %select_n3A_1102 : vector<8x128xi1>, vector<8x128xf32>
      %select_n3A_1183 = arith.select %or3A_1178, %roll3A_1173, %select_n3A_1103 : vector<8x128xi1>, vector<8x128xf32>
      %roll3A_1184 = arith.constant 8 : i32
      %roll3A_1185 = tpu.dynamic_rotate %select_n3A_1119 by %roll3A_1184 dim 1 : vector<8x128xf32>, i32 -> vector<8x128xf32>
      %roll3A_1186 = arith.constant 8 : i32
      %roll3A_1187 = tpu.dynamic_rotate %select_n3A_1120 by %roll3A_1186 dim 1 : vector<8x128xi32>, i32 -> vector<8x128xi32>
      %roll3A_1188 = arith.constant 8 : i32
      %roll3A_1189 = tpu.dynamic_rotate %select_n3A_1121 by %roll3A_1188 dim 1 : vector<8x128xf32>, i32 -> vector<8x128xf32>
      %roll3A_1190 = arith.constant 8 : i32
      %roll3A_1191 = tpu.dynamic_rotate %select_n3A_1122 by %roll3A_1190 dim 1 : vector<8x128xf32>, i32 -> vector<8x128xf32>
      %roll3A_1192 = arith.constant 8 : i32
      %roll3A_1193 = tpu.dynamic_rotate %select_n3A_1123 by %roll3A_1192 dim 1 : vector<8x128xf32>, i32 -> vector<8x128xf32>
      %gt3A_1194 = arith.cmpf ogt, %roll3A_1185, %select_n3A_1119 : vector<8x128xf32>
      %eq3A_1195 = arith.cmpf oeq, %roll3A_1185, %select_n3A_1119 : vector<8x128xf32>
      %lt3A_1196 = arith.cmpi slt, %roll3A_1187, %select_n3A_1120 : vector<8x128xi32>
      %and3A_1197 = arith.andi %eq3A_1195, %lt3A_1196 : vector<8x128xi1>
      %or3A_1198 = arith.ori %gt3A_1194, %and3A_1197 : vector<8x128xi1>
      %select_n3A_1199 = arith.select %or3A_1198, %roll3A_1185, %select_n3A_1119 : vector<8x128xi1>, vector<8x128xf32>
      %select_n3A_1200 = arith.select %or3A_1198, %roll3A_1187, %select_n3A_1120 : vector<8x128xi1>, vector<8x128xi32>
      %select_n3A_1201 = arith.select %or3A_1198, %roll3A_1189, %select_n3A_1121 : vector<8x128xi1>, vector<8x128xf32>
      %select_n3A_1202 = arith.select %or3A_1198, %roll3A_1191, %select_n3A_1122 : vector<8x128xi1>, vector<8x128xf32>
      %select_n3A_1203 = arith.select %or3A_1198, %roll3A_1193, %select_n3A_1123 : vector<8x128xi1>, vector<8x128xf32>
      %roll3A_1204 = arith.constant 8 : i32
      %roll3A_1205 = tpu.dynamic_rotate %select_n3A_1139 by %roll3A_1204 dim 1 : vector<8x128xf32>, i32 -> vector<8x128xf32>
      %roll3A_1206 = arith.constant 8 : i32
      %roll3A_1207 = tpu.dynamic_rotate %select_n3A_1140 by %roll3A_1206 dim 1 : vector<8x128xi32>, i32 -> vector<8x128xi32>
      %roll3A_1208 = arith.constant 8 : i32
      %roll3A_1209 = tpu.dynamic_rotate %select_n3A_1141 by %roll3A_1208 dim 1 : vector<8x128xf32>, i32 -> vector<8x128xf32>
      %roll3A_1210 = arith.constant 8 : i32
      %roll3A_1211 = tpu.dynamic_rotate %select_n3A_1142 by %roll3A_1210 dim 1 : vector<8x128xf32>, i32 -> vector<8x128xf32>
      %roll3A_1212 = arith.constant 8 : i32
      %roll3A_1213 = tpu.dynamic_rotate %select_n3A_1143 by %roll3A_1212 dim 1 : vector<8x128xf32>, i32 -> vector<8x128xf32>
      %gt3A_1214 = arith.cmpf ogt, %roll3A_1205, %select_n3A_1139 : vector<8x128xf32>
      %eq3A_1215 = arith.cmpf oeq, %roll3A_1205, %select_n3A_1139 : vector<8x128xf32>
      %lt3A_1216 = arith.cmpi slt, %roll3A_1207, %select_n3A_1140 : vector<8x128xi32>
      %and3A_1217 = arith.andi %eq3A_1215, %lt3A_1216 : vector<8x128xi1>
      %or3A_1218 = arith.ori %gt3A_1214, %and3A_1217 : vector<8x128xi1>
      %select_n3A_1219 = arith.select %or3A_1218, %roll3A_1205, %select_n3A_1139 : vector<8x128xi1>, vector<8x128xf32>
      %select_n3A_1220 = arith.select %or3A_1218, %roll3A_1207, %select_n3A_1140 : vector<8x128xi1>, vector<8x128xi32>
      %select_n3A_1221 = arith.select %or3A_1218, %roll3A_1209, %select_n3A_1141 : vector<8x128xi1>, vector<8x128xf32>
      %select_n3A_1222 = arith.select %or3A_1218, %roll3A_1211, %select_n3A_1142 : vector<8x128xi1>, vector<8x128xf32>
      %select_n3A_1223 = arith.select %or3A_1218, %roll3A_1213, %select_n3A_1143 : vector<8x128xi1>, vector<8x128xf32>
      %roll3A_1224 = arith.constant 8 : i32
      %roll3A_1225 = tpu.dynamic_rotate %select_n3A_1159 by %roll3A_1224 dim 1 : vector<8x128xf32>, i32 -> vector<8x128xf32>
      %roll3A_1226 = arith.constant 8 : i32
      %roll3A_1227 = tpu.dynamic_rotate %select_n3A_1160 by %roll3A_1226 dim 1 : vector<8x128xi32>, i32 -> vector<8x128xi32>
      %roll3A_1228 = arith.constant 8 : i32
      %roll3A_1229 = tpu.dynamic_rotate %select_n3A_1161 by %roll3A_1228 dim 1 : vector<8x128xf32>, i32 -> vector<8x128xf32>
      %roll3A_1230 = arith.constant 8 : i32
      %roll3A_1231 = tpu.dynamic_rotate %select_n3A_1162 by %roll3A_1230 dim 1 : vector<8x128xf32>, i32 -> vector<8x128xf32>
      %roll3A_1232 = arith.constant 8 : i32
      %roll3A_1233 = tpu.dynamic_rotate %select_n3A_1163 by %roll3A_1232 dim 1 : vector<8x128xf32>, i32 -> vector<8x128xf32>
      %gt3A_1234 = arith.cmpf ogt, %roll3A_1225, %select_n3A_1159 : vector<8x128xf32>
      %eq3A_1235 = arith.cmpf oeq, %roll3A_1225, %select_n3A_1159 : vector<8x128xf32>
      %lt3A_1236 = arith.cmpi slt, %roll3A_1227, %select_n3A_1160 : vector<8x128xi32>
      %and3A_1237 = arith.andi %eq3A_1235, %lt3A_1236 : vector<8x128xi1>
      %or3A_1238 = arith.ori %gt3A_1234, %and3A_1237 : vector<8x128xi1>
      %select_n3A_1239 = arith.select %or3A_1238, %roll3A_1225, %select_n3A_1159 : vector<8x128xi1>, vector<8x128xf32>
      %select_n3A_1240 = arith.select %or3A_1238, %roll3A_1227, %select_n3A_1160 : vector<8x128xi1>, vector<8x128xi32>
      %select_n3A_1241 = arith.select %or3A_1238, %roll3A_1229, %select_n3A_1161 : vector<8x128xi1>, vector<8x128xf32>
      %select_n3A_1242 = arith.select %or3A_1238, %roll3A_1231, %select_n3A_1162 : vector<8x128xi1>, vector<8x128xf32>
      %select_n3A_1243 = arith.select %or3A_1238, %roll3A_1233, %select_n3A_1163 : vector<8x128xi1>, vector<8x128xf32>
      %roll3A_1244 = arith.constant 16 : i32
      %roll3A_1245 = tpu.dynamic_rotate %select_n3A_1179 by %roll3A_1244 dim 1 : vector<8x128xf32>, i32 -> vector<8x128xf32>
      %roll3A_1246 = arith.constant 16 : i32
      %roll3A_1247 = tpu.dynamic_rotate %select_n3A_1180 by %roll3A_1246 dim 1 : vector<8x128xi32>, i32 -> vector<8x128xi32>
      %roll3A_1248 = arith.constant 16 : i32
      %roll3A_1249 = tpu.dynamic_rotate %select_n3A_1181 by %roll3A_1248 dim 1 : vector<8x128xf32>, i32 -> vector<8x128xf32>
      %roll3A_1250 = arith.constant 16 : i32
      %roll3A_1251 = tpu.dynamic_rotate %select_n3A_1182 by %roll3A_1250 dim 1 : vector<8x128xf32>, i32 -> vector<8x128xf32>
      %roll3A_1252 = arith.constant 16 : i32
      %roll3A_1253 = tpu.dynamic_rotate %select_n3A_1183 by %roll3A_1252 dim 1 : vector<8x128xf32>, i32 -> vector<8x128xf32>
      %gt3A_1254 = arith.cmpf ogt, %roll3A_1245, %select_n3A_1179 : vector<8x128xf32>
      %eq3A_1255 = arith.cmpf oeq, %roll3A_1245, %select_n3A_1179 : vector<8x128xf32>
      %lt3A_1256 = arith.cmpi slt, %roll3A_1247, %select_n3A_1180 : vector<8x128xi32>
      %and3A_1257 = arith.andi %eq3A_1255, %lt3A_1256 : vector<8x128xi1>
      %or3A_1258 = arith.ori %gt3A_1254, %and3A_1257 : vector<8x128xi1>
      %select_n3A_1259 = arith.select %or3A_1258, %roll3A_1245, %select_n3A_1179 : vector<8x128xi1>, vector<8x128xf32>
      %select_n3A_1260 = arith.select %or3A_1258, %roll3A_1247, %select_n3A_1180 : vector<8x128xi1>, vector<8x128xi32>
      %select_n3A_1261 = arith.select %or3A_1258, %roll3A_1249, %select_n3A_1181 : vector<8x128xi1>, vector<8x128xf32>
      %select_n3A_1262 = arith.select %or3A_1258, %roll3A_1251, %select_n3A_1182 : vector<8x128xi1>, vector<8x128xf32>
      %select_n3A_1263 = arith.select %or3A_1258, %roll3A_1253, %select_n3A_1183 : vector<8x128xi1>, vector<8x128xf32>
      %roll3A_1264 = arith.constant 16 : i32
      %roll3A_1265 = tpu.dynamic_rotate %select_n3A_1199 by %roll3A_1264 dim 1 : vector<8x128xf32>, i32 -> vector<8x128xf32>
      %roll3A_1266 = arith.constant 16 : i32
      %roll3A_1267 = tpu.dynamic_rotate %select_n3A_1200 by %roll3A_1266 dim 1 : vector<8x128xi32>, i32 -> vector<8x128xi32>
      %roll3A_1268 = arith.constant 16 : i32
      %roll3A_1269 = tpu.dynamic_rotate %select_n3A_1201 by %roll3A_1268 dim 1 : vector<8x128xf32>, i32 -> vector<8x128xf32>
      %roll3A_1270 = arith.constant 16 : i32
      %roll3A_1271 = tpu.dynamic_rotate %select_n3A_1202 by %roll3A_1270 dim 1 : vector<8x128xf32>, i32 -> vector<8x128xf32>
      %roll3A_1272 = arith.constant 16 : i32
      %roll3A_1273 = tpu.dynamic_rotate %select_n3A_1203 by %roll3A_1272 dim 1 : vector<8x128xf32>, i32 -> vector<8x128xf32>
      %gt3A_1274 = arith.cmpf ogt, %roll3A_1265, %select_n3A_1199 : vector<8x128xf32>
      %eq3A_1275 = arith.cmpf oeq, %roll3A_1265, %select_n3A_1199 : vector<8x128xf32>
      %lt3A_1276 = arith.cmpi slt, %roll3A_1267, %select_n3A_1200 : vector<8x128xi32>
      %and3A_1277 = arith.andi %eq3A_1275, %lt3A_1276 : vector<8x128xi1>
      %or3A_1278 = arith.ori %gt3A_1274, %and3A_1277 : vector<8x128xi1>
      %select_n3A_1279 = arith.select %or3A_1278, %roll3A_1265, %select_n3A_1199 : vector<8x128xi1>, vector<8x128xf32>
      %select_n3A_1280 = arith.select %or3A_1278, %roll3A_1267, %select_n3A_1200 : vector<8x128xi1>, vector<8x128xi32>
      %select_n3A_1281 = arith.select %or3A_1278, %roll3A_1269, %select_n3A_1201 : vector<8x128xi1>, vector<8x128xf32>
      %select_n3A_1282 = arith.select %or3A_1278, %roll3A_1271, %select_n3A_1202 : vector<8x128xi1>, vector<8x128xf32>
      %select_n3A_1283 = arith.select %or3A_1278, %roll3A_1273, %select_n3A_1203 : vector<8x128xi1>, vector<8x128xf32>
      %roll3A_1284 = arith.constant 16 : i32
      %roll3A_1285 = tpu.dynamic_rotate %select_n3A_1219 by %roll3A_1284 dim 1 : vector<8x128xf32>, i32 -> vector<8x128xf32>
      %roll3A_1286 = arith.constant 16 : i32
      %roll3A_1287 = tpu.dynamic_rotate %select_n3A_1220 by %roll3A_1286 dim 1 : vector<8x128xi32>, i32 -> vector<8x128xi32>
      %roll3A_1288 = arith.constant 16 : i32
      %roll3A_1289 = tpu.dynamic_rotate %select_n3A_1221 by %roll3A_1288 dim 1 : vector<8x128xf32>, i32 -> vector<8x128xf32>
      %roll3A_1290 = arith.constant 16 : i32
      %roll3A_1291 = tpu.dynamic_rotate %select_n3A_1222 by %roll3A_1290 dim 1 : vector<8x128xf32>, i32 -> vector<8x128xf32>
      %roll3A_1292 = arith.constant 16 : i32
      %roll3A_1293 = tpu.dynamic_rotate %select_n3A_1223 by %roll3A_1292 dim 1 : vector<8x128xf32>, i32 -> vector<8x128xf32>
      %gt3A_1294 = arith.cmpf ogt, %roll3A_1285, %select_n3A_1219 : vector<8x128xf32>
      %eq3A_1295 = arith.cmpf oeq, %roll3A_1285, %select_n3A_1219 : vector<8x128xf32>
      %lt3A_1296 = arith.cmpi slt, %roll3A_1287, %select_n3A_1220 : vector<8x128xi32>
      %and3A_1297 = arith.andi %eq3A_1295, %lt3A_1296 : vector<8x128xi1>
      %or3A_1298 = arith.ori %gt3A_1294, %and3A_1297 : vector<8x128xi1>
      %select_n3A_1299 = arith.select %or3A_1298, %roll3A_1285, %select_n3A_1219 : vector<8x128xi1>, vector<8x128xf32>
      %select_n3A_1300 = arith.select %or3A_1298, %roll3A_1287, %select_n3A_1220 : vector<8x128xi1>, vector<8x128xi32>
      %select_n3A_1301 = arith.select %or3A_1298, %roll3A_1289, %select_n3A_1221 : vector<8x128xi1>, vector<8x128xf32>
      %select_n3A_1302 = arith.select %or3A_1298, %roll3A_1291, %select_n3A_1222 : vector<8x128xi1>, vector<8x128xf32>
      %select_n3A_1303 = arith.select %or3A_1298, %roll3A_1293, %select_n3A_1223 : vector<8x128xi1>, vector<8x128xf32>
      %roll3A_1304 = arith.constant 16 : i32
      %roll3A_1305 = tpu.dynamic_rotate %select_n3A_1239 by %roll3A_1304 dim 1 : vector<8x128xf32>, i32 -> vector<8x128xf32>
      %roll3A_1306 = arith.constant 16 : i32
      %roll3A_1307 = tpu.dynamic_rotate %select_n3A_1240 by %roll3A_1306 dim 1 : vector<8x128xi32>, i32 -> vector<8x128xi32>
      %roll3A_1308 = arith.constant 16 : i32
      %roll3A_1309 = tpu.dynamic_rotate %select_n3A_1241 by %roll3A_1308 dim 1 : vector<8x128xf32>, i32 -> vector<8x128xf32>
      %roll3A_1310 = arith.constant 16 : i32
      %roll3A_1311 = tpu.dynamic_rotate %select_n3A_1242 by %roll3A_1310 dim 1 : vector<8x128xf32>, i32 -> vector<8x128xf32>
      %roll3A_1312 = arith.constant 16 : i32
      %roll3A_1313 = tpu.dynamic_rotate %select_n3A_1243 by %roll3A_1312 dim 1 : vector<8x128xf32>, i32 -> vector<8x128xf32>
      %gt3A_1314 = arith.cmpf ogt, %roll3A_1305, %select_n3A_1239 : vector<8x128xf32>
      %eq3A_1315 = arith.cmpf oeq, %roll3A_1305, %select_n3A_1239 : vector<8x128xf32>
      %lt3A_1316 = arith.cmpi slt, %roll3A_1307, %select_n3A_1240 : vector<8x128xi32>
      %and3A_1317 = arith.andi %eq3A_1315, %lt3A_1316 : vector<8x128xi1>
      %or3A_1318 = arith.ori %gt3A_1314, %and3A_1317 : vector<8x128xi1>
      %select_n3A_1319 = arith.select %or3A_1318, %roll3A_1305, %select_n3A_1239 : vector<8x128xi1>, vector<8x128xf32>
      %select_n3A_1320 = arith.select %or3A_1318, %roll3A_1307, %select_n3A_1240 : vector<8x128xi1>, vector<8x128xi32>
      %select_n3A_1321 = arith.select %or3A_1318, %roll3A_1309, %select_n3A_1241 : vector<8x128xi1>, vector<8x128xf32>
      %select_n3A_1322 = arith.select %or3A_1318, %roll3A_1311, %select_n3A_1242 : vector<8x128xi1>, vector<8x128xf32>
      %select_n3A_1323 = arith.select %or3A_1318, %roll3A_1313, %select_n3A_1243 : vector<8x128xi1>, vector<8x128xf32>
      %roll3A_1324 = arith.constant 32 : i32
      %roll3A_1325 = tpu.dynamic_rotate %select_n3A_1259 by %roll3A_1324 dim 1 : vector<8x128xf32>, i32 -> vector<8x128xf32>
      %roll3A_1326 = arith.constant 32 : i32
      %roll3A_1327 = tpu.dynamic_rotate %select_n3A_1260 by %roll3A_1326 dim 1 : vector<8x128xi32>, i32 -> vector<8x128xi32>
      %roll3A_1328 = arith.constant 32 : i32
      %roll3A_1329 = tpu.dynamic_rotate %select_n3A_1261 by %roll3A_1328 dim 1 : vector<8x128xf32>, i32 -> vector<8x128xf32>
      %roll3A_1330 = arith.constant 32 : i32
      %roll3A_1331 = tpu.dynamic_rotate %select_n3A_1262 by %roll3A_1330 dim 1 : vector<8x128xf32>, i32 -> vector<8x128xf32>
      %roll3A_1332 = arith.constant 32 : i32
      %roll3A_1333 = tpu.dynamic_rotate %select_n3A_1263 by %roll3A_1332 dim 1 : vector<8x128xf32>, i32 -> vector<8x128xf32>
      %gt3A_1334 = arith.cmpf ogt, %roll3A_1325, %select_n3A_1259 : vector<8x128xf32>
      %eq3A_1335 = arith.cmpf oeq, %roll3A_1325, %select_n3A_1259 : vector<8x128xf32>
      %lt3A_1336 = arith.cmpi slt, %roll3A_1327, %select_n3A_1260 : vector<8x128xi32>
      %and3A_1337 = arith.andi %eq3A_1335, %lt3A_1336 : vector<8x128xi1>
      %or3A_1338 = arith.ori %gt3A_1334, %and3A_1337 : vector<8x128xi1>
      %select_n3A_1339 = arith.select %or3A_1338, %roll3A_1325, %select_n3A_1259 : vector<8x128xi1>, vector<8x128xf32>
      %select_n3A_1340 = arith.select %or3A_1338, %roll3A_1327, %select_n3A_1260 : vector<8x128xi1>, vector<8x128xi32>
      %select_n3A_1341 = arith.select %or3A_1338, %roll3A_1329, %select_n3A_1261 : vector<8x128xi1>, vector<8x128xf32>
      %select_n3A_1342 = arith.select %or3A_1338, %roll3A_1331, %select_n3A_1262 : vector<8x128xi1>, vector<8x128xf32>
      %select_n3A_1343 = arith.select %or3A_1338, %roll3A_1333, %select_n3A_1263 : vector<8x128xi1>, vector<8x128xf32>
      %roll3A_1344 = arith.constant 32 : i32
      %roll3A_1345 = tpu.dynamic_rotate %select_n3A_1279 by %roll3A_1344 dim 1 : vector<8x128xf32>, i32 -> vector<8x128xf32>
      %roll3A_1346 = arith.constant 32 : i32
      %roll3A_1347 = tpu.dynamic_rotate %select_n3A_1280 by %roll3A_1346 dim 1 : vector<8x128xi32>, i32 -> vector<8x128xi32>
      %roll3A_1348 = arith.constant 32 : i32
      %roll3A_1349 = tpu.dynamic_rotate %select_n3A_1281 by %roll3A_1348 dim 1 : vector<8x128xf32>, i32 -> vector<8x128xf32>
      %roll3A_1350 = arith.constant 32 : i32
      %roll3A_1351 = tpu.dynamic_rotate %select_n3A_1282 by %roll3A_1350 dim 1 : vector<8x128xf32>, i32 -> vector<8x128xf32>
      %roll3A_1352 = arith.constant 32 : i32
      %roll3A_1353 = tpu.dynamic_rotate %select_n3A_1283 by %roll3A_1352 dim 1 : vector<8x128xf32>, i32 -> vector<8x128xf32>
      %gt3A_1354 = arith.cmpf ogt, %roll3A_1345, %select_n3A_1279 : vector<8x128xf32>
      %eq3A_1355 = arith.cmpf oeq, %roll3A_1345, %select_n3A_1279 : vector<8x128xf32>
      %lt3A_1356 = arith.cmpi slt, %roll3A_1347, %select_n3A_1280 : vector<8x128xi32>
      %and3A_1357 = arith.andi %eq3A_1355, %lt3A_1356 : vector<8x128xi1>
      %or3A_1358 = arith.ori %gt3A_1354, %and3A_1357 : vector<8x128xi1>
      %select_n3A_1359 = arith.select %or3A_1358, %roll3A_1345, %select_n3A_1279 : vector<8x128xi1>, vector<8x128xf32>
      %select_n3A_1360 = arith.select %or3A_1358, %roll3A_1347, %select_n3A_1280 : vector<8x128xi1>, vector<8x128xi32>
      %select_n3A_1361 = arith.select %or3A_1358, %roll3A_1349, %select_n3A_1281 : vector<8x128xi1>, vector<8x128xf32>
      %select_n3A_1362 = arith.select %or3A_1358, %roll3A_1351, %select_n3A_1282 : vector<8x128xi1>, vector<8x128xf32>
      %select_n3A_1363 = arith.select %or3A_1358, %roll3A_1353, %select_n3A_1283 : vector<8x128xi1>, vector<8x128xf32>
      %roll3A_1364 = arith.constant 32 : i32
      %roll3A_1365 = tpu.dynamic_rotate %select_n3A_1299 by %roll3A_1364 dim 1 : vector<8x128xf32>, i32 -> vector<8x128xf32>
      %roll3A_1366 = arith.constant 32 : i32
      %roll3A_1367 = tpu.dynamic_rotate %select_n3A_1300 by %roll3A_1366 dim 1 : vector<8x128xi32>, i32 -> vector<8x128xi32>
      %roll3A_1368 = arith.constant 32 : i32
      %roll3A_1369 = tpu.dynamic_rotate %select_n3A_1301 by %roll3A_1368 dim 1 : vector<8x128xf32>, i32 -> vector<8x128xf32>
      %roll3A_1370 = arith.constant 32 : i32
      %roll3A_1371 = tpu.dynamic_rotate %select_n3A_1302 by %roll3A_1370 dim 1 : vector<8x128xf32>, i32 -> vector<8x128xf32>
      %roll3A_1372 = arith.constant 32 : i32
      %roll3A_1373 = tpu.dynamic_rotate %select_n3A_1303 by %roll3A_1372 dim 1 : vector<8x128xf32>, i32 -> vector<8x128xf32>
      %gt3A_1374 = arith.cmpf ogt, %roll3A_1365, %select_n3A_1299 : vector<8x128xf32>
      %eq3A_1375 = arith.cmpf oeq, %roll3A_1365, %select_n3A_1299 : vector<8x128xf32>
      %lt3A_1376 = arith.cmpi slt, %roll3A_1367, %select_n3A_1300 : vector<8x128xi32>
      %and3A_1377 = arith.andi %eq3A_1375, %lt3A_1376 : vector<8x128xi1>
      %or3A_1378 = arith.ori %gt3A_1374, %and3A_1377 : vector<8x128xi1>
      %select_n3A_1379 = arith.select %or3A_1378, %roll3A_1365, %select_n3A_1299 : vector<8x128xi1>, vector<8x128xf32>
      %select_n3A_1380 = arith.select %or3A_1378, %roll3A_1367, %select_n3A_1300 : vector<8x128xi1>, vector<8x128xi32>
      %select_n3A_1381 = arith.select %or3A_1378, %roll3A_1369, %select_n3A_1301 : vector<8x128xi1>, vector<8x128xf32>
      %select_n3A_1382 = arith.select %or3A_1378, %roll3A_1371, %select_n3A_1302 : vector<8x128xi1>, vector<8x128xf32>
      %select_n3A_1383 = arith.select %or3A_1378, %roll3A_1373, %select_n3A_1303 : vector<8x128xi1>, vector<8x128xf32>
      %roll3A_1384 = arith.constant 32 : i32
      %roll3A_1385 = tpu.dynamic_rotate %select_n3A_1319 by %roll3A_1384 dim 1 : vector<8x128xf32>, i32 -> vector<8x128xf32>
      %roll3A_1386 = arith.constant 32 : i32
      %roll3A_1387 = tpu.dynamic_rotate %select_n3A_1320 by %roll3A_1386 dim 1 : vector<8x128xi32>, i32 -> vector<8x128xi32>
      %roll3A_1388 = arith.constant 32 : i32
      %roll3A_1389 = tpu.dynamic_rotate %select_n3A_1321 by %roll3A_1388 dim 1 : vector<8x128xf32>, i32 -> vector<8x128xf32>
      %roll3A_1390 = arith.constant 32 : i32
      %roll3A_1391 = tpu.dynamic_rotate %select_n3A_1322 by %roll3A_1390 dim 1 : vector<8x128xf32>, i32 -> vector<8x128xf32>
      %roll3A_1392 = arith.constant 32 : i32
      %roll3A_1393 = tpu.dynamic_rotate %select_n3A_1323 by %roll3A_1392 dim 1 : vector<8x128xf32>, i32 -> vector<8x128xf32>
      %gt3A_1394 = arith.cmpf ogt, %roll3A_1385, %select_n3A_1319 : vector<8x128xf32>
      %eq3A_1395 = arith.cmpf oeq, %roll3A_1385, %select_n3A_1319 : vector<8x128xf32>
      %lt3A_1396 = arith.cmpi slt, %roll3A_1387, %select_n3A_1320 : vector<8x128xi32>
      %and3A_1397 = arith.andi %eq3A_1395, %lt3A_1396 : vector<8x128xi1>
      %or3A_1398 = arith.ori %gt3A_1394, %and3A_1397 : vector<8x128xi1>
      %select_n3A_1399 = arith.select %or3A_1398, %roll3A_1385, %select_n3A_1319 : vector<8x128xi1>, vector<8x128xf32>
      %select_n3A_1400 = arith.select %or3A_1398, %roll3A_1387, %select_n3A_1320 : vector<8x128xi1>, vector<8x128xi32>
      %select_n3A_1401 = arith.select %or3A_1398, %roll3A_1389, %select_n3A_1321 : vector<8x128xi1>, vector<8x128xf32>
      %select_n3A_1402 = arith.select %or3A_1398, %roll3A_1391, %select_n3A_1322 : vector<8x128xi1>, vector<8x128xf32>
      %select_n3A_1403 = arith.select %or3A_1398, %roll3A_1393, %select_n3A_1323 : vector<8x128xi1>, vector<8x128xf32>
      %roll3A_1404 = arith.constant 64 : i32
      %roll3A_1405 = tpu.dynamic_rotate %select_n3A_1339 by %roll3A_1404 dim 1 : vector<8x128xf32>, i32 -> vector<8x128xf32>
      %roll3A_1406 = arith.constant 64 : i32
      %roll3A_1407 = tpu.dynamic_rotate %select_n3A_1340 by %roll3A_1406 dim 1 : vector<8x128xi32>, i32 -> vector<8x128xi32>
      %roll3A_1408 = arith.constant 64 : i32
      %roll3A_1409 = tpu.dynamic_rotate %select_n3A_1341 by %roll3A_1408 dim 1 : vector<8x128xf32>, i32 -> vector<8x128xf32>
      %roll3A_1410 = arith.constant 64 : i32
      %roll3A_1411 = tpu.dynamic_rotate %select_n3A_1342 by %roll3A_1410 dim 1 : vector<8x128xf32>, i32 -> vector<8x128xf32>
      %roll3A_1412 = arith.constant 64 : i32
      %roll3A_1413 = tpu.dynamic_rotate %select_n3A_1343 by %roll3A_1412 dim 1 : vector<8x128xf32>, i32 -> vector<8x128xf32>
      %gt3A_1414 = arith.cmpf ogt, %roll3A_1405, %select_n3A_1339 : vector<8x128xf32>
      %eq3A_1415 = arith.cmpf oeq, %roll3A_1405, %select_n3A_1339 : vector<8x128xf32>
      %lt3A_1416 = arith.cmpi slt, %roll3A_1407, %select_n3A_1340 : vector<8x128xi32>
      %and3A_1417 = arith.andi %eq3A_1415, %lt3A_1416 : vector<8x128xi1>
      %or3A_1418 = arith.ori %gt3A_1414, %and3A_1417 : vector<8x128xi1>
      %select_n3A_1419 = arith.select %or3A_1418, %roll3A_1407, %select_n3A_1340 : vector<8x128xi1>, vector<8x128xi32>
      %select_n3A_1420 = arith.select %or3A_1418, %roll3A_1409, %select_n3A_1341 : vector<8x128xi1>, vector<8x128xf32>
      %select_n3A_1421 = arith.select %or3A_1418, %roll3A_1411, %select_n3A_1342 : vector<8x128xi1>, vector<8x128xf32>
      %select_n3A_1422 = arith.select %or3A_1418, %roll3A_1413, %select_n3A_1343 : vector<8x128xi1>, vector<8x128xf32>
      %roll3A_1423 = arith.constant 64 : i32
      %roll3A_1424 = tpu.dynamic_rotate %select_n3A_1359 by %roll3A_1423 dim 1 : vector<8x128xf32>, i32 -> vector<8x128xf32>
      %roll3A_1425 = arith.constant 64 : i32
      %roll3A_1426 = tpu.dynamic_rotate %select_n3A_1360 by %roll3A_1425 dim 1 : vector<8x128xi32>, i32 -> vector<8x128xi32>
      %roll3A_1427 = arith.constant 64 : i32
      %roll3A_1428 = tpu.dynamic_rotate %select_n3A_1361 by %roll3A_1427 dim 1 : vector<8x128xf32>, i32 -> vector<8x128xf32>
      %roll3A_1429 = arith.constant 64 : i32
      %roll3A_1430 = tpu.dynamic_rotate %select_n3A_1362 by %roll3A_1429 dim 1 : vector<8x128xf32>, i32 -> vector<8x128xf32>
      %roll3A_1431 = arith.constant 64 : i32
      %roll3A_1432 = tpu.dynamic_rotate %select_n3A_1363 by %roll3A_1431 dim 1 : vector<8x128xf32>, i32 -> vector<8x128xf32>
      %gt3A_1433 = arith.cmpf ogt, %roll3A_1424, %select_n3A_1359 : vector<8x128xf32>
      %eq3A_1434 = arith.cmpf oeq, %roll3A_1424, %select_n3A_1359 : vector<8x128xf32>
      %lt3A_1435 = arith.cmpi slt, %roll3A_1426, %select_n3A_1360 : vector<8x128xi32>
      %and3A_1436 = arith.andi %eq3A_1434, %lt3A_1435 : vector<8x128xi1>
      %or3A_1437 = arith.ori %gt3A_1433, %and3A_1436 : vector<8x128xi1>
      %select_n3A_1438 = arith.select %or3A_1437, %roll3A_1426, %select_n3A_1360 : vector<8x128xi1>, vector<8x128xi32>
      %select_n3A_1439 = arith.select %or3A_1437, %roll3A_1428, %select_n3A_1361 : vector<8x128xi1>, vector<8x128xf32>
      %select_n3A_1440 = arith.select %or3A_1437, %roll3A_1430, %select_n3A_1362 : vector<8x128xi1>, vector<8x128xf32>
      %select_n3A_1441 = arith.select %or3A_1437, %roll3A_1432, %select_n3A_1363 : vector<8x128xi1>, vector<8x128xf32>
      %roll3A_1442 = arith.constant 64 : i32
      %roll3A_1443 = tpu.dynamic_rotate %select_n3A_1379 by %roll3A_1442 dim 1 : vector<8x128xf32>, i32 -> vector<8x128xf32>
      %roll3A_1444 = arith.constant 64 : i32
      %roll3A_1445 = tpu.dynamic_rotate %select_n3A_1380 by %roll3A_1444 dim 1 : vector<8x128xi32>, i32 -> vector<8x128xi32>
      %roll3A_1446 = arith.constant 64 : i32
      %roll3A_1447 = tpu.dynamic_rotate %select_n3A_1381 by %roll3A_1446 dim 1 : vector<8x128xf32>, i32 -> vector<8x128xf32>
      %roll3A_1448 = arith.constant 64 : i32
      %roll3A_1449 = tpu.dynamic_rotate %select_n3A_1382 by %roll3A_1448 dim 1 : vector<8x128xf32>, i32 -> vector<8x128xf32>
      %roll3A_1450 = arith.constant 64 : i32
      %roll3A_1451 = tpu.dynamic_rotate %select_n3A_1383 by %roll3A_1450 dim 1 : vector<8x128xf32>, i32 -> vector<8x128xf32>
      %gt3A_1452 = arith.cmpf ogt, %roll3A_1443, %select_n3A_1379 : vector<8x128xf32>
      %eq3A_1453 = arith.cmpf oeq, %roll3A_1443, %select_n3A_1379 : vector<8x128xf32>
      %lt3A_1454 = arith.cmpi slt, %roll3A_1445, %select_n3A_1380 : vector<8x128xi32>
      %and3A_1455 = arith.andi %eq3A_1453, %lt3A_1454 : vector<8x128xi1>
      %or3A_1456 = arith.ori %gt3A_1452, %and3A_1455 : vector<8x128xi1>
      %select_n3A_1457 = arith.select %or3A_1456, %roll3A_1445, %select_n3A_1380 : vector<8x128xi1>, vector<8x128xi32>
      %select_n3A_1458 = arith.select %or3A_1456, %roll3A_1447, %select_n3A_1381 : vector<8x128xi1>, vector<8x128xf32>
      %select_n3A_1459 = arith.select %or3A_1456, %roll3A_1449, %select_n3A_1382 : vector<8x128xi1>, vector<8x128xf32>
      %select_n3A_1460 = arith.select %or3A_1456, %roll3A_1451, %select_n3A_1383 : vector<8x128xi1>, vector<8x128xf32>
      %roll3A_1461 = arith.constant 64 : i32
      %roll3A_1462 = tpu.dynamic_rotate %select_n3A_1399 by %roll3A_1461 dim 1 : vector<8x128xf32>, i32 -> vector<8x128xf32>
      %roll3A_1463 = arith.constant 64 : i32
      %roll3A_1464 = tpu.dynamic_rotate %select_n3A_1400 by %roll3A_1463 dim 1 : vector<8x128xi32>, i32 -> vector<8x128xi32>
      %roll3A_1465 = arith.constant 64 : i32
      %roll3A_1466 = tpu.dynamic_rotate %select_n3A_1401 by %roll3A_1465 dim 1 : vector<8x128xf32>, i32 -> vector<8x128xf32>
      %roll3A_1467 = arith.constant 64 : i32
      %roll3A_1468 = tpu.dynamic_rotate %select_n3A_1402 by %roll3A_1467 dim 1 : vector<8x128xf32>, i32 -> vector<8x128xf32>
      %roll3A_1469 = arith.constant 64 : i32
      %roll3A_1470 = tpu.dynamic_rotate %select_n3A_1403 by %roll3A_1469 dim 1 : vector<8x128xf32>, i32 -> vector<8x128xf32>
      %gt3A_1471 = arith.cmpf ogt, %roll3A_1462, %select_n3A_1399 : vector<8x128xf32>
      %eq3A_1472 = arith.cmpf oeq, %roll3A_1462, %select_n3A_1399 : vector<8x128xf32>
      %lt3A_1473 = arith.cmpi slt, %roll3A_1464, %select_n3A_1400 : vector<8x128xi32>
      %and3A_1474 = arith.andi %eq3A_1472, %lt3A_1473 : vector<8x128xi1>
      %or3A_1475 = arith.ori %gt3A_1471, %and3A_1474 : vector<8x128xi1>
      %select_n3A_1476 = arith.select %or3A_1475, %roll3A_1464, %select_n3A_1400 : vector<8x128xi1>, vector<8x128xi32>
      %select_n3A_1477 = arith.select %or3A_1475, %roll3A_1466, %select_n3A_1401 : vector<8x128xi1>, vector<8x128xf32>
      %select_n3A_1478 = arith.select %or3A_1475, %roll3A_1468, %select_n3A_1402 : vector<8x128xi1>, vector<8x128xf32>
      %select_n3A_1479 = arith.select %or3A_1475, %roll3A_1470, %select_n3A_1403 : vector<8x128xi1>, vector<8x128xf32>
      %slice3A_1480 = vector.extract_strided_slice %select_n3A_1419 {offsets = [0, 0], sizes = [1, 1], strides = [1, 1]} : vector<8x128xi32> to vector<1x1xi32>
      %slice3A_1481 = vector.extract_strided_slice %select_n3A_1420 {offsets = [0, 0], sizes = [1, 1], strides = [1, 1]} : vector<8x128xf32> to vector<1x1xf32>
      %slice3A_1482 = vector.extract_strided_slice %select_n3A_1421 {offsets = [0, 0], sizes = [1, 1], strides = [1, 1]} : vector<8x128xf32> to vector<1x1xf32>
      %slice3A_1483 = vector.extract_strided_slice %select_n3A_1422 {offsets = [0, 0], sizes = [1, 1], strides = [1, 1]} : vector<8x128xf32> to vector<1x1xf32>
      %slice3A_1484 = vector.extract_strided_slice %select_n3A_1438 {offsets = [0, 0], sizes = [1, 1], strides = [1, 1]} : vector<8x128xi32> to vector<1x1xi32>
      %slice3A_1485 = vector.extract_strided_slice %select_n3A_1439 {offsets = [0, 0], sizes = [1, 1], strides = [1, 1]} : vector<8x128xf32> to vector<1x1xf32>
      %slice3A_1486 = vector.extract_strided_slice %select_n3A_1440 {offsets = [0, 0], sizes = [1, 1], strides = [1, 1]} : vector<8x128xf32> to vector<1x1xf32>
      %slice3A_1487 = vector.extract_strided_slice %select_n3A_1441 {offsets = [0, 0], sizes = [1, 1], strides = [1, 1]} : vector<8x128xf32> to vector<1x1xf32>
      %slice3A_1488 = vector.extract_strided_slice %select_n3A_1457 {offsets = [0, 0], sizes = [1, 1], strides = [1, 1]} : vector<8x128xi32> to vector<1x1xi32>
      %slice3A_1489 = vector.extract_strided_slice %select_n3A_1458 {offsets = [0, 0], sizes = [1, 1], strides = [1, 1]} : vector<8x128xf32> to vector<1x1xf32>
      %slice3A_1490 = vector.extract_strided_slice %select_n3A_1459 {offsets = [0, 0], sizes = [1, 1], strides = [1, 1]} : vector<8x128xf32> to vector<1x1xf32>
      %slice3A_1491 = vector.extract_strided_slice %select_n3A_1460 {offsets = [0, 0], sizes = [1, 1], strides = [1, 1]} : vector<8x128xf32> to vector<1x1xf32>
      %slice3A_1492 = vector.extract_strided_slice %select_n3A_1476 {offsets = [0, 0], sizes = [1, 1], strides = [1, 1]} : vector<8x128xi32> to vector<1x1xi32>
      %slice3A_1493 = vector.extract_strided_slice %select_n3A_1477 {offsets = [0, 0], sizes = [1, 1], strides = [1, 1]} : vector<8x128xf32> to vector<1x1xf32>
      %slice3A_1494 = vector.extract_strided_slice %select_n3A_1478 {offsets = [0, 0], sizes = [1, 1], strides = [1, 1]} : vector<8x128xf32> to vector<1x1xf32>
      %slice3A_1495 = vector.extract_strided_slice %select_n3A_1479 {offsets = [0, 0], sizes = [1, 1], strides = [1, 1]} : vector<8x128xf32> to vector<1x1xf32>
      scf.yield %min3A, %slice3A_1480, %slice3A_1481, %slice3A_1482, %slice3A_1483, %min3A_282, %slice3A_1484, %slice3A_1485, %slice3A_1486, %slice3A_1487, %min3A_365, %slice3A_1488, %slice3A_1489, %slice3A_1490, %slice3A_1491, %min3A_448, %slice3A_1492, %slice3A_1493, %slice3A_1494, %slice3A_1495 : vector<64x128xf32>, vector<1x1xi32>, vector<1x1xf32>, vector<1x1xf32>, vector<1x1xf32>, vector<64x128xf32>, vector<1x1xi32>, vector<1x1xf32>, vector<1x1xf32>, vector<1x1xf32>, vector<64x128xf32>, vector<1x1xi32>, vector<1x1xf32>, vector<1x1xf32>, vector<1x1xf32>, vector<64x128xf32>, vector<1x1xi32>, vector<1x1xf32>, vector<1x1xf32>, vector<1x1xf32>
    }
    %scan3A_98 = arith.constant 1024 : i32
    return
  }
}

module attributes {stable_mosaic.version = 14 : i64} {
  func.func @_knn_body(%arg0: i32, %arg1: i32, %arg2: memref<1x3x8192xf32, #tpu.memory_space<vmem>>, %arg3: memref<1x128x3xf32, #tpu.memory_space<vmem>>, %arg4: memref<1x128x32xi32, #tpu.memory_space<vmem>>, %arg5: memref<1x128x32xi32, #tpu.memory_space<vmem>>, %arg6: memref<128x8192xf32, #tpu.memory_space<vmem>>) attributes {dimension_semantics = [#tpu.dimension_semantics<arbitrary>, #tpu.dimension_semantics<arbitrary>], iteration_bounds = array<i64: 4, 8>, scalar_prefetch = 0 : i64, scratch_operands = 1 : i64, tpu.core_type = #tpu.core_type<tc>, window_params = [{transform_indices = @transform_0, window_bounds = array<i64: 1, 3, 8192>}, {transform_indices = @transform_1, window_bounds = array<i64: 1, 128, 3>}, {transform_indices = @transform_2, window_bounds = array<i64: 1, 128, 32>}, {transform_indices = @transform_3, window_bounds = array<i64: 1, 128, 32>}]} {
    %get3A = arith.constant 0 : index
    %get3A_0 = arith.constant 0 : index
    %get3A_1 = arith.constant 0 : index
    %get3A_2 = vector.load %arg2[%get3A, %get3A_0, %get3A_1] : memref<1x3x8192xf32, #tpu.memory_space<vmem>>, vector<1x3x8192xf32>
    %get3A_3 = vector.shape_cast %get3A_2 : vector<1x3x8192xf32> to vector<3x8192xf32>
    %get3A_4 = arith.constant 0 : index
    %get3A_5 = arith.constant 0 : index
    %get3A_6 = arith.constant 0 : index
    %get3A_7 = vector.load %arg3[%get3A_4, %get3A_5, %get3A_6] : memref<1x128x3xf32, #tpu.memory_space<vmem>>, vector<1x128x3xf32>
    %get3A_8 = vector.shape_cast %get3A_7 : vector<1x128x3xf32> to vector<128x3xf32>
    %slice3A = vector.extract_strided_slice %get3A_3 {offsets = [0, 0], sizes = [1, 8192], strides = [1, 1]} : vector<3x8192xf32> to vector<1x8192xf32>
    %slice3A_9 = vector.extract_strided_slice %get3A_3 {offsets = [1, 0], sizes = [1, 8192], strides = [1, 1]} : vector<3x8192xf32> to vector<1x8192xf32>
    %slice3A_10 = vector.extract_strided_slice %get3A_3 {offsets = [2, 0], sizes = [1, 8192], strides = [1, 1]} : vector<3x8192xf32> to vector<1x8192xf32>
    %mul3A = arith.mulf %slice3A, %slice3A : vector<1x8192xf32>
    %mul3A_11 = arith.mulf %slice3A_9, %slice3A_9 : vector<1x8192xf32>
    %mul3A_12 = arith.mulf %slice3A_10, %slice3A_10 : vector<1x8192xf32>
    %add3A = arith.addf %mul3A_11, %mul3A_12 : vector<1x8192xf32>
    %add3A_13 = arith.addf %mul3A, %add3A : vector<1x8192xf32>
    %slice3A_14 = vector.extract_strided_slice %get3A_8 {offsets = [0, 0], sizes = [128, 1], strides = [1, 1]} : vector<128x3xf32> to vector<128x1xf32>
    %slice3A_15 = vector.extract_strided_slice %get3A_8 {offsets = [0, 1], sizes = [128, 1], strides = [1, 1]} : vector<128x3xf32> to vector<128x1xf32>
    %slice3A_16 = vector.extract_strided_slice %get3A_8 {offsets = [0, 2], sizes = [128, 1], strides = [1, 1]} : vector<128x3xf32> to vector<128x1xf32>
    %mul3A_17 = arith.mulf %slice3A_14, %slice3A_14 : vector<128x1xf32>
    %mul3A_18 = arith.mulf %slice3A_15, %slice3A_15 : vector<128x1xf32>
    %add3A_19 = arith.addf %mul3A_17, %mul3A_18 : vector<128x1xf32>
    %mul3A_20 = arith.mulf %slice3A_16, %slice3A_16 : vector<128x1xf32>
    %add3A_21 = arith.addf %add3A_19, %mul3A_20 : vector<128x1xf32>
    %convert_element_type3A = arith.truncf %get3A_8 : vector<128x3xf32> to vector<128x3xbf16>
    %convert_element_type3A_22 = arith.truncf %get3A_3 : vector<3x8192xf32> to vector<3x8192xbf16>
    %dot_general3A = arith.constant dense<0.000000e+00> : vector<128x8192xf32>
    %dot_general3A_23 = tpu.matmul %convert_element_type3A, %convert_element_type3A_22, %dot_general3A {dimension_numbers = #tpu.dot_dimension_numbers<[1], [0], [0], [1], [0, 0, 1, 1], [], []>, transpose_lhs_hint = false} : vector<128x3xbf16>, vector<3x8192xbf16>, vector<128x8192xf32> -> vector<128x8192xf32>
    %add3A_24 = vector.broadcast %add3A_21 : vector<128x1xf32> to vector<128x8192xf32>
    %add3A_25 = vector.broadcast %add3A_13 : vector<1x8192xf32> to vector<128x8192xf32>
    %add3A_26 = arith.addf %add3A_24, %add3A_25 : vector<128x8192xf32>
    %mul3A_27 = arith.constant 2.000000e+00 : f32
    %mul3A_28 = vector.broadcast %mul3A_27 : f32 to vector<128x8192xf32>
    %mul3A_29 = arith.mulf %mul3A_28, %dot_general3A_23 : vector<128x8192xf32>
    %sub3A = arith.subf %add3A_26, %mul3A_29 : vector<128x8192xf32>
    %swap3A = arith.constant 0 : index
    %swap3A_30 = arith.constant 0 : index
    %swap3A_31 = vector.load %arg6[%swap3A, %swap3A_30] : memref<128x8192xf32, #tpu.memory_space<vmem>>, vector<128x8192xf32>
    tpu.vector_store %arg6[%swap3A, %swap3A_30], %sub3A {strides = array<i32>} : memref<128x8192xf32, #tpu.memory_space<vmem>>, vector<128x8192xf32>,
    %iota3A = tpu.iota {dimensions = array<i32: 1>} : vector<128x8192xi32>
    %iota3A_32 = tpu.iota {dimensions = array<i32: 1>} : vector<128x32xi32>
    %broadcast_in_dim3A = arith.constant 8193 : i32
    %broadcast_in_dim3A_33 = vector.broadcast %broadcast_in_dim3A : i32 to vector<128x1xi32>
    %broadcast_in_dim3A_34 = arith.constant 0 : i32
    %broadcast_in_dim3A_35 = vector.broadcast %broadcast_in_dim3A_34 : i32 to vector<128x32xi32>
    %scan3A = arith.constant 0 : i32
    %scan3A_36 = arith.constant 32 : i32
    %scan3A_37 = arith.addi %scan3A, %scan3A_36 : i32
    %scan3A_38 = arith.constant 1 : i32
    %scan3A_39:2 = scf.for %scan3A_57 = %scan3A to %scan3A_37 step %scan3A_38 iter_args(%scan3A_58 = %broadcast_in_dim3A_33, %scan3A_59 = %broadcast_in_dim3A_35) -> (vector<128x1xi32>, vector<128x32xi32>)  : i32 {
      %get3A_60 = arith.constant 0 : index
      %get3A_61 = arith.constant 0 : index
      %get3A_62 = vector.load %arg6[%get3A_60, %get3A_61] : memref<128x8192xf32, #tpu.memory_space<vmem>>, vector<128x8192xf32>
      %eq3A = vector.broadcast %scan3A_58 : vector<128x1xi32> to vector<128x8192xi32>
      %eq3A_63 = arith.cmpi eq, %iota3A, %eq3A : vector<128x8192xi32>
      %jit3A = arith.constant 0x7F800000 : f32
      %broadcast_in_dim3A_64 = vector.broadcast %jit3A : f32 to vector<128x8192xf32>
      %select_n3A = arith.select %eq3A_63, %broadcast_in_dim3A_64, %get3A_62 : vector<128x8192xi1>, vector<128x8192xf32>
      %swap3A_65 = arith.constant 0 : index
      %swap3A_66 = arith.constant 0 : index
      %swap3A_67 = vector.load %arg6[%swap3A_65, %swap3A_66] : memref<128x8192xf32, #tpu.memory_space<vmem>>, vector<128x8192xf32>
      tpu.vector_store %arg6[%swap3A_65, %swap3A_66], %select_n3A {strides = array<i32>} : memref<128x8192xf32, #tpu.memory_space<vmem>>, vector<128x8192xf32>,
      %reduce_min3A = arith.constant dense<0x7F800000> : vector<128xf32>
      %reduce_min3A_68 = vector.multi_reduction <minimumf>, %select_n3A, %reduce_min3A [1] : vector<128x8192xf32> to vector<128xf32>
      %broadcast_in_dim3A_69 = vector.shape_cast %reduce_min3A_68 : vector<128xf32> to vector<128x1xf32>
      %eq3A_70 = vector.broadcast %broadcast_in_dim3A_69 : vector<128x1xf32> to vector<128x8192xf32>
      %eq3A_71 = arith.cmpf oeq, %select_n3A, %eq3A_70 : vector<128x8192xf32>
      %jit3A_72 = arith.constant 8192 : i32
      %broadcast_in_dim3A_73 = vector.broadcast %jit3A_72 : i32 to vector<128x8192xi32>
      %select_n3A_74 = arith.select %eq3A_71, %iota3A, %broadcast_in_dim3A_73 : vector<128x8192xi1>, vector<128x8192xi32>
      %reduce_min3A_75 = arith.constant dense<2147483647> : vector<128xi32>
      %reduce_min3A_76 = vector.multi_reduction <minsi>, %select_n3A_74, %reduce_min3A_75 [1] : vector<128x8192xi32> to vector<128xi32>
      %broadcast_in_dim3A_77 = vector.shape_cast %reduce_min3A_76 : vector<128xi32> to vector<128x1xi32>
      %eq3A_78 = vector.broadcast %scan3A_57 : i32 to vector<128x32xi32>
      %eq3A_79 = arith.cmpi eq, %iota3A_32, %eq3A_78 : vector<128x32xi32>
      %broadcast_in_dim3A_80 = vector.shape_cast %broadcast_in_dim3A_77 : vector<128x1xi32> to vector<128x1xi32>
      %broadcast_in_dim3A_81 = vector.broadcast %broadcast_in_dim3A_80 : vector<128x1xi32> to vector<128x32xi32>
      %select_n3A_82 = arith.select %eq3A_79, %broadcast_in_dim3A_81, %scan3A_59 : vector<128x32xi1>, vector<128x32xi32>
      scf.yield %broadcast_in_dim3A_77, %select_n3A_82 : vector<128x1xi32>, vector<128x32xi32>
    }
    %scan3A_40 = arith.constant 32 : i32
    %swap3A_41 = arith.constant 0 : index
    %swap3A_42 = arith.constant 0 : index
    %swap3A_43 = arith.constant 0 : index
    %swap3A_44 = vector.load %arg4[%swap3A_41, %swap3A_42, %swap3A_43] : memref<1x128x32xi32, #tpu.memory_space<vmem>>, vector<1x128x32xi32>
    %swap3A_45 = vector.shape_cast %swap3A_44 : vector<1x128x32xi32> to vector<128x32xi32>
    %swap3A_46 = vector.shape_cast %scan3A_39#1 : vector<128x32xi32> to vector<1x128x32xi32>
    tpu.vector_store %arg4[%swap3A_41, %swap3A_42, %swap3A_43], %swap3A_46 {strides = array<i32>} : memref<1x128x32xi32, #tpu.memory_space<vmem>>, vector<1x128x32xi32>,
    %mul3A_47 = arith.constant 8192 : i32
    %mul3A_48 = arith.muli %arg0, %mul3A_47 : i32
    %add3A_49 = vector.broadcast %mul3A_48 : i32 to vector<128x32xi32>
    %add3A_50 = arith.addi %scan3A_39#1, %add3A_49 : vector<128x32xi32>
    %swap3A_51 = arith.constant 0 : index
    %swap3A_52 = arith.constant 0 : index
    %swap3A_53 = arith.constant 0 : index
    %swap3A_54 = vector.load %arg5[%swap3A_51, %swap3A_52, %swap3A_53] : memref<1x128x32xi32, #tpu.memory_space<vmem>>, vector<1x128x32xi32>
    %swap3A_55 = vector.shape_cast %swap3A_54 : vector<1x128x32xi32> to vector<128x32xi32>
    %swap3A_56 = vector.shape_cast %add3A_50 : vector<128x32xi32> to vector<1x128x32xi32>
    tpu.vector_store %arg5[%swap3A_51, %swap3A_52, %swap3A_53], %swap3A_56 {strides = array<i32>} : memref<1x128x32xi32, #tpu.memory_space<vmem>>, vector<1x128x32xi32>,
    return
  }
  func.func @transform_0(%arg0: i32, %arg1: i32) -> (i32, i32, i32) {
    %c0_i32 = arith.constant 0 : i32
    %c0_i32_0 = arith.constant 0 : i32
    %c0_i32_1 = arith.constant 0 : i32
    return %arg0, %c0_i32, %c0_i32_0 : i32, i32, i32
  }
  func.func @transform_1(%arg0: i32, %arg1: i32) -> (i32, i32, i32) {
    %c0_i32 = arith.constant 0 : i32
    %c0_i32_0 = arith.constant 0 : i32
    return %arg0, %arg1, %c0_i32 : i32, i32, i32
  }
  func.func @transform_2(%arg0: i32, %arg1: i32) -> (i32, i32, i32) {
    %c0_i32 = arith.constant 0 : i32
    %c0_i32_0 = arith.constant 0 : i32
    return %arg0, %arg1, %c0_i32 : i32, i32, i32
  }
  func.func @transform_3(%arg0: i32, %arg1: i32) -> (i32, i32, i32) {
    %c0_i32 = arith.constant 0 : i32
    %c0_i32_0 = arith.constant 0 : i32
    return %arg0, %arg1, %c0_i32 : i32, i32, i32
  }
}

</mosaic_0001>

<sc_bundles>
// kernel: kernel.5.cloned.1.call-start
scs
__scs_entry_jumppad:
0x0: {  	(pc) =	sbr.rel $0x88, $3  }
0x1: {  	(tag) =	ssettag $0x0;
	lr =	simm.s32 $0x1  }
0x2: {  	[smem:$0x3FA0] =	sst lr;
	_ =	strace $0xD0000000  }
0x3: {  	_ = 	snop  }
0x4: {  	_ = 	snop  }
0x5: {  	_ = 	snop  }
0x6: {  	_ = 	snop  }
0x7: {  	_ = 	snop  }
__scs_overlays_trampoline_lowered:
0x8: {  	[smem:$0x3FAF] =	sst s0  }
0x9: {  	[smem:$0x3FB0] =	sst s1  }
0xa: {  	[smem:$0x3FB1] =	sst s2  }
0xb: {  	[smem:$0x3FB2] =	sst s3  }
0xc: {  	[smem:$0x3FB3] =	sst s4  }
0xd: {  	[smem:$0x3FB4] =	sst s5  }
0xe: {  	[smem:$0x3FB5] =	sst s6  }
0xf: {  	[smem:$0x3FB6] =	sst s7  }
0x10: {  	[smem:$0x3FB7] =	sst s8  }
0x11: {  	[smem:$0x3FB8] =	sst s9;
	s0 =	simm.s32 @!p0 $0x0  }
0x12: {  	s1 =	sld [smem:$0x3F9E];
	s0 =	simm.s32 @p0 $0x1  }
0x13: {  	[smem:$0x3FB9] =	sst s0;
	s0 =	simm.s32 @!p1 $0x0  }
0x14: {  	s2 =	sld [smem:$0x3F9D];
	s0 =	simm.s32 @p1 $0x1  }
0x15: {  	[smem:$0x3FBA] =	sst s0;
	s0 =	simm.s32 @!p2 $0x0  }
0x16: {  	s3 =	sld [smem:$0x3FDB];
	s0 =	simm.s32 @p2 $0x1  }
0x17: {  	s4 =	simm.s32 $0x1BF5;
	[smem:$0x3FBC] =	sst s0  }
0x18: {  	s0 =	sld [smem:$0x3F9F];
	_ =	swait.ge [sflag:s4], $0x0  }
0x19: {  	s7 =	sld [smem:$0x3FA0]  }
0x1a: {  	s8 =	sadd.s32 $0xFFFFE003, lr  }
0x1b: {  	s9 =	sadd.s32 $0xFFFFFEF7, lr;
	s5 =	simm.s32 $0xFFFFFFFF;
	p2 =	slt.u32 s8, $0xFFFFF086  }
0x1c: {  	p1 =	slt.u32 s9, $0xF7A;
	s5 =	simm.s32 @!p2 $0x0  }
0x1d: {  	s5 =	simm.s32 @p1 $0x1;
	p0 =	seq.s32 s7, s2  }
0x1e: {  	s7 =	smul.u32 @!p0 $0xF7A, s2;
	p2 =	seq.s32 @!p0 s5, $0x0  }
0x1f: {  	s9 =	smul.u32 $0xF7A, s1;
	s8 =	simm.s32 @!p0 $0x1BF5;
	p2 =	por !p2, p0  }
0x20: {  	[sflag:s8] =	ssyncset.s32 @!p0 $0xFFFFF086;
	s6 =	sadd.s32 @!p0 s3, s7;
	s7 =	simm.s32 @!p0 $0x108  }
0x21: {  	s3 =	sadd.s32 s3, s9;
	s6 =	sadd.s32 @!p0 $0x88, s6;
	s7 =	simm.s32 @p2 $0x1082  }
0x22: {  	[simem:s7], [sflag:s8] =	dma.local @!p0 [hbm:s6], $0xF7A  }
0x23: {  	s9 =	sor.u32 $0xD0000000, s2;
	s6 =	simm.s32 $0x108;
	_ =	swait.ge @!p0 [sflag:s8], $0x0  }
0x24: {  	s3 =	sadd.s32 $0x88, s3;
	s6 =	simm.s32 @!p1 $0x1082;
	[sflag:s4] =	ssyncset.s32 $0xFFFFF086  }
0x25: {  	[simem:s6], [sflag:s4] =	dma.local [hbm:s3], $0xF7A  }
0x26: {  	[smem:$0x3FA0] =	sst s1;
	(tag) =	ssettag s2;
	_ =	strace s9  }
0x27: {  	s1 =	sld [smem:$0x3FB0]  }
0x28: {  	s2 =	sld [smem:$0x3FB1]  }
0x29: {  	s4 =	sld [smem:$0x3FB3]  }
0x2a: {  	p0 =	seq.s32 s5, $0x0;
	s5 =	sld [smem:$0x3FB4]  }
0x2b: {  	s6 =	sld [smem:$0x3FB5]  }
0x2c: {  	s7 =	sld [smem:$0x3FB6]  }
0x2d: {  	s3 =	simm.s32 $0x108;
	s8 =	sld [smem:$0x3FB7]  }
0x2e: {  	s3 =	simm.s32 @!p0 $0x1082;
	s9 =	sld [smem:$0x3FB8]  }
0x2f: {  	lr =	sadd.s32 s0, s3;
	s0 =	sld [smem:$0x3FAF]  }
0x30: {  	s3 =	sld [smem:$0x3FB2]  }
0x31: {  	[smem:$0x3FBB] =	sst s10  }
0x32: {  	s10 =	sld [smem:$0x3FB9];
	_ =	sdelay $0x3  }
0x33: {  	p0 =	seq.s32 s10, $0x1;
	s10 =	sld [smem:$0x3FBB];
	_ =	sdelay $0x3  }
0x34: {  	[smem:$0x3FBB] =	sst s10  }
0x35: {  	s10 =	sld [smem:$0x3FBA];
	_ =	sdelay $0x3  }
0x36: {  	p1 =	seq.s32 s10, $0x1;
	s10 =	sld [smem:$0x3FBB];
	_ =	sdelay $0x3  }
0x37: {  	[smem:$0x3FBB] =	sst s10  }
0x38: {  	s10 =	sld [smem:$0x3FBC]  }
0x39: {  	_ = 	snop;
	(pc) =	sbr.ind lr, $3  }
0x3a: {  	_ = 	snop  }
0x3b: {  	_ = 	snop  }
0x3c: {  	p2 =	seq.s32 s10, $0x1;
	s10 =	sld [smem:$0x3FBB]  }
0x3d: {  	_ =	shalt  }
0x3e: {  	_ =	shalt  }
0x3f: {  	_ =	shalt  }
0x40: {  	_ =	shalt  }
0x41: {  	_ =	shalt  }
0x42: {  	_ =	shalt  }
0x43: {  	_ =	shalt  }
0x44: {  	_ =	shalt  }
0x45: {  	_ =	shalt  }
0x46: {  	_ =	shalt  }
0x47: {  	_ =	shalt  }
0x48: {  	_ =	shalt  }
0x49: {  	_ =	shalt  }
0x4a: {  	_ =	shalt  }
0x4b: {  	_ =	shalt  }
0x4c: {  	_ =	shalt  }
0x4d: {  	_ =	shalt  }
0x4e: {  	_ =	shalt  }
0x4f: {  	_ =	shalt  }
0x50: {  	_ =	shalt  }
0x51: {  	_ =	shalt  }
0x52: {  	_ =	shalt  }
0x53: {  	_ =	shalt  }
0x54: {  	_ =	shalt  }
0x55: {  	_ =	shalt  }
0x56: {  	_ =	shalt  }
0x57: {  	_ =	shalt  }
0x58: {  	_ =	shalt  }
0x59: {  	_ =	shalt  }
0x5a: {  	_ =	shalt  }
0x5b: {  	_ =	shalt  }
0x5c: {  	_ =	shalt  }
0x5d: {  	_ =	shalt  }
0x5e: {  	_ =	shalt  }
0x5f: {  	_ =	shalt  }
0x60: {  	_ =	shalt  }
0x61: {  	_ =	shalt  }
0x62: {  	_ =	shalt  }
0x63: {  	_ =	shalt  }
0x64: {  	_ =	shalt  }
0x65: {  	_ =	shalt  }
0x66: {  	_ =	shalt  }
0x67: {  	_ =	shalt  }
0x68: {  	_ =	shalt  }
0x69: {  	_ =	shalt  }
0x6a: {  	_ =	shalt  }
0x6b: {  	_ =	shalt  }
0x6c: {  	_ =	shalt  }
0x6d: {  	_ =	shalt  }
0x6e: {  	_ =	shalt  }
0x6f: {  	_ =	shalt  }
0x70: {  	_ =	shalt  }
0x71: {  	_ =	shalt  }
0x72: {  	_ =	shalt  }
0x73: {  	_ =	shalt  }
0x74: {  	_ =	shalt  }
0x75: {  	_ =	shalt  }
0x76: {  	_ =	shalt  }
0x77: {  	_ =	shalt  }
0x78: {  	_ =	shalt  }
0x79: {  	_ =	shalt  }
0x7a: {  	_ =	shalt  }
0x7b: {  	_ =	shalt  }
0x7c: {  	_ =	shalt  }
0x7d: {  	_ =	shalt  }
0x7e: {  	_ =	shalt  }
0x7f: {  	_ =	shalt  }
0x80: {  	_ =	shalt  }
0x81: {  	_ =	shalt  }
0x82: {  	_ =	shalt  }
0x83: {  	_ =	shalt  }
0x84: {  	_ =	shalt  }
0x85: {  	_ =	shalt  }
0x86: {  	_ =	shalt  }
0x87: {  	_ =	shalt  }
.Lfunc_end0:
.L_simem_size_0:
called_computation_lowered:
.L_overlay_start_0:
0x88: {  	s2 =	sld [smem:$0x3FD9]  }
0x89: {  	s3 =	sld [smem:$0x3FFE];
	_ =	sdelay $0x1  }
0x8a: {  	s1 =	srdreg.scid  }
0x8b: {  	s0 =	sand.u32 $0x1, s1  }
0x8c: {  	s14 =	sshll.u32 s0, $0xA;
	s2 =	sadd.s32 s3, s2  }
0x8d: {  	s2 =	sadd.s32 s2, s14  }
0x8e: {  	[smem:$0x3FC7] =	sst s2  }
0x8f: {  	_ = 	snop  }
0x90: {  	s2 =	sld [smem:$0x3FD0];
	_ =	sdelay $0x2  }
0x91: {  	s15 =	simm.s32 $0xA;
	s4 =	simm.s32 $0x10  }
0x92: {  	[smem:s4], [sflag:s15] =	dma.local [hbm:s2], $0x1  }
0x93: {  	_ =	swait.eq [sflag:s15], $0x1  }
0x94: {  	[sflag:s15] =	ssyncset.done $0x0  }
0x95: {  	s16 =	sld [smem:$0x11];
	[sflag:s15] =	ssyncadd.s32 $0xFFFFFFFF  }
0x96: {  	s17 =	sld [smem:$0x13];
	(tm) =	ssettm $0x1  }
0x97: {  	s18 =	sld [smem:$0x3FFB];
	_ =	sdelay $0x3  }
0x98: {  	_ =	strace s18  }
0x99: {  	s4 =	sld [smem:$0x3FFC];
	_ =	sdelay $0x3  }
0x9a: {  	_ =	strace s4  }
0x9b: {  	s4 =	sld [smem:$0x3FFD];
	_ =	sdelay $0x3  }
0x9c: {  	_ =	strace s4  }
0x9d: {  	_ =	strace $0x8FFFFFFF  }
0x9e: {  	s19 =	sld [smem:$0x3FDB];
	_ =	sdelay $0x1  }
0x9f: {  	s5 =	simm.s32 $_scs_section_size  }
0xa0: {  	s6 =	simm.s32 $_size__tile_overlayer_lowered;
	s7 =	simm.s32 $_tile_overlayer_lowered  }
0xa1: {  	s22 =	simm.s32 $0x1BFF;
	s21 =	sshll.u32 s7, $0x1;
	s4 =	sadd.s32 s5, s19  }
0xa2: {  	s8 =	simm.s32 $0x0;
	s20 =	sshll.u32 s6, $0x1;
	s6 =	sadd.s32 s21, s4  }
0xa3: {  	[timem:s8], [sflag:s22] =	dma.local [hbm:s6], s20  }
0xa4: {  	_ =	swait.ge [sflag:s22], s20  }
0xa5: {  	s5 =	ssub.s32 $0x0, s20;
	[sflag:s22] =	ssyncset.done $0x0  }
0xa6: {  	[sflag:s22] =	ssyncadd.s32 s5;
	_ =	sdelay $0x1  }
0xa7: {  	s23 =	simm.s32 $0x1B8B  }
0xa8: {  	_ =	swait.ge [sflag:s23], $0x1  }
0xa9: {  	[sflag:s23] =	ssyncset.done $0x0  }
0xaa: {  	s25 =	simm.s32 $0x1B8E;
	s24 =	sld [smem:$0x3FFE];
	[sflag:s23] =	ssyncadd.s32 $0xFFFFFFFF  }
0xab: {  	s26 =	simm.s32 $execute0_lowered;
	[smem:$0x3FD2] =	sst s25  }
0xac: {  	s6 =	sshll.u32 s26, $0x1;
	_ =	strace $0x80000046;
	[dreg:$0x1] =	wrdreg $0xFFFFFFFF  }
0xad: {  	s28 =	simm.s32 $_size_execute0_lowered;
	s4 =	sadd.s32 s4, s6;
	[dreg:$0x0] =	wrdreg $0x0  }
0xae: {  	s6 =	sshll.u32 s28, $0x1;
	[dreg:$0x2] =	wrdreg s4  }
0xaf: {  	[dreg:$0x3] =	wrdreg s6  }
0xb0: {  	[dreg:$0x4] =	wrdreg $0xC0  }
0xb1: {  	_ =	task [dreg:s8], $0x5FFFF  }
0xb2: {  	[dreg:$0x1] =	wrdreg $0xFFFFFFFF  }
0xb3: {  	[dreg:$0x0] =	wrdreg $0x60  }
0xb4: {  	[dreg:$0x2] =	wrdreg s24  }
0xb5: {  	[dreg:$0x3] =	wrdreg s17  }
0xb6: {  	[dreg:$0x4] =	wrdreg s16  }
0xb7: {  	[dreg:$0x5] =	wrdreg $0x9  }
0xb8: {  	_ =	task.clear_ibuf [dreg:s8], $0x6FFFF;
	_ =	strace $0x90000046  }
0xb9: {  	s29 =	simm.s32 $0x9;
	_ =	strace $0x80000048  }
0xba: {  	_ =	swait.ge [sflag:s29], $0x1  }
0xbb: {  	[sflag:s29] =	ssyncadd.s32 $0xFFFFFFFF  }
0xbc: {  	_ =	strace $0x90000048  }
0xbd: {  	_ =	sfence  }
0xbe: {  	s30 =	sld [smem:$0x0];
	_ =	sdelay $0x2  }
0xbf: {  	s31 =	sshll.u32 s1, $0xD;
	s1 =	sshrl.u32 s1, $0x2  }
0xc0: {  	s3 =	sand.u32 $0x4000, s31;
	s1 =	sadd.s32 s1, s30  }
0xc1: {  	s0 =	sor.u32 s3, s0;
	s1 =	sshll.u32 s1, $0x11  }
0xc2: {  	s0 =	sor.u32 s1, s0  }
0xc3: {  	s0 =	sadd.s32 $0x8F2B, s0  }
0xc4: {  	[sflag:s0] =	ssyncadd.remote.s32 $0x1  }
0xc5: {  	_ =	sfence.sel $0xFFFF  }
0xc6: {  	[dreg:$0x0] =	wrdreg $0xFFFFFFFF;
	(pc) =	sbr.abs _section_cstart, $3  }
0xc7: {  	[dreg:$0x1] =	wrdreg $0xFFFFFFFF  }
0xc8: {  	_ =	task.clear_ibuf [dreg:s8], $0x2FFFF;
	_ =	strace $0x9FFFFFFF  }
0xc9: {  	(tm) =	ssettm $0x7FFFFFFF  }
tec
execute0_lowered:
.L_overlay_start_1:
0x0: {  	(tag) =	ssettag $0x1  }
0x1: {  	s0 =	rddreg [dreg:$0x0]  }
0x2: {  	s1 =	rddreg [dreg:$0x1]  }
0x3: {  	s6 =	rddreg [dreg:$0x2]  }
0x4: {  	s2 =	simm.s32 $0x0;
	s3 =	srdreg.scid;
	s4 =	stileid.u32  }
0x5: {  	s10 =	simm.s32 $0x80;
	s17 =	simm.s32 $0x1;
	s9 =	simm.s32 $0xC800  }
0x6: {  	s11 =	simm.s32 $0xC00;
	s12 =	simm.s32 $0xD000;
	s13 =	simm.s32 $0xC80  }
0x7: {  	s14 =	simm.s32 $0xD800;
	s15 =	simm.s32 $0xD00;
	s16 =	simm.s32 $0xE000  }
0x8: {  	s18 =	simm.s32 $0xD80;
	s19 =	simm.s32 $0xE800;
	s20 =	simm.s32 $0xE00  }
0x9: {  	s21 =	simm.s32 $0xF000;
	s22 =	simm.s32 $0xE80;
	s23 =	simm.s32 $0xF800  }
0xa: {  	s24 =	simm.s32 $0xF00;
	s28 =	simm.s32 $0x10800;
	s29 =	simm.s32 $0x1000  }
0xb: {  	[smem:$0x7FF] =	sst s2;
	s3 =	sand.u32 $0x1, s3;
	s4 =	sshll.u32 s4, $0x1  }
0xc: {  	s30 =	simm.s32 $0x0;
	_ =	strace $0x80000047;
	s7 =	sor.u32 s3, s4  }
0xd: {  	s25 =	ssub.s32 $0x2, s3;
	s3 =	sadd.s32 $0x2C00, s0;
	s5 =	sshll.u32 s7, $0x8  }
0xe: {  	s8 =	sshrl.u32 s25, $0x1;
	s26 =	sshll.u32 s7, $0x9;
	s31 =	sshll.u32 s7, $0xD  }
0xf: {  	s0 =	sadd.s32 s5, s0;
	s8 =	ssub.s32 s25, s8;
	s4 =	sadd.s32 s1, s26  }
0x10: {  	s6 =	sadd.s32 s6, s31;
	s25 =	simm.s32 $0x10000;
	s26 =	simm.s32 $0xF80  }
0x11: {  	s5 =	sadd.s32 $0xC00, s0;
	s7 =	smax.u32 s8, $0x1;
	s8 =	simm.s32 $0x2  }
.LBB2_1:
0x12: {  	[tilespmem:s2], [sflag:$0x2] =	stream.linear.gather [hbm4b:s4+s2], $0x1000, $0x38;
	[tilespmem:$0x11800] =	vst v63  }
0x13: {  	_ =	swait.ge [sflag:s8], $0x1000  }
0x14: {  	[sflag:s8] =	ssyncset.done $0x0  }
0x15: {  	s0 =	simm.s32 $0x11000;
	[sflag:s8] =	ssyncadd.s32 $0xFFFFF000  }
0x16: {  	[tilespmem:s0], [sflag:$0x2] =	stream.linear.gather [hbm4b:s5+s2], $0x800, $0x38;
	[tilespmem:$0x11800] =	vst v63  }
0x17: {  	_ =	swait.ge [sflag:s8], $0x800  }
0x18: {  	[sflag:s8] =	ssyncset.done $0x0  }
0x19: {  	[sflag:s8] =	ssyncadd.s32 $0xFFFFF800  }
0x1a: {  	[tilespmem:s29], [sflag:$0x1] =	stream.indirect.gather [hbm4b:s3+s10], $0x10, s2, s10, $0xb8;
	[tilespmem:$0x11800] =	vst v63  }
0x1b: {  	s1 =	simm.s32 $0x1800  }
0x1c: {  	[tilespmem:s1], [sflag:$0x1] =	stream.indirect.gather [hbm4b:s3+s10], $0x10, s10, s10, $0xb8;
	[tilespmem:$0x11800] =	vst v63  }
0x1d: {  	s0 =	simm.s32 $0x100;
	s1 =	simm.s32 $0x2000  }
0x1e: {  	[tilespmem:s1], [sflag:$0x1] =	stream.indirect.gather [hbm4b:s3+s10], $0x10, s0, s10, $0xb8;
	[tilespmem:$0x11800] =	vst v63  }
0x1f: {  	s0 =	simm.s32 $0x180;
	s1 =	simm.s32 $0x2800  }
0x20: {  	[tilespmem:s1], [sflag:$0x1] =	stream.indirect.gather [hbm4b:s3+s10], $0x10, s0, s10, $0xb8;
	[tilespmem:$0x11800] =	vst v63  }
0x21: {  	s0 =	simm.s32 $0x200;
	s1 =	simm.s32 $0x3000  }
0x22: {  	[tilespmem:s1], [sflag:$0x1] =	stream.indirect.gather [hbm4b:s3+s10], $0x10, s0, s10, $0xb8;
	[tilespmem:$0x11800] =	vst v63  }
0x23: {  	s0 =	simm.s32 $0x280;
	s1 =	simm.s32 $0x3800  }
0x24: {  	[tilespmem:s1], [sflag:$0x1] =	stream.indirect.gather [hbm4b:s3+s10], $0x10, s0, s10, $0xb8;
	[tilespmem:$0x11800] =	vst v63  }
0x25: {  	s0 =	simm.s32 $0x300;
	s1 =	simm.s32 $0x4000  }
0x26: {  	[tilespmem:s1], [sflag:$0x1] =	stream.indirect.gather [hbm4b:s3+s10], $0x10, s0, s10, $0xb8;
	[tilespmem:$0x11800] =	vst v63  }
0x27: {  	s0 =	simm.s32 $0x380;
	s1 =	simm.s32 $0x4800  }
0x28: {  	[tilespmem:s1], [sflag:$0x1] =	stream.indirect.gather [hbm4b:s3+s10], $0x10, s0, s10, $0xb8;
	[tilespmem:$0x11800] =	vst v63  }
0x29: {  	s0 =	simm.s32 $0x400;
	s1 =	simm.s32 $0x5000  }
0x2a: {  	[tilespmem:s1], [sflag:$0x1] =	stream.indirect.gather [hbm4b:s3+s10], $0x10, s0, s10, $0xb8;
	[tilespmem:$0x11800] =	vst v63  }
0x2b: {  	s0 =	simm.s32 $0x480;
	s1 =	simm.s32 $0x5800  }
0x2c: {  	[tilespmem:s1], [sflag:$0x1] =	stream.indirect.gather [hbm4b:s3+s10], $0x10, s0, s10, $0xb8;
	[tilespmem:$0x11800] =	vst v63  }
0x2d: {  	s0 =	simm.s32 $0x500;
	s1 =	simm.s32 $0x6000  }
0x2e: {  	[tilespmem:s1], [sflag:$0x1] =	stream.indirect.gather [hbm4b:s3+s10], $0x10, s0, s10, $0xb8;
	[tilespmem:$0x11800] =	vst v63  }
0x2f: {  	s0 =	simm.s32 $0x580;
	s1 =	simm.s32 $0x6800  }
0x30: {  	[tilespmem:s1], [sflag:$0x1] =	stream.indirect.gather [hbm4b:s3+s10], $0x10, s0, s10, $0xb8;
	[tilespmem:$0x11800] =	vst v63  }
0x31: {  	s0 =	simm.s32 $0x600;
	s1 =	simm.s32 $0x7000  }
0x32: {  	[tilespmem:s1], [sflag:$0x1] =	stream.indirect.gather [hbm4b:s3+s10], $0x10, s0, s10, $0xb8;
	[tilespmem:$0x11800] =	vst v63  }
0x33: {  	s0 =	simm.s32 $0x680;
	s1 =	simm.s32 $0x7800  }
0x34: {  	[tilespmem:s1], [sflag:$0x1] =	stream.indirect.gather [hbm4b:s3+s10], $0x10, s0, s10, $0xb8;
	[tilespmem:$0x11800] =	vst v63  }
0x35: {  	s0 =	simm.s32 $0x700;
	s1 =	simm.s32 $0x8000  }
0x36: {  	[tilespmem:s1], [sflag:$0x1] =	stream.indirect.gather [hbm4b:s3+s10], $0x10, s0, s10, $0xb8;
	[tilespmem:$0x11800] =	vst v63  }
0x37: {  	s0 =	simm.s32 $0x780;
	s1 =	simm.s32 $0x8800  }
0x38: {  	[tilespmem:s1], [sflag:$0x1] =	stream.indirect.gather [hbm4b:s3+s10], $0x10, s0, s10, $0xb8;
	[tilespmem:$0x11800] =	vst v63  }
0x39: {  	_ =	swait.ge [sflag:s17], $0x800  }
0x3a: {  	[sflag:s17] =	ssyncset.done $0x0  }
0x3b: {  	[sflag:s17] =	ssyncadd.s32 $0xFFFFF800  }
0x3c: {  	_ =	swait.ge [sflag:s17], $0x800  }
0x3d: {  	[sflag:s17] =	ssyncset.done $0x0  }
0x3e: {  	[sflag:s17] =	ssyncadd.s32 $0xFFFFF800  }
0x3f: {  	_ =	swait.ge [sflag:s17], $0x800  }
0x40: {  	[sflag:s17] =	ssyncset.done $0x0  }
0x41: {  	[sflag:s17] =	ssyncadd.s32 $0xFFFFF800  }
0x42: {  	_ =	swait.ge [sflag:s17], $0x800  }
0x43: {  	[sflag:s17] =	ssyncset.done $0x0  }
0x44: {  	[sflag:s17] =	ssyncadd.s32 $0xFFFFF800  }
0x45: {  	_ =	swait.ge [sflag:s17], $0x800  }
0x46: {  	[sflag:s17] =	ssyncset.done $0x0  }
0x47: {  	[sflag:s17] =	ssyncadd.s32 $0xFFFFF800  }
0x48: {  	_ =	swait.ge [sflag:s17], $0x800  }
0x49: {  	[sflag:s17] =	ssyncset.done $0x0  }
0x4a: {  	[sflag:s17] =	ssyncadd.s32 $0xFFFFF800  }
0x4b: {  	_ =	swait.ge [sflag:s17], $0x800  }
0x4c: {  	[sflag:s17] =	ssyncset.done $0x0  }
0x4d: {  	[sflag:s17] =	ssyncadd.s32 $0xFFFFF800  }
0x4e: {  	_ =	swait.ge [sflag:s17], $0x800  }
0x4f: {  	[sflag:s17] =	ssyncset.done $0x0  }
0x50: {  	[sflag:s17] =	ssyncadd.s32 $0xFFFFF800  }
0x51: {  	_ =	swait.ge [sflag:s17], $0x800  }
0x52: {  	[sflag:s17] =	ssyncset.done $0x0  }
0x53: {  	[sflag:s17] =	ssyncadd.s32 $0xFFFFF800  }
0x54: {  	_ =	swait.ge [sflag:s17], $0x800  }
0x55: {  	[sflag:s17] =	ssyncset.done $0x0  }
0x56: {  	[sflag:s17] =	ssyncadd.s32 $0xFFFFF800  }
0x57: {  	_ =	swait.ge [sflag:s17], $0x800  }
0x58: {  	[sflag:s17] =	ssyncset.done $0x0  }
0x59: {  	[sflag:s17] =	ssyncadd.s32 $0xFFFFF800  }
0x5a: {  	_ =	swait.ge [sflag:s17], $0x800  }
0x5b: {  	[sflag:s17] =	ssyncset.done $0x0  }
0x5c: {  	[sflag:s17] =	ssyncadd.s32 $0xFFFFF800  }
0x5d: {  	_ =	swait.ge [sflag:s17], $0x800  }
0x5e: {  	[sflag:s17] =	ssyncset.done $0x0  }
0x5f: {  	[sflag:s17] =	ssyncadd.s32 $0xFFFFF800  }
0x60: {  	_ =	swait.ge [sflag:s17], $0x800  }
0x61: {  	[sflag:s17] =	ssyncset.done $0x0  }
0x62: {  	[sflag:s17] =	ssyncadd.s32 $0xFFFFF800  }
0x63: {  	_ =	swait.ge [sflag:s17], $0x800  }
0x64: {  	[sflag:s17] =	ssyncset.done $0x0  }
0x65: {  	[sflag:s17] =	ssyncadd.s32 $0xFFFFF800  }
0x66: {  	_ =	swait.ge [sflag:s17], $0x800  }
0x67: {  	[sflag:s17] =	ssyncset.done $0x0  }
0x68: {  	s0 =	simm.s32 $0x800;
	s1 =	simm.s32 $0x9000;
	[sflag:s17] =	ssyncadd.s32 $0xFFFFF800  }
0x69: {  	[tilespmem:s1], [sflag:$0x1] =	stream.indirect.gather [hbm4b:s3+s10], $0x10, s0, s10, $0xb8;
	[tilespmem:$0x11800] =	vst v63  }
0x6a: {  	s0 =	simm.s32 $0x880;
	s1 =	simm.s32 $0x9800  }
0x6b: {  	[tilespmem:s1], [sflag:$0x1] =	stream.indirect.gather [hbm4b:s3+s10], $0x10, s0, s10, $0xb8;
	[tilespmem:$0x11800] =	vst v63  }
0x6c: {  	s0 =	simm.s32 $0x900;
	s1 =	simm.s32 $0xA000  }
0x6d: {  	[tilespmem:s1], [sflag:$0x1] =	stream.indirect.gather [hbm4b:s3+s10], $0x10, s0, s10, $0xb8;
	[tilespmem:$0x11800] =	vst v63  }
0x6e: {  	s0 =	simm.s32 $0x980;
	s1 =	simm.s32 $0xA800  }
0x6f: {  	[tilespmem:s1], [sflag:$0x1] =	stream.indirect.gather [hbm4b:s3+s10], $0x10, s0, s10, $0xb8;
	[tilespmem:$0x11800] =	vst v63  }
0x70: {  	s0 =	simm.s32 $0xA00;
	s1 =	simm.s32 $0xB000  }
0x71: {  	[tilespmem:s1], [sflag:$0x1] =	stream.indirect.gather [hbm4b:s3+s10], $0x10, s0, s10, $0xb8;
	[tilespmem:$0x11800] =	vst v63  }
0x72: {  	s0 =	simm.s32 $0xA80;
	s1 =	simm.s32 $0xB800  }
0x73: {  	[tilespmem:s1], [sflag:$0x1] =	stream.indirect.gather [hbm4b:s3+s10], $0x10, s0, s10, $0xb8;
	[tilespmem:$0x11800] =	vst v63  }
0x74: {  	s0 =	simm.s32 $0xB00;
	s1 =	simm.s32 $0xC000  }
0x75: {  	[tilespmem:s1], [sflag:$0x1] =	stream.indirect.gather [hbm4b:s3+s10], $0x10, s0, s10, $0xb8;
	[tilespmem:$0x11800] =	vst v63  }
0x76: {  	s1 =	simm.s32 $0xB80  }
0x77: {  	[tilespmem:s9], [sflag:$0x1] =	stream.indirect.gather [hbm4b:s3+s10], $0x10, s1, s10, $0xb8;
	[tilespmem:$0x11800] =	vst v63  }
0x78: {  	_ = 	snop  }
0x79: {  	[tilespmem:s12], [sflag:$0x1] =	stream.indirect.gather [hbm4b:s3+s10], $0x10, s11, s10, $0xb8;
	[tilespmem:$0x11800] =	vst v63  }
0x7a: {  	_ = 	snop  }
0x7b: {  	[tilespmem:s14], [sflag:$0x1] =	stream.indirect.gather [hbm4b:s3+s10], $0x10, s13, s10, $0xb8;
	[tilespmem:$0x11800] =	vst v63  }
0x7c: {  	_ = 	snop  }
0x7d: {  	[tilespmem:s16], [sflag:$0x1] =	stream.indirect.gather [hbm4b:s3+s10], $0x10, s15, s10, $0xb8;
	[tilespmem:$0x11800] =	vst v63  }
0x7e: {  	_ = 	snop  }
0x7f: {  	[tilespmem:s19], [sflag:$0x1] =	stream.indirect.gather [hbm4b:s3+s10], $0x10, s18, s10, $0xb8;
	[tilespmem:$0x11800] =	vst v63  }
0x80: {  	_ = 	snop  }
0x81: {  	[tilespmem:s21], [sflag:$0x1] =	stream.indirect.gather [hbm4b:s3+s10], $0x10, s20, s10, $0xb8;
	[tilespmem:$0x11800] =	vst v63  }
0x82: {  	_ = 	snop  }
0x83: {  	[tilespmem:s23], [sflag:$0x1] =	stream.indirect.gather [hbm4b:s3+s10], $0x10, s22, s10, $0xb8;
	[tilespmem:$0x11800] =	vst v63  }
0x84: {  	_ = 	snop  }
0x85: {  	[tilespmem:s25], [sflag:$0x1] =	stream.indirect.gather [hbm4b:s3+s10], $0x10, s24, s10, $0xb8;
	[tilespmem:$0x11800] =	vst v63  }
0x86: {  	_ = 	snop  }
0x87: {  	[tilespmem:s28], [sflag:$0x1] =	stream.indirect.gather [hbm4b:s3+s10], $0x10, s26, s10, $0xb8;
	[tilespmem:$0x11800] =	vst v63  }
0x88: {  	_ =	swait.ge [sflag:s17], $0x800  }
0x89: {  	[sflag:s17] =	ssyncset.done $0x0  }
0x8a: {  	[sflag:s17] =	ssyncadd.s32 $0xFFFFF800  }
0x8b: {  	_ =	swait.ge [sflag:s17], $0x800  }
0x8c: {  	[sflag:s17] =	ssyncset.done $0x0  }
0x8d: {  	[sflag:s17] =	ssyncadd.s32 $0xFFFFF800  }
0x8e: {  	_ =	swait.ge [sflag:s17], $0x800  }
0x8f: {  	[sflag:s17] =	ssyncset.done $0x0  }
0x90: {  	[sflag:s17] =	ssyncadd.s32 $0xFFFFF800  }
0x91: {  	_ =	swait.ge [sflag:s17], $0x800  }
0x92: {  	[sflag:s17] =	ssyncset.done $0x0  }
0x93: {  	[sflag:s17] =	ssyncadd.s32 $0xFFFFF800  }
0x94: {  	_ =	swait.ge [sflag:s17], $0x800  }
0x95: {  	[sflag:s17] =	ssyncset.done $0x0  }
0x96: {  	[sflag:s17] =	ssyncadd.s32 $0xFFFFF800  }
0x97: {  	_ =	swait.ge [sflag:s17], $0x800  }
0x98: {  	[sflag:s17] =	ssyncset.done $0x0  }
0x99: {  	[sflag:s17] =	ssyncadd.s32 $0xFFFFF800  }
0x9a: {  	_ =	swait.ge [sflag:s17], $0x800  }
0x9b: {  	[sflag:s17] =	ssyncset.done $0x0  }
0x9c: {  	[sflag:s17] =	ssyncadd.s32 $0xFFFFF800  }
0x9d: {  	_ =	swait.ge [sflag:s17], $0x800  }
0x9e: {  	[sflag:s17] =	ssyncset.done $0x0  }
0x9f: {  	[sflag:s17] =	ssyncadd.s32 $0xFFFFF800  }
0xa0: {  	_ =	swait.ge [sflag:s17], $0x800  }
0xa1: {  	[sflag:s17] =	ssyncset.done $0x0  }
0xa2: {  	[sflag:s17] =	ssyncadd.s32 $0xFFFFF800  }
0xa3: {  	_ =	swait.ge [sflag:s17], $0x800  }
0xa4: {  	[sflag:s17] =	ssyncset.done $0x0  }
0xa5: {  	[sflag:s17] =	ssyncadd.s32 $0xFFFFF800  }
0xa6: {  	_ =	swait.ge [sflag:s17], $0x800  }
0xa7: {  	[sflag:s17] =	ssyncset.done $0x0  }
0xa8: {  	[sflag:s17] =	ssyncadd.s32 $0xFFFFF800  }
0xa9: {  	_ =	swait.ge [sflag:s17], $0x800  }
0xaa: {  	[sflag:s17] =	ssyncset.done $0x0  }
0xab: {  	[sflag:s17] =	ssyncadd.s32 $0xFFFFF800  }
0xac: {  	_ =	swait.ge [sflag:s17], $0x800  }
0xad: {  	[sflag:s17] =	ssyncset.done $0x0  }
0xae: {  	[sflag:s17] =	ssyncadd.s32 $0xFFFFF800  }
0xaf: {  	_ =	swait.ge [sflag:s17], $0x800  }
0xb0: {  	[sflag:s17] =	ssyncset.done $0x0  }
0xb1: {  	[sflag:s17] =	ssyncadd.s32 $0xFFFFF800  }
0xb2: {  	_ =	swait.ge [sflag:s17], $0x800  }
0xb3: {  	[sflag:s17] =	ssyncset.done $0x0  }
0xb4: {  	[sflag:s17] =	ssyncadd.s32 $0xFFFFF800  }
0xb5: {  	_ =	swait.ge [sflag:s17], $0x800  }
0xb6: {  	s31 =	simm.s32 $0x1000;
	[sflag:s17] =	ssyncset.done $0x0  }
0xb7: {  	s0 =	simm.s32 $0x1;
	s1 =	simm.s32 $0x0;
	[sflag:s17] =	ssyncadd.s32 $0xFFFFF800  }
.LBB2_2:
0xb8: {  	p0 =	sne.s32 s0, $0xFFF;
	s1 =	sand.u32 $0x7F0, s1;
	v0 =	vld [tilespmem:s31+$0x0]  }
0xb9: {  	v1 =	vld [tilespmem:s1+$0x11000];
	_ =	sdelay $0x2  }
.Ltmp0:
0xba: {  	(pc) =	sbr.rel @p0 .LBB2_2-.Ltmp0, $3  }
0xbb: {  	_ = 	snop  }
0xbc: {  	v0 =	vsub.f32 v0, v1;
	_ =	sdelay $0x1  }
0xbd: {  	s1 =	sshrl.u32 s0, $0x1;
	s0 =	sadd.s32 $0x1, s0;
	[tilespmem:s31+$0x0] =	vst v0;
	s31 =	sadd.s32 $0x10, s31  }
0xbe: {  	s0 =	sand.u32 $0x7F0, s1;
	v0 =	vld [tilespmem:s31+$0x0]  }
0xbf: {  	v1 =	vld [tilespmem:s0+$0x11000];
	_ =	sdelay $0x4  }
0xc0: {  	s30 =	sadd.s32 $0x1, s30;
	v0 =	vsub.f32 v0, v1  }
0xc1: {  	p0 =	sne.s32 s30, s7  }
.Ltmp1:
0xc2: {  	[tilespmem:s31+$0x0] =	vst v0;
	(pc) =	sbr.rel @p0 .LBB2_1-.Ltmp1, $4  }
0xc3: {  	[hbm4b:s6+s2] =	stream.linear.scatter [tilespmem:s29], [sflag:$0x2], $0x10000, $0x38;
	[tilespmem:$0x11800] =	vst v63  }
0xc4: {  	_ =	swait.ge [sflag:s8], $0x10000  }
0xc5: {  	[sflag:s8] =	ssyncset.done $0x0  }
0xc6: {  	[sflag:s8] =	ssyncadd.s32 $0xFFFF0000  }
0xc7: {  	_ =	sfence.sel $0x180000  }
0xc8: {  	[bflag:$0x0] =	sbarrier.arrive $0xFFFF  }
0xc9: {  	_ =	strace $0x90000047  }
0xca: {  	s0 =	stileid.u32;
	[bflag:$0x2] =	sbarrier.arrive $0xFFFF  }
0xcb: {  	p0 =	sne.s32 s0, $0x0;
	s0 =	rddreg [dreg:$0x3]  }
0xcc: {  	s0 =	sadd.s32 @!p0 $0x100000, s0  }
0xcd: {  	[sflag:s0] =	ssyncadd.tile.s32 @!p0 $0x1;
	_ =	shalt  }
.Lfunc_end2:
_tile_overlayer_lowered:
.L_overlay_start_2:
0xce: {  	(tag) =	ssettag $0x2  }
0xcf: {  	s0 =	rddreg [dreg:$0x0];
	s2 =	stileid.u32  }
0xd0: {  	s1 =	rddreg [dreg:$0x1];
	p0 =	sne.s32 s2, $0x0  }
0xd1: {  	s3 =	rddreg [dreg:$0x2];
	[bflag:$0x3] =	sbarrier.arrive $0xFFFF;
	s2 =	simm.s32 @!p0 $0x1C02  }
0xd2: {  	[timem:s3], [sflag:s2] =	dma.local @!p0 [hbm:s0], s1  }
0xd3: {  	s0 =	simm.s32 @!p0 $0x2  }
0xd4: {  	_ =	swait.ge @!p0 [sflag:s0], s1  }
0xd5: {  	s1 =	ssub.s32 @!p0 $0x0, s1;
	[sflag:s0] =	ssyncset.done @!p0 $0x0  }
0xd6: {  	[sflag:s0] =	ssyncadd.s32 @!p0 s1  }
0xd7: {  	[bflag:$0x3] =	sbarrier.arrive $0xFFFF  }
0xd8: {  	_ =	shalt  }

</sc_bundles>
